<compile_context>
chip_gen: v7x
topology: tpu7x:2x2x1
jax: 0.10.2.dev20260603
libtpu: 0.0.44.dev20260713+nightly
codegen_flags: <defaults>
</compile_context>

<pallas_src>
import functools

import jax
import jax.numpy as jnp
from jax import lax
from jax.experimental import pallas as pl
from jax.experimental.pallas import tpu as pltpu
from jax.experimental.pallas import tpu_sc as plsc

_N = 10000
_E = 320000
_DE = 16
_DN = 128
_NC = 2
_NS = 16
_NP = 10240
_ER = _E // 128
_CRC = 1248
_CR = 208
_NCH = _CRC // _CR
_TR = _ER - _NC * _CRC


def _sc_segment_partials(col2, eat3):
    mesh = plsc.VectorSubcoreMesh(core_axis_name="c", subcore_axis_name="s")

    @functools.partial(
        pl.kernel,
        out_type=jax.ShapeDtypeStruct((_NC, _NS, _NP), jnp.float32),
        mesh=mesh,
        scratch_types=[
            pltpu.VMEM((2, _CR, 128), jnp.int32),
            pltpu.VMEM((2, _CR, 128), jnp.float32),
            pltpu.VMEM((_NP,), jnp.float32),
            pltpu.SemaphoreType.DMA,
            pltpu.SemaphoreType.DMA,
        ],
        compiler_params=pltpu.CompilerParams(
            needs_layout_passes=False, use_tc_tiling_on_sc=False),
    )
    def run(col_hbm, val_hbm, out_hbm, idx_v, val_v, acc, ld_sem0, ld_sem1):
        cid = lax.axis_index("c")
        sid = lax.axis_index("s")

        def fire(ch, buf):
            row0 = cid * _CRC + ch * _CR
            sem = ld_sem0 if buf == 0 else ld_sem1
            ld_i = pltpu.async_copy(col_hbm.at[pl.ds(row0, _CR), 1, :],
                                    idx_v.at[buf], sem)
            ld_v = pltpu.async_copy(
                val_hbm.at[sid // 8, pl.ds(row0, _CR), sid % 8, :],
                val_v.at[buf], sem)
            return ld_i, ld_v

        def make_row_body(buf):
            def row_body(r):
                for c in range(8):
                    iv = idx_v[buf, r, pl.ds(c * 16, 16)]
                    vv = val_v[buf, r, pl.ds(c * 16, 16)]
                    plsc.addupdate_scatter(acc, [iv], vv)
            return row_body

        pending = fire(0, 0)

        @plsc.parallel_loop(0, _NP // 16, 1, unroll=8)
        def zero_body(i):
            acc[pl.ds(i * 16, 16)] = jnp.zeros((16,), jnp.float32)

        for ch in range(_NCH):
            buf = ch % 2
            ld_i, ld_v = pending
            if ch + 1 < _NCH:
                nxt = fire(ch + 1, (ch + 1) % 2)
            ld_i.wait()
            ld_v.wait()
            if ch + 1 < _NCH:
                pending = nxt
            plsc.parallel_loop(0, _CR, 1, unroll=4)(make_row_body(buf))

        @pl.when(cid == _NC - 1)
        def _tail():
            ld_i = pltpu.async_copy(col_hbm.at[pl.ds(_NC * _CRC, _TR), 1, :],
                                    idx_v.at[0, pl.ds(0, _TR), :], ld_sem0)
            ld_v = pltpu.async_copy(
                val_hbm.at[sid // 8, pl.ds(_NC * _CRC, _TR), sid % 8, :],
                val_v.at[0, pl.ds(0, _TR), :], ld_sem0)
            ld_i.wait()
            ld_v.wait()
            plsc.parallel_loop(0, _TR, 1)(make_row_body(0))

        pltpu.sync_copy(acc, out_hbm.at[cid, sid])

    return run(col2, eat3)


_BN = 1024


def _mlp_body(x_ref, p_ref, w1x_ref, w1a_ref, b1_ref, w2_ref, b2_ref,
              w3_ref, b3_ref, g_ref, be_ref, o_ref):
    xb = x_ref[...]
    aggt = p_ref[0] + p_ref[1]
    h = jnp.dot(xb, w1x_ref[...], preferred_element_type=jnp.float32)
    h = h + lax.dot_general(aggt, w1a_ref[...], (((0,), (0,)), ((), ())),
                            preferred_element_type=jnp.float32)
    h = jnp.maximum(h + b1_ref[...], 0.0)
    h = jnp.maximum(
        jnp.dot(h, w2_ref[...], preferred_element_type=jnp.float32) + b2_ref[...],
        0.0)
    h = jnp.dot(h, w3_ref[...], preferred_element_type=jnp.float32) + b3_ref[...]
    mu = jnp.mean(h, axis=-1, keepdims=True)
    d = h - mu
    var = jnp.mean(d * d, axis=-1, keepdims=True)
    hn = d * lax.rsqrt(var + 1e-5) * g_ref[...] + be_ref[...]
    o_ref[...] = hn + xb


def _tc_mlp(x, parts, w1x, w1a, b1, W2, b2, W3, b3, g, be):
    full = lambda i: (0, 0)
    return pl.pallas_call(
        _mlp_body,
        grid=(pl.cdiv(_N, _BN),),
        in_specs=[
            pl.BlockSpec((_BN, _DN), lambda i: (i, 0)),
            pl.BlockSpec((_NC, _NS, _BN), lambda i: (0, 0, i)),
            pl.BlockSpec((_DN, _DN), full),
            pl.BlockSpec((_DE, _DN), full),
            pl.BlockSpec((1, _DN), full),
            pl.BlockSpec((_DN, _DN), full),
            pl.BlockSpec((1, _DN), full),
            pl.BlockSpec((_DN, _DN), full),
            pl.BlockSpec((1, _DN), full),
            pl.BlockSpec((1, _DN), full),
            pl.BlockSpec((1, _DN), full),
        ],
        out_specs=pl.BlockSpec((_BN, _DN), lambda i: (i, 0)),
        out_shape=jax.ShapeDtypeStruct((_N, _DN), jnp.float32),
    )(x, parts, w1x, w1a, b1, W2, b2, W3, b3, g, be)


def kernel(x, edge_index, edge_attr, W1, b1, W2, b2, W3, b3, ln_gamma, ln_beta):
    ei3 = edge_index.reshape(2, _E // 128, 128).transpose(1, 0, 2)
    eat4 = edge_attr.reshape(_E // 128, 128, 2, 8).transpose(2, 0, 3, 1)
    parts = _sc_segment_partials(ei3, eat4)
    return _tc_mlp(
        x, parts, W1[:_DN], W1[_DN:], b1.reshape(1, -1), W2, b2.reshape(1, -1),
        W3, b3.reshape(1, -1), ln_gamma.reshape(1, -1), ln_beta.reshape(1, -1))

# --- scband reference (transcript-rebuilt; emitter-appended) ---
"""Pipeline reference for scband-node-processor-31877247271255 (READ-ONLY COPY).

The authoritative reference and input builder live on the scoring server;
editing this copy changes nothing except your own understanding.
"""

import jax, jax.numpy as jnp
import numpy as np

N = 10000
E = 320000
D_NODE = 128
D_EDGE = 16
HIDDEN = 128


def setup_inputs(seed: int = 0) -> dict:
    key = jax.random.key(seed)
    ks = jax.random.split(key, 12)
    x = jax.random.normal(ks[0], (N, D_NODE), dtype=jnp.float32)
    edge_index = jax.random.randint(ks[1], (2, E), 0, N, dtype=jnp.int32)
    edge_attr = jax.random.normal(ks[2], (E, D_EDGE), dtype=jnp.float32)
    in_dim = D_NODE + D_EDGE
    # MLP params: Linear(in,H) -> ReLU -> Linear(H,H) -> ReLU -> Linear(H,D_NODE) -> LayerNorm(D_NODE)
    W1 = jax.random.normal(ks[3], (in_dim, HIDDEN), dtype=jnp.float32) / np.sqrt(in_dim)
    b1 = jnp.zeros((HIDDEN,), dtype=jnp.float32)
    W2 = jax.random.normal(ks[4], (HIDDEN, HIDDEN), dtype=jnp.float32) / np.sqrt(HIDDEN)
    b2 = jnp.zeros((HIDDEN,), dtype=jnp.float32)
    W3 = jax.random.normal(ks[5], (HIDDEN, D_NODE), dtype=jnp.float32) / np.sqrt(HIDDEN)
    b3 = jnp.zeros((D_NODE,), dtype=jnp.float32)
    ln_gamma = jnp.ones((D_NODE,), dtype=jnp.float32)
    ln_beta = jnp.zeros((D_NODE,), dtype=jnp.float32)
    return {
        "x": x,
        "edge_index": edge_index,
        "edge_attr": edge_attr,
        "W1": W1, "b1": b1,
        "W2": W2, "b2": b2,
        "W3": W3, "b3": b3,
        "ln_gamma": ln_gamma, "ln_beta": ln_beta,
    }


def _layer_norm(h, gamma, beta, eps=1e-5):
    mu = jnp.mean(h, axis=-1, keepdims=True)
    var = jnp.mean((h - mu) ** 2, axis=-1, keepdims=True)
    return (h - mu) / jnp.sqrt(var + eps) * gamma + beta


def reference(x, edge_index, edge_attr, W1, b1, W2, b2, W3, b3, ln_gamma, ln_beta):
    # _, col = edge_index
    col = edge_index[1]
    # out = scatter_sum(edge_attr, col, dim=0) over destination nodes
    agg = jax.ops.segment_sum(edge_attr, col, num_segments=x.shape[0])
    # out = torch.cat([x, out], dim=-1)
    h = jnp.concatenate([x, agg], axis=-1)
    # MLP with 2 hidden layers, ReLU activation, LayerNorm on output
    h = jax.nn.relu(h @ W1 + b1)
    h = jax.nn.relu(h @ W2 + b2)
    h = h @ W3 + b3
    h = _layer_norm(h, ln_gamma, ln_beta)
    # residual: out += x
    return h + x

if __name__ == "__main__":
    import jax
    _d = setup_inputs()
    print(jax.jit(kernel)(*tuple(_d.values())))

</pallas_src>

<mosaic_0001>
#map = affine_map<(d0, d1) -> (0, 0, 0)>
#map1 = affine_map<(d0, d1) -> (0, 0, 0, 0)>
module attributes {stable_mosaic.version = 14 : i64} {
  func.func @run(%arg0: i32, %arg1: i32, %arg2: memref<2500x2x128xi32, #tpu.memory_space<hbm>>, %arg3: memref<2x2500x8x128xf32, #tpu.memory_space<hbm>>, %arg4: memref<2x16x10240xf32, #tpu.memory_space<hbm>>, %arg5: memref<2x208x128xi32, #tpu.memory_space<vmem>>, %arg6: memref<2x208x128xf32, #tpu.memory_space<vmem>>, %arg7: memref<10240xf32, #tpu.memory_space<vmem>>, %arg8: memref<!tpu.dma_semaphore, #tpu.memory_space<semaphore_mem>>, %arg9: memref<!tpu.dma_semaphore, #tpu.memory_space<semaphore_mem>>) attributes {dimension_semantics = [#tpu.dimension_semantics<core_parallel>, #tpu.dimension_semantics<subcore_parallel>], iteration_bounds = array<i64: 2, 16>, scalar_prefetch = 0 : i64, scratch_operands = 5 : i64, tpu.core_type = #tpu.core_type<sc_vector_subcore>, window_params = [{transform_indices = #map}, {transform_indices = #map1}, {transform_indices = #map}]} {
    %mul3A = arith.constant 1248 : i32
    %mul3A_0 = arith.muli %arg0, %mul3A : i32
    %add3A = arith.constant 0 : i32
    %add3A_1 = arith.addi %mul3A_0, %add3A : i32
    %dma_start3A = arith.constant 1 : i32
    %dma_start3A_2 = arith.constant 0 : i32
    %dma_start3A_3 = arith.constant 0 : i32
    %dma_start3A_4 = arith.constant 0 : i32
    %dma_start3A_5 = tpu.memref_slice %arg5[%dma_start3A_2, %dma_start3A_3, %dma_start3A_4] : memref<2x208x128xi32, #tpu.memory_space<vmem>> -> memref<1x208x128xi32, #tpu.memory_space<vmem>>
    %dma_start3A_6 = tpu.memref_squeeze %dma_start3A_5 : memref<1x208x128xi32, #tpu.memory_space<vmem>> -> memref<208x128xi32, #tpu.memory_space<vmem>>
    %dma_start3A_7 = arith.constant 0 : i32
    %dma_start3A_8 = tpu.memref_slice %arg2[%add3A_1, %dma_start3A, %dma_start3A_7] : memref<2500x2x128xi32, #tpu.memory_space<hbm>> -> memref<208x1x128xi32, #tpu.memory_space<hbm>>
    %dma_start3A_9 = tpu.memref_squeeze %dma_start3A_8 : memref<208x1x128xi32, #tpu.memory_space<hbm>> -> memref<208x128xi32, #tpu.memory_space<hbm>>
    %dma_start3A_10 = arith.constant 0 : i32
    %dma_start3A_11 = arith.constant 0 : i32
    %dma_start3A_12 = tpu.memref_slice %arg5[%dma_start3A_2, %dma_start3A_10, %dma_start3A_11] : memref<2x208x128xi32, #tpu.memory_space<vmem>> -> memref<1x208x128xi32, #tpu.memory_space<vmem>>
    %dma_start3A_13 = tpu.memref_squeeze %dma_start3A_12 : memref<1x208x128xi32, #tpu.memory_space<vmem>> -> memref<208x128xi32, #tpu.memory_space<vmem>>
    %dma_start3A_14 = arith.constant 0 : i32
    %dma_start3A_15 = tpu.memref_slice %arg2[%add3A_1, %dma_start3A, %dma_start3A_14] : memref<2500x2x128xi32, #tpu.memory_space<hbm>> -> memref<208x1x128xi32, #tpu.memory_space<hbm>>
    %dma_start3A_16 = tpu.memref_squeeze %dma_start3A_15 : memref<208x1x128xi32, #tpu.memory_space<hbm>> -> memref<208x128xi32, #tpu.memory_space<hbm>>
    tpu.enqueue_dma source(%dma_start3A_16 : memref<208x128xi32, #tpu.memory_space<hbm>>) target(%dma_start3A_13 : memref<208x128xi32, #tpu.memory_space<vmem>>) target_semaphore(%arg8 : memref<!tpu.dma_semaphore, #tpu.memory_space<semaphore_mem>>)
    %jit3A = arith.constant 8 : i32
    %div3A = arith.divsi %arg1, %jit3A : i32
    %sign3A = arith.constant 0 : i32
    %sign3A_17 = arith.cmpi sgt, %arg1, %sign3A : i32
    %sign3A_18 = arith.extui %sign3A_17 : i1 to i32
    %sign3A_19 = arith.constant 0 : i32
    %sign3A_20 = arith.cmpi slt, %arg1, %sign3A_19 : i32
    %sign3A_21 = arith.extui %sign3A_20 : i1 to i32
    %sign3A_22 = arith.subi %sign3A_18, %sign3A_21 : i32
    %sign3A_23 = arith.constant 0 : i32
    %sign3A_24 = arith.cmpi sgt, %jit3A, %sign3A_23 : i32
    %sign3A_25 = arith.extui %sign3A_24 : i1 to i32
    %sign3A_26 = arith.constant 0 : i32
    %sign3A_27 = arith.cmpi slt, %jit3A, %sign3A_26 : i32
    %sign3A_28 = arith.extui %sign3A_27 : i1 to i32
    %sign3A_29 = arith.subi %sign3A_25, %sign3A_28 : i32
    %ne3A = arith.cmpi ne, %sign3A_22, %sign3A_29 : i32
    %rem3A = arith.remsi %arg1, %jit3A : i32
    %ne3A_30 = arith.constant 0 : i32
    %ne3A_31 = arith.cmpi ne, %rem3A, %ne3A_30 : i32
    %and3A = arith.andi %ne3A, %ne3A_31 : i1
    %sub3A = arith.constant 1 : i32
    %sub3A_32 = arith.subi %div3A, %sub3A : i32
    %select_n3A = arith.select %and3A, %sub3A_32, %div3A : i32
    %jit3A_33 = arith.constant 8 : i32
    %eq3A = arith.constant 0 : i32
    %eq3A_34 = arith.cmpi eq, %jit3A_33, %eq3A : i32
    %jit3A_35 = arith.constant 1 : i32
    %select_n3A_36 = arith.select %eq3A_34, %jit3A_35, %jit3A_33 : i32
    %rem3A_37 = arith.remsi %arg1, %select_n3A_36 : i32
    %ne3A_38 = arith.constant 0 : i32
    %ne3A_39 = arith.cmpi ne, %rem3A_37, %ne3A_38 : i32
    %lt3A = arith.constant 0 : i32
    %lt3A_40 = arith.cmpi slt, %rem3A_37, %lt3A : i32
    %lt3A_41 = arith.constant 0 : i32
    %lt3A_42 = arith.cmpi slt, %select_n3A_36, %lt3A_41 : i32
    %ne3A_43 = arith.xori %lt3A_40, %lt3A_42 : i1
    %and3A_44 = arith.andi %ne3A_43, %ne3A_39 : i1
    %add3A_45 = arith.addi %rem3A_37, %select_n3A_36 : i32
    %select_n3A_46 = arith.select %and3A_44, %add3A_45, %rem3A_37 : i32
    %dma_start3A_47 = arith.constant 0 : i32
    %dma_start3A_48 = arith.constant 0 : i32
    %dma_start3A_49 = arith.constant 0 : i32
    %dma_start3A_50 = tpu.memref_slice %arg6[%dma_start3A_47, %dma_start3A_48, %dma_start3A_49] : memref<2x208x128xf32, #tpu.memory_space<vmem>> -> memref<1x208x128xf32, #tpu.memory_space<vmem>>
    %dma_start3A_51 = tpu.memref_squeeze %dma_start3A_50 : memref<1x208x128xf32, #tpu.memory_space<vmem>> -> memref<208x128xf32, #tpu.memory_space<vmem>>
    %dma_start3A_52 = arith.constant 0 : i32
    %dma_start3A_53 = tpu.memref_slice %arg3[%select_n3A, %add3A_1, %select_n3A_46, %dma_start3A_52] : memref<2x2500x8x128xf32, #tpu.memory_space<hbm>> -> memref<1x208x1x128xf32, #tpu.memory_space<hbm>>
    %dma_start3A_54 = tpu.memref_squeeze %dma_start3A_53 : memref<1x208x1x128xf32, #tpu.memory_space<hbm>> -> memref<208x128xf32, #tpu.memory_space<hbm>>
    %dma_start3A_55 = arith.constant 0 : i32
    %dma_start3A_56 = arith.constant 0 : i32
    %dma_start3A_57 = tpu.memref_slice %arg6[%dma_start3A_47, %dma_start3A_55, %dma_start3A_56] : memref<2x208x128xf32, #tpu.memory_space<vmem>> -> memref<1x208x128xf32, #tpu.memory_space<vmem>>
    %dma_start3A_58 = tpu.memref_squeeze %dma_start3A_57 : memref<1x208x128xf32, #tpu.memory_space<vmem>> -> memref<208x128xf32, #tpu.memory_space<vmem>>
    %dma_start3A_59 = arith.constant 0 : i32
    %dma_start3A_60 = tpu.memref_slice %arg3[%select_n3A, %add3A_1, %select_n3A_46, %dma_start3A_59] : memref<2x2500x8x128xf32, #tpu.memory_space<hbm>> -> memref<1x208x1x128xf32, #tpu.memory_space<hbm>>
    %dma_start3A_61 = tpu.memref_squeeze %dma_start3A_60 : memref<1x208x1x128xf32, #tpu.memory_space<hbm>> -> memref<208x128xf32, #tpu.memory_space<hbm>>
    tpu.enqueue_dma source(%dma_start3A_61 : memref<208x128xf32, #tpu.memory_space<hbm>>) target(%dma_start3A_58 : memref<208x128xf32, #tpu.memory_space<vmem>>) target_semaphore(%arg8 : memref<!tpu.dma_semaphore, #tpu.memory_space<semaphore_mem>>)
    %parallel_loop3A = arith.constant 0 : i32
    %parallel_loop3A_62 = arith.constant 640 : i32
    %parallel_loop3A_63 = arith.constant 1 : i32
    scf.for %parallel_loop3A_645 = %parallel_loop3A to %parallel_loop3A_62 step %parallel_loop3A_63  : i32 {
      %parallel_loop3A_646 = arith.constant 0.000000e+00 : f32
      %parallel_loop3A_647 = vector.broadcast %parallel_loop3A_646 : f32 to vector<16xf32>
      %parallel_loop3A_648 = arith.constant 16 : i32
      %parallel_loop3A_649 = arith.muli %parallel_loop3A_645, %parallel_loop3A_648 : i32
      %parallel_loop3A_650 = arith.index_cast %parallel_loop3A_649 : i32 to index
      %parallel_loop3A_651 = tpu.vector_load %arg7[%parallel_loop3A_650] {strides = array<i32>} : memref<10240xf32, #tpu.memory_space<vmem>>, vector<16xf32>,
      tpu.vector_store %arg7[%parallel_loop3A_650], %parallel_loop3A_647 {strides = array<i32>} : memref<10240xf32, #tpu.memory_space<vmem>>, vector<16xf32>,
    } {sc.loop_unroll_factor = 8 : i64, sc.parallel_access}
    %mul3A_64 = arith.constant 1248 : i32
    %mul3A_65 = arith.muli %arg0, %mul3A_64 : i32
    %add3A_66 = arith.constant 208 : i32
    %add3A_67 = arith.addi %mul3A_65, %add3A_66 : i32
    %dma_start3A_68 = arith.constant 1 : i32
    %dma_start3A_69 = arith.constant 1 : i32
    %dma_start3A_70 = arith.constant 0 : i32
    %dma_start3A_71 = arith.constant 0 : i32
    %dma_start3A_72 = tpu.memref_slice %arg5[%dma_start3A_69, %dma_start3A_70, %dma_start3A_71] : memref<2x208x128xi32, #tpu.memory_space<vmem>> -> memref<1x208x128xi32, #tpu.memory_space<vmem>>
    %dma_start3A_73 = tpu.memref_squeeze %dma_start3A_72 : memref<1x208x128xi32, #tpu.memory_space<vmem>> -> memref<208x128xi32, #tpu.memory_space<vmem>>
    %dma_start3A_74 = arith.constant 0 : i32
    %dma_start3A_75 = tpu.memref_slice %arg2[%add3A_67, %dma_start3A_68, %dma_start3A_74] : memref<2500x2x128xi32, #tpu.memory_space<hbm>> -> memref<208x1x128xi32, #tpu.memory_space<hbm>>
    %dma_start3A_76 = tpu.memref_squeeze %dma_start3A_75 : memref<208x1x128xi32, #tpu.memory_space<hbm>> -> memref<208x128xi32, #tpu.memory_space<hbm>>
    %dma_start3A_77 = arith.constant 0 : i32
    %dma_start3A_78 = arith.constant 0 : i32
    %dma_start3A_79 = tpu.memref_slice %arg5[%dma_start3A_69, %dma_start3A_77, %dma_start3A_78] : memref<2x208x128xi32, #tpu.memory_space<vmem>> -> memref<1x208x128xi32, #tpu.memory_space<vmem>>
    %dma_start3A_80 = tpu.memref_squeeze %dma_start3A_79 : memref<1x208x128xi32, #tpu.memory_space<vmem>> -> memref<208x128xi32, #tpu.memory_space<vmem>>
    %dma_start3A_81 = arith.constant 0 : i32
    %dma_start3A_82 = tpu.memref_slice %arg2[%add3A_67, %dma_start3A_68, %dma_start3A_81] : memref<2500x2x128xi32, #tpu.memory_space<hbm>> -> memref<208x1x128xi32, #tpu.memory_space<hbm>>
    %dma_start3A_83 = tpu.memref_squeeze %dma_start3A_82 : memref<208x1x128xi32, #tpu.memory_space<hbm>> -> memref<208x128xi32, #tpu.memory_space<hbm>>
    tpu.enqueue_dma source(%dma_start3A_83 : memref<208x128xi32, #tpu.memory_space<hbm>>) target(%dma_start3A_80 : memref<208x128xi32, #tpu.memory_space<vmem>>) target_semaphore(%arg9 : memref<!tpu.dma_semaphore, #tpu.memory_space<semaphore_mem>>)
    %jit3A_84 = arith.constant 8 : i32
    %div3A_85 = arith.divsi %arg1, %jit3A_84 : i32
    %sign3A_86 = arith.constant 0 : i32
    %sign3A_87 = arith.cmpi sgt, %arg1, %sign3A_86 : i32
    %sign3A_88 = arith.extui %sign3A_87 : i1 to i32
    %sign3A_89 = arith.constant 0 : i32
    %sign3A_90 = arith.cmpi slt, %arg1, %sign3A_89 : i32
    %sign3A_91 = arith.extui %sign3A_90 : i1 to i32
    %sign3A_92 = arith.subi %sign3A_88, %sign3A_91 : i32
    %sign3A_93 = arith.constant 0 : i32
    %sign3A_94 = arith.cmpi sgt, %jit3A_84, %sign3A_93 : i32
    %sign3A_95 = arith.extui %sign3A_94 : i1 to i32
    %sign3A_96 = arith.constant 0 : i32
    %sign3A_97 = arith.cmpi slt, %jit3A_84, %sign3A_96 : i32
    %sign3A_98 = arith.extui %sign3A_97 : i1 to i32
    %sign3A_99 = arith.subi %sign3A_95, %sign3A_98 : i32
    %ne3A_100 = arith.cmpi ne, %sign3A_92, %sign3A_99 : i32
    %rem3A_101 = arith.remsi %arg1, %jit3A_84 : i32
    %ne3A_102 = arith.constant 0 : i32
    %ne3A_103 = arith.cmpi ne, %rem3A_101, %ne3A_102 : i32
    %and3A_104 = arith.andi %ne3A_100, %ne3A_103 : i1
    %sub3A_105 = arith.constant 1 : i32
    %sub3A_106 = arith.subi %div3A_85, %sub3A_105 : i32
    %select_n3A_107 = arith.select %and3A_104, %sub3A_106, %div3A_85 : i32
    %jit3A_108 = arith.constant 8 : i32
    %eq3A_109 = arith.constant 0 : i32
    %eq3A_110 = arith.cmpi eq, %jit3A_108, %eq3A_109 : i32
    %jit3A_111 = arith.constant 1 : i32
    %select_n3A_112 = arith.select %eq3A_110, %jit3A_111, %jit3A_108 : i32
    %rem3A_113 = arith.remsi %arg1, %select_n3A_112 : i32
    %ne3A_114 = arith.constant 0 : i32
    %ne3A_115 = arith.cmpi ne, %rem3A_113, %ne3A_114 : i32
    %lt3A_116 = arith.constant 0 : i32
    %lt3A_117 = arith.cmpi slt, %rem3A_113, %lt3A_116 : i32
    %lt3A_118 = arith.constant 0 : i32
    %lt3A_119 = arith.cmpi slt, %select_n3A_112, %lt3A_118 : i32
    %ne3A_120 = arith.xori %lt3A_117, %lt3A_119 : i1
    %and3A_121 = arith.andi %ne3A_120, %ne3A_115 : i1
    %add3A_122 = arith.addi %rem3A_113, %select_n3A_112 : i32
    %select_n3A_123 = arith.select %and3A_121, %add3A_122, %rem3A_113 : i32
    %dma_start3A_124 = arith.constant 1 : i32
    %dma_start3A_125 = arith.constant 0 : i32
    %dma_start3A_126 = arith.constant 0 : i32
    %dma_start3A_127 = tpu.memref_slice %arg6[%dma_start3A_124, %dma_start3A_125, %dma_start3A_126] : memref<2x208x128xf32, #tpu.memory_space<vmem>> -> memref<1x208x128xf32, #tpu.memory_space<vmem>>
    %dma_start3A_128 = tpu.memref_squeeze %dma_start3A_127 : memref<1x208x128xf32, #tpu.memory_space<vmem>> -> memref<208x128xf32, #tpu.memory_space<vmem>>
    %dma_start3A_129 = arith.constant 0 : i32
    %dma_start3A_130 = tpu.memref_slice %arg3[%select_n3A_107, %add3A_67, %select_n3A_123, %dma_start3A_129] : memref<2x2500x8x128xf32, #tpu.memory_space<hbm>> -> memref<1x208x1x128xf32, #tpu.memory_space<hbm>>
    %dma_start3A_131 = tpu.memref_squeeze %dma_start3A_130 : memref<1x208x1x128xf32, #tpu.memory_space<hbm>> -> memref<208x128xf32, #tpu.memory_space<hbm>>
    %dma_start3A_132 = arith.constant 0 : i32
    %dma_start3A_133 = arith.constant 0 : i32
    %dma_start3A_134 = tpu.memref_slice %arg6[%dma_start3A_124, %dma_start3A_132, %dma_start3A_133] : memref<2x208x128xf32, #tpu.memory_space<vmem>> -> memref<1x208x128xf32, #tpu.memory_space<vmem>>
    %dma_start3A_135 = tpu.memref_squeeze %dma_start3A_134 : memref<1x208x128xf32, #tpu.memory_space<vmem>> -> memref<208x128xf32, #tpu.memory_space<vmem>>
    %dma_start3A_136 = arith.constant 0 : i32
    %dma_start3A_137 = tpu.memref_slice %arg3[%select_n3A_107, %add3A_67, %select_n3A_123, %dma_start3A_136] : memref<2x2500x8x128xf32, #tpu.memory_space<hbm>> -> memref<1x208x1x128xf32, #tpu.memory_space<hbm>>
    %dma_start3A_138 = tpu.memref_squeeze %dma_start3A_137 : memref<1x208x1x128xf32, #tpu.memory_space<hbm>> -> memref<208x128xf32, #tpu.memory_space<hbm>>
    tpu.enqueue_dma source(%dma_start3A_138 : memref<208x128xf32, #tpu.memory_space<hbm>>) target(%dma_start3A_135 : memref<208x128xf32, #tpu.memory_space<vmem>>) target_semaphore(%arg9 : memref<!tpu.dma_semaphore, #tpu.memory_space<semaphore_mem>>)
    %dma_wait3A = arith.constant 1 : i32
    %dma_wait3A_139 = arith.constant 0 : i32
    %dma_wait3A_140 = arith.constant 0 : i32
    %dma_wait3A_141 = arith.constant 0 : i32
    %dma_wait3A_142 = tpu.memref_slice %arg5[%dma_wait3A_139, %dma_wait3A_140, %dma_wait3A_141] : memref<2x208x128xi32, #tpu.memory_space<vmem>> -> memref<1x208x128xi32, #tpu.memory_space<vmem>>
    %dma_wait3A_143 = tpu.memref_squeeze %dma_wait3A_142 : memref<1x208x128xi32, #tpu.memory_space<vmem>> -> memref<208x128xi32, #tpu.memory_space<vmem>>
    %dma_wait3A_144 = arith.constant 0 : i32
    %dma_wait3A_145 = tpu.memref_slice %arg2[%add3A_1, %dma_wait3A, %dma_wait3A_144] : memref<2500x2x128xi32, #tpu.memory_space<hbm>> -> memref<208x1x128xi32, #tpu.memory_space<hbm>>
    %dma_wait3A_146 = tpu.memref_squeeze %dma_wait3A_145 : memref<208x1x128xi32, #tpu.memory_space<hbm>> -> memref<208x128xi32, #tpu.memory_space<hbm>>
    %dma_wait3A_147 = arith.constant 0 : i32
    %dma_wait3A_148 = arith.constant 0 : i32
    %dma_wait3A_149 = tpu.memref_slice %arg5[%dma_wait3A_139, %dma_wait3A_147, %dma_wait3A_148] : memref<2x208x128xi32, #tpu.memory_space<vmem>> -> memref<1x208x128xi32, #tpu.memory_space<vmem>>
    %dma_wait3A_150 = tpu.memref_squeeze %dma_wait3A_149 : memref<1x208x128xi32, #tpu.memory_space<vmem>> -> memref<208x128xi32, #tpu.memory_space<vmem>>
    %dma_wait3A_151 = arith.constant 0 : i32
    %dma_wait3A_152 = tpu.memref_slice %arg2[%add3A_1, %dma_wait3A, %dma_wait3A_151] : memref<2500x2x128xi32, #tpu.memory_space<hbm>> -> memref<208x1x128xi32, #tpu.memory_space<hbm>>
    %dma_wait3A_153 = tpu.memref_squeeze %dma_wait3A_152 : memref<208x1x128xi32, #tpu.memory_space<hbm>> -> memref<208x128xi32, #tpu.memory_space<hbm>>
    tpu.wait_dma2 semaphore(%arg8 : memref<!tpu.dma_semaphore, #tpu.memory_space<semaphore_mem>>) src(%dma_wait3A_153 : memref<208x128xi32, #tpu.memory_space<hbm>>) dst(%dma_wait3A_150 : memref<208x128xi32, #tpu.memory_space<vmem>>)
    %dma_wait3A_154 = arith.constant 0 : i32
    %dma_wait3A_155 = arith.constant 0 : i32
    %dma_wait3A_156 = arith.constant 0 : i32
    %dma_wait3A_157 = tpu.memref_slice %arg6[%dma_wait3A_154, %dma_wait3A_155, %dma_wait3A_156] : memref<2x208x128xf32, #tpu.memory_space<vmem>> -> memref<1x208x128xf32, #tpu.memory_space<vmem>>
    %dma_wait3A_158 = tpu.memref_squeeze %dma_wait3A_157 : memref<1x208x128xf32, #tpu.memory_space<vmem>> -> memref<208x128xf32, #tpu.memory_space<vmem>>
    %dma_wait3A_159 = arith.constant 0 : i32
    %dma_wait3A_160 = tpu.memref_slice %arg3[%select_n3A, %add3A_1, %select_n3A_46, %dma_wait3A_159] : memref<2x2500x8x128xf32, #tpu.memory_space<hbm>> -> memref<1x208x1x128xf32, #tpu.memory_space<hbm>>
    %dma_wait3A_161 = tpu.memref_squeeze %dma_wait3A_160 : memref<1x208x1x128xf32, #tpu.memory_space<hbm>> -> memref<208x128xf32, #tpu.memory_space<hbm>>
    %dma_wait3A_162 = arith.constant 0 : i32
    %dma_wait3A_163 = arith.constant 0 : i32
    %dma_wait3A_164 = tpu.memref_slice %arg6[%dma_wait3A_154, %dma_wait3A_162, %dma_wait3A_163] : memref<2x208x128xf32, #tpu.memory_space<vmem>> -> memref<1x208x128xf32, #tpu.memory_space<vmem>>
    %dma_wait3A_165 = tpu.memref_squeeze %dma_wait3A_164 : memref<1x208x128xf32, #tpu.memory_space<vmem>> -> memref<208x128xf32, #tpu.memory_space<vmem>>
    %dma_wait3A_166 = arith.constant 0 : i32
    %dma_wait3A_167 = tpu.memref_slice %arg3[%select_n3A, %add3A_1, %select_n3A_46, %dma_wait3A_166] : memref<2x2500x8x128xf32, #tpu.memory_space<hbm>> -> memref<1x208x1x128xf32, #tpu.memory_space<hbm>>
    %dma_wait3A_168 = tpu.memref_squeeze %dma_wait3A_167 : memref<1x208x1x128xf32, #tpu.memory_space<hbm>> -> memref<208x128xf32, #tpu.memory_space<hbm>>
    tpu.wait_dma2 semaphore(%arg8 : memref<!tpu.dma_semaphore, #tpu.memory_space<semaphore_mem>>) src(%dma_wait3A_168 : memref<208x128xf32, #tpu.memory_space<hbm>>) dst(%dma_wait3A_165 : memref<208x128xf32, #tpu.memory_space<vmem>>)
    %parallel_loop3A_169 = arith.constant 0 : i32
    %parallel_loop3A_170 = arith.constant 208 : i32
    %parallel_loop3A_171 = arith.constant 1 : i32
    scf.for %parallel_loop3A_645 = %parallel_loop3A_169 to %parallel_loop3A_170 step %parallel_loop3A_171  : i32 {
      %parallel_loop3A_646 = arith.constant 0 : i32
      %parallel_loop3A_647 = arith.index_cast %parallel_loop3A_646 : i32 to index
      %parallel_loop3A_648 = arith.index_cast %parallel_loop3A_645 : i32 to index
      %parallel_loop3A_649 = arith.constant 0 : index
      %parallel_loop3A_650 = tpu.vector_load %arg5[%parallel_loop3A_647, %parallel_loop3A_648, %parallel_loop3A_649] {strides = array<i32>} : memref<2x208x128xi32, #tpu.memory_space<vmem>>, vector<16xi32>,
      %parallel_loop3A_651 = arith.constant 0 : i32
      %parallel_loop3A_652 = arith.index_cast %parallel_loop3A_651 : i32 to index
      %parallel_loop3A_653 = arith.index_cast %parallel_loop3A_645 : i32 to index
      %parallel_loop3A_654 = arith.constant 0 : index
      %parallel_loop3A_655 = tpu.vector_load %arg6[%parallel_loop3A_652, %parallel_loop3A_653, %parallel_loop3A_654] {strides = array<i32>} : memref<2x208x128xf32, #tpu.memory_space<vmem>>, vector<16xf32>,
      tpu.vector_store_idx %arg7[%parallel_loop3A_650], %parallel_loop3A_655 {add = true} : memref<10240xf32, #tpu.memory_space<vmem>>[vector<16xi32>], vector<16xf32>,
      %parallel_loop3A_656 = arith.constant 0 : i32
      %parallel_loop3A_657 = arith.index_cast %parallel_loop3A_656 : i32 to index
      %parallel_loop3A_658 = arith.index_cast %parallel_loop3A_645 : i32 to index
      %parallel_loop3A_659 = arith.constant 16 : index
      %parallel_loop3A_660 = tpu.vector_load %arg5[%parallel_loop3A_657, %parallel_loop3A_658, %parallel_loop3A_659] {strides = array<i32>} : memref<2x208x128xi32, #tpu.memory_space<vmem>>, vector<16xi32>,
      %parallel_loop3A_661 = arith.constant 0 : i32
      %parallel_loop3A_662 = arith.index_cast %parallel_loop3A_661 : i32 to index
      %parallel_loop3A_663 = arith.index_cast %parallel_loop3A_645 : i32 to index
      %parallel_loop3A_664 = arith.constant 16 : index
      %parallel_loop3A_665 = tpu.vector_load %arg6[%parallel_loop3A_662, %parallel_loop3A_663, %parallel_loop3A_664] {strides = array<i32>} : memref<2x208x128xf32, #tpu.memory_space<vmem>>, vector<16xf32>,
      tpu.vector_store_idx %arg7[%parallel_loop3A_660], %parallel_loop3A_665 {add = true} : memref<10240xf32, #tpu.memory_space<vmem>>[vector<16xi32>], vector<16xf32>,
      %parallel_loop3A_666 = arith.constant 0 : i32
      %parallel_loop3A_667 = arith.index_cast %parallel_loop3A_666 : i32 to index
      %parallel_loop3A_668 = arith.index_cast %parallel_loop3A_645 : i32 to index
      %parallel_loop3A_669 = arith.constant 32 : index
      %parallel_loop3A_670 = tpu.vector_load %arg5[%parallel_loop3A_667, %parallel_loop3A_668, %parallel_loop3A_669] {strides = array<i32>} : memref<2x208x128xi32, #tpu.memory_space<vmem>>, vector<16xi32>,
      %parallel_loop3A_671 = arith.constant 0 : i32
      %parallel_loop3A_672 = arith.index_cast %parallel_loop3A_671 : i32 to index
      %parallel_loop3A_673 = arith.index_cast %parallel_loop3A_645 : i32 to index
      %parallel_loop3A_674 = arith.constant 32 : index
      %parallel_loop3A_675 = tpu.vector_load %arg6[%parallel_loop3A_672, %parallel_loop3A_673, %parallel_loop3A_674] {strides = array<i32>} : memref<2x208x128xf32, #tpu.memory_space<vmem>>, vector<16xf32>,
      tpu.vector_store_idx %arg7[%parallel_loop3A_670], %parallel_loop3A_675 {add = true} : memref<10240xf32, #tpu.memory_space<vmem>>[vector<16xi32>], vector<16xf32>,
      %parallel_loop3A_676 = arith.constant 0 : i32
      %parallel_loop3A_677 = arith.index_cast %parallel_loop3A_676 : i32 to index
      %parallel_loop3A_678 = arith.index_cast %parallel_loop3A_645 : i32 to index
      %parallel_loop3A_679 = arith.constant 48 : index
      %parallel_loop3A_680 = tpu.vector_load %arg5[%parallel_loop3A_677, %parallel_loop3A_678, %parallel_loop3A_679] {strides = array<i32>} : memref<2x208x128xi32, #tpu.memory_space<vmem>>, vector<16xi32>,
      %parallel_loop3A_681 = arith.constant 0 : i32
      %parallel_loop3A_682 = arith.index_cast %parallel_loop3A_681 : i32 to index
      %parallel_loop3A_683 = arith.index_cast %parallel_loop3A_645 : i32 to index
      %parallel_loop3A_684 = arith.constant 48 : index
      %parallel_loop3A_685 = tpu.vector_load %arg6[%parallel_loop3A_682, %parallel_loop3A_683, %parallel_loop3A_684] {strides = array<i32>} : memref<2x208x128xf32, #tpu.memory_space<vmem>>, vector<16xf32>,
      tpu.vector_store_idx %arg7[%parallel_loop3A_680], %parallel_loop3A_685 {add = true} : memref<10240xf32, #tpu.memory_space<vmem>>[vector<16xi32>], vector<16xf32>,
      %parallel_loop3A_686 = arith.constant 0 : i32
      %parallel_loop3A_687 = arith.index_cast %parallel_loop3A_686 : i32 to index
      %parallel_loop3A_688 = arith.index_cast %parallel_loop3A_645 : i32 to index
      %parallel_loop3A_689 = arith.constant 64 : index
      %parallel_loop3A_690 = tpu.vector_load %arg5[%parallel_loop3A_687, %parallel_loop3A_688, %parallel_loop3A_689] {strides = array<i32>} : memref<2x208x128xi32, #tpu.memory_space<vmem>>, vector<16xi32>,
      %parallel_loop3A_691 = arith.constant 0 : i32
      %parallel_loop3A_692 = arith.index_cast %parallel_loop3A_691 : i32 to index
      %parallel_loop3A_693 = arith.index_cast %parallel_loop3A_645 : i32 to index
      %parallel_loop3A_694 = arith.constant 64 : index
      %parallel_loop3A_695 = tpu.vector_load %arg6[%parallel_loop3A_692, %parallel_loop3A_693, %parallel_loop3A_694] {strides = array<i32>} : memref<2x208x128xf32, #tpu.memory_space<vmem>>, vector<16xf32>,
      tpu.vector_store_idx %arg7[%parallel_loop3A_690], %parallel_loop3A_695 {add = true} : memref<10240xf32, #tpu.memory_space<vmem>>[vector<16xi32>], vector<16xf32>,
      %parallel_loop3A_696 = arith.constant 0 : i32
      %parallel_loop3A_697 = arith.index_cast %parallel_loop3A_696 : i32 to index
      %parallel_loop3A_698 = arith.index_cast %parallel_loop3A_645 : i32 to index
      %parallel_loop3A_699 = arith.constant 80 : index
      %parallel_loop3A_700 = tpu.vector_load %arg5[%parallel_loop3A_697, %parallel_loop3A_698, %parallel_loop3A_699] {strides = array<i32>} : memref<2x208x128xi32, #tpu.memory_space<vmem>>, vector<16xi32>,
      %parallel_loop3A_701 = arith.constant 0 : i32
      %parallel_loop3A_702 = arith.index_cast %parallel_loop3A_701 : i32 to index
      %parallel_loop3A_703 = arith.index_cast %parallel_loop3A_645 : i32 to index
      %parallel_loop3A_704 = arith.constant 80 : index
      %parallel_loop3A_705 = tpu.vector_load %arg6[%parallel_loop3A_702, %parallel_loop3A_703, %parallel_loop3A_704] {strides = array<i32>} : memref<2x208x128xf32, #tpu.memory_space<vmem>>, vector<16xf32>,
      tpu.vector_store_idx %arg7[%parallel_loop3A_700], %parallel_loop3A_705 {add = true} : memref<10240xf32, #tpu.memory_space<vmem>>[vector<16xi32>], vector<16xf32>,
      %parallel_loop3A_706 = arith.constant 0 : i32
      %parallel_loop3A_707 = arith.index_cast %parallel_loop3A_706 : i32 to index
      %parallel_loop3A_708 = arith.index_cast %parallel_loop3A_645 : i32 to index
      %parallel_loop3A_709 = arith.constant 96 : index
      %parallel_loop3A_710 = tpu.vector_load %arg5[%parallel_loop3A_707, %parallel_loop3A_708, %parallel_loop3A_709] {strides = array<i32>} : memref<2x208x128xi32, #tpu.memory_space<vmem>>, vector<16xi32>,
      %parallel_loop3A_711 = arith.constant 0 : i32
      %parallel_loop3A_712 = arith.index_cast %parallel_loop3A_711 : i32 to index
      %parallel_loop3A_713 = arith.index_cast %parallel_loop3A_645 : i32 to index
      %parallel_loop3A_714 = arith.constant 96 : index
      %parallel_loop3A_715 = tpu.vector_load %arg6[%parallel_loop3A_712, %parallel_loop3A_713, %parallel_loop3A_714] {strides = array<i32>} : memref<2x208x128xf32, #tpu.memory_space<vmem>>, vector<16xf32>,
      tpu.vector_store_idx %arg7[%parallel_loop3A_710], %parallel_loop3A_715 {add = true} : memref<10240xf32, #tpu.memory_space<vmem>>[vector<16xi32>], vector<16xf32>,
      %parallel_loop3A_716 = arith.constant 0 : i32
      %parallel_loop3A_717 = arith.index_cast %parallel_loop3A_716 : i32 to index
      %parallel_loop3A_718 = arith.index_cast %parallel_loop3A_645 : i32 to index
      %parallel_loop3A_719 = arith.constant 112 : index
      %parallel_loop3A_720 = tpu.vector_load %arg5[%parallel_loop3A_717, %parallel_loop3A_718, %parallel_loop3A_719] {strides = array<i32>} : memref<2x208x128xi32, #tpu.memory_space<vmem>>, vector<16xi32>,
      %parallel_loop3A_721 = arith.constant 0 : i32
      %parallel_loop3A_722 = arith.index_cast %parallel_loop3A_721 : i32 to index
      %parallel_loop3A_723 = arith.index_cast %parallel_loop3A_645 : i32 to index
      %parallel_loop3A_724 = arith.constant 112 : index
      %parallel_loop3A_725 = tpu.vector_load %arg6[%parallel_loop3A_722, %parallel_loop3A_723, %parallel_loop3A_724] {strides = array<i32>} : memref<2x208x128xf32, #tpu.memory_space<vmem>>, vector<16xf32>,
      tpu.vector_store_idx %arg7[%parallel_loop3A_720], %parallel_loop3A_725 {add = true} : memref<10240xf32, #tpu.memory_space<vmem>>[vector<16xi32>], vector<16xf32>,
    } {sc.loop_unroll_factor = 4 : i64, sc.parallel_access}
    %mul3A_172 = arith.constant 1248 : i32
    %mul3A_173 = arith.muli %arg0, %mul3A_172 : i32
    %add3A_174 = arith.constant 416 : i32
    %add3A_175 = arith.addi %mul3A_173, %add3A_174 : i32
    %dma_start3A_176 = arith.constant 1 : i32
    %dma_start3A_177 = arith.constant 0 : i32
    %dma_start3A_178 = arith.constant 0 : i32
    %dma_start3A_179 = arith.constant 0 : i32
    %dma_start3A_180 = tpu.memref_slice %arg5[%dma_start3A_177, %dma_start3A_178, %dma_start3A_179] : memref<2x208x128xi32, #tpu.memory_space<vmem>> -> memref<1x208x128xi32, #tpu.memory_space<vmem>>
    %dma_start3A_181 = tpu.memref_squeeze %dma_start3A_180 : memref<1x208x128xi32, #tpu.memory_space<vmem>> -> memref<208x128xi32, #tpu.memory_space<vmem>>
    %dma_start3A_182 = arith.constant 0 : i32
    %dma_start3A_183 = tpu.memref_slice %arg2[%add3A_175, %dma_start3A_176, %dma_start3A_182] : memref<2500x2x128xi32, #tpu.memory_space<hbm>> -> memref<208x1x128xi32, #tpu.memory_space<hbm>>
    %dma_start3A_184 = tpu.memref_squeeze %dma_start3A_183 : memref<208x1x128xi32, #tpu.memory_space<hbm>> -> memref<208x128xi32, #tpu.memory_space<hbm>>
    %dma_start3A_185 = arith.constant 0 : i32
    %dma_start3A_186 = arith.constant 0 : i32
    %dma_start3A_187 = tpu.memref_slice %arg5[%dma_start3A_177, %dma_start3A_185, %dma_start3A_186] : memref<2x208x128xi32, #tpu.memory_space<vmem>> -> memref<1x208x128xi32, #tpu.memory_space<vmem>>
    %dma_start3A_188 = tpu.memref_squeeze %dma_start3A_187 : memref<1x208x128xi32, #tpu.memory_space<vmem>> -> memref<208x128xi32, #tpu.memory_space<vmem>>
    %dma_start3A_189 = arith.constant 0 : i32
    %dma_start3A_190 = tpu.memref_slice %arg2[%add3A_175, %dma_start3A_176, %dma_start3A_189] : memref<2500x2x128xi32, #tpu.memory_space<hbm>> -> memref<208x1x128xi32, #tpu.memory_space<hbm>>
    %dma_start3A_191 = tpu.memref_squeeze %dma_start3A_190 : memref<208x1x128xi32, #tpu.memory_space<hbm>> -> memref<208x128xi32, #tpu.memory_space<hbm>>
    tpu.enqueue_dma source(%dma_start3A_191 : memref<208x128xi32, #tpu.memory_space<hbm>>) target(%dma_start3A_188 : memref<208x128xi32, #tpu.memory_space<vmem>>) target_semaphore(%arg8 : memref<!tpu.dma_semaphore, #tpu.memory_space<semaphore_mem>>)
    %jit3A_192 = arith.constant 8 : i32
    %div3A_193 = arith.divsi %arg1, %jit3A_192 : i32
    %sign3A_194 = arith.constant 0 : i32
    %sign3A_195 = arith.cmpi sgt, %arg1, %sign3A_194 : i32
    %sign3A_196 = arith.extui %sign3A_195 : i1 to i32
    %sign3A_197 = arith.constant 0 : i32
    %sign3A_198 = arith.cmpi slt, %arg1, %sign3A_197 : i32
    %sign3A_199 = arith.extui %sign3A_198 : i1 to i32
    %sign3A_200 = arith.subi %sign3A_196, %sign3A_199 : i32
    %sign3A_201 = arith.constant 0 : i32
    %sign3A_202 = arith.cmpi sgt, %jit3A_192, %sign3A_201 : i32
    %sign3A_203 = arith.extui %sign3A_202 : i1 to i32
    %sign3A_204 = arith.constant 0 : i32
    %sign3A_205 = arith.cmpi slt, %jit3A_192, %sign3A_204 : i32
    %sign3A_206 = arith.extui %sign3A_205 : i1 to i32
    %sign3A_207 = arith.subi %sign3A_203, %sign3A_206 : i32
    %ne3A_208 = arith.cmpi ne, %sign3A_200, %sign3A_207 : i32
    %rem3A_209 = arith.remsi %arg1, %jit3A_192 : i32
    %ne3A_210 = arith.constant 0 : i32
    %ne3A_211 = arith.cmpi ne, %rem3A_209, %ne3A_210 : i32
    %and3A_212 = arith.andi %ne3A_208, %ne3A_211 : i1
    %sub3A_213 = arith.constant 1 : i32
    %sub3A_214 = arith.subi %div3A_193, %sub3A_213 : i32
    %select_n3A_215 = arith.select %and3A_212, %sub3A_214, %div3A_193 : i32
    %jit3A_216 = arith.constant 8 : i32
    %eq3A_217 = arith.constant 0 : i32
    %eq3A_218 = arith.cmpi eq, %jit3A_216, %eq3A_217 : i32
    %jit3A_219 = arith.constant 1 : i32
    %select_n3A_220 = arith.select %eq3A_218, %jit3A_219, %jit3A_216 : i32
    %rem3A_221 = arith.remsi %arg1, %select_n3A_220 : i32
    %ne3A_222 = arith.constant 0 : i32
    %ne3A_223 = arith.cmpi ne, %rem3A_221, %ne3A_222 : i32
    %lt3A_224 = arith.constant 0 : i32
    %lt3A_225 = arith.cmpi slt, %rem3A_221, %lt3A_224 : i32
    %lt3A_226 = arith.constant 0 : i32
    %lt3A_227 = arith.cmpi slt, %select_n3A_220, %lt3A_226 : i32
    %ne3A_228 = arith.xori %lt3A_225, %lt3A_227 : i1
    %and3A_229 = arith.andi %ne3A_228, %ne3A_223 : i1
    %add3A_230 = arith.addi %rem3A_221, %select_n3A_220 : i32
    %select_n3A_231 = arith.select %and3A_229, %add3A_230, %rem3A_221 : i32
    %dma_start3A_232 = arith.constant 0 : i32
    %dma_start3A_233 = arith.constant 0 : i32
    %dma_start3A_234 = arith.constant 0 : i32
    %dma_start3A_235 = tpu.memref_slice %arg6[%dma_start3A_232, %dma_start3A_233, %dma_start3A_234] : memref<2x208x128xf32, #tpu.memory_space<vmem>> -> memref<1x208x128xf32, #tpu.memory_space<vmem>>
    %dma_start3A_236 = tpu.memref_squeeze %dma_start3A_235 : memref<1x208x128xf32, #tpu.memory_space<vmem>> -> memref<208x128xf32, #tpu.memory_space<vmem>>
    %dma_start3A_237 = arith.constant 0 : i32
    %dma_start3A_238 = tpu.memref_slice %arg3[%select_n3A_215, %add3A_175, %select_n3A_231, %dma_start3A_237] : memref<2x2500x8x128xf32, #tpu.memory_space<hbm>> -> memref<1x208x1x128xf32, #tpu.memory_space<hbm>>
    %dma_start3A_239 = tpu.memref_squeeze %dma_start3A_238 : memref<1x208x1x128xf32, #tpu.memory_space<hbm>> -> memref<208x128xf32, #tpu.memory_space<hbm>>
    %dma_start3A_240 = arith.constant 0 : i32
    %dma_start3A_241 = arith.constant 0 : i32
    %dma_start3A_242 = tpu.memref_slice %arg6[%dma_start3A_232, %dma_start3A_240, %dma_start3A_241] : memref<2x208x128xf32, #tpu.memory_space<vmem>> -> memref<1x208x128xf32, #tpu.memory_space<vmem>>
    %dma_start3A_243 = tpu.memref_squeeze %dma_start3A_242 : memref<1x208x128xf32, #tpu.memory_space<vmem>> -> memref<208x128xf32, #tpu.memory_space<vmem>>
    %dma_start3A_244 = arith.constant 0 : i32
    %dma_start3A_245 = tpu.memref_slice %arg3[%select_n3A_215, %add3A_175, %select_n3A_231, %dma_start3A_244] : memref<2x2500x8x128xf32, #tpu.memory_space<hbm>> -> memref<1x208x1x128xf32, #tpu.memory_space<hbm>>
    %dma_start3A_246 = tpu.memref_squeeze %dma_start3A_245 : memref<1x208x1x128xf32, #tpu.memory_space<hbm>> -> memref<208x128xf32, #tpu.memory_space<hbm>>
    tpu.enqueue_dma source(%dma_start3A_246 : memref<208x128xf32, #tpu.memory_space<hbm>>) target(%dma_start3A_243 : memref<208x128xf32, #tpu.memory_space<vmem>>) target_semaphore(%arg8 : memref<!tpu.dma_semaphore, #tpu.memory_space<semaphore_mem>>)
    %dma_wait3A_247 = arith.constant 1 : i32
    %dma_wait3A_248 = arith.constant 1 : i32
    %dma_wait3A_249 = arith.constant 0 : i32
    %dma_wait3A_250 = arith.constant 0 : i32
    %dma_wait3A_251 = tpu.memref_slice %arg5[%dma_wait3A_248, %dma_wait3A_249, %dma_wait3A_250] : memref<2x208x128xi32, #tpu.memory_space<vmem>> -> memref<1x208x128xi32, #tpu.memory_space<vmem>>
    %dma_wait3A_252 = tpu.memref_squeeze %dma_wait3A_251 : memref<1x208x128xi32, #tpu.memory_space<vmem>> -> memref<208x128xi32, #tpu.memory_space<vmem>>
    %dma_wait3A_253 = arith.constant 0 : i32
    %dma_wait3A_254 = tpu.memref_slice %arg2[%add3A_67, %dma_wait3A_247, %dma_wait3A_253] : memref<2500x2x128xi32, #tpu.memory_space<hbm>> -> memref<208x1x128xi32, #tpu.memory_space<hbm>>
    %dma_wait3A_255 = tpu.memref_squeeze %dma_wait3A_254 : memref<208x1x128xi32, #tpu.memory_space<hbm>> -> memref<208x128xi32, #tpu.memory_space<hbm>>
    %dma_wait3A_256 = arith.constant 0 : i32
    %dma_wait3A_257 = arith.constant 0 : i32
    %dma_wait3A_258 = tpu.memref_slice %arg5[%dma_wait3A_248, %dma_wait3A_256, %dma_wait3A_257] : memref<2x208x128xi32, #tpu.memory_space<vmem>> -> memref<1x208x128xi32, #tpu.memory_space<vmem>>
    %dma_wait3A_259 = tpu.memref_squeeze %dma_wait3A_258 : memref<1x208x128xi32, #tpu.memory_space<vmem>> -> memref<208x128xi32, #tpu.memory_space<vmem>>
    %dma_wait3A_260 = arith.constant 0 : i32
    %dma_wait3A_261 = tpu.memref_slice %arg2[%add3A_67, %dma_wait3A_247, %dma_wait3A_260] : memref<2500x2x128xi32, #tpu.memory_space<hbm>> -> memref<208x1x128xi32, #tpu.memory_space<hbm>>
    %dma_wait3A_262 = tpu.memref_squeeze %dma_wait3A_261 : memref<208x1x128xi32, #tpu.memory_space<hbm>> -> memref<208x128xi32, #tpu.memory_space<hbm>>
    tpu.wait_dma2 semaphore(%arg9 : memref<!tpu.dma_semaphore, #tpu.memory_space<semaphore_mem>>) src(%dma_wait3A_262 : memref<208x128xi32, #tpu.memory_space<hbm>>) dst(%dma_wait3A_259 : memref<208x128xi32, #tpu.memory_space<vmem>>)
    %dma_wait3A_263 = arith.constant 1 : i32
    %dma_wait3A_264 = arith.constant 0 : i32
    %dma_wait3A_265 = arith.constant 0 : i32
    %dma_wait3A_266 = tpu.memref_slice %arg6[%dma_wait3A_263, %dma_wait3A_264, %dma_wait3A_265] : memref<2x208x128xf32, #tpu.memory_space<vmem>> -> memref<1x208x128xf32, #tpu.memory_space<vmem>>
    %dma_wait3A_267 = tpu.memref_squeeze %dma_wait3A_266 : memref<1x208x128xf32, #tpu.memory_space<vmem>> -> memref<208x128xf32, #tpu.memory_space<vmem>>
    %dma_wait3A_268 = arith.constant 0 : i32
    %dma_wait3A_269 = tpu.memref_slice %arg3[%select_n3A_107, %add3A_67, %select_n3A_123, %dma_wait3A_268] : memref<2x2500x8x128xf32, #tpu.memory_space<hbm>> -> memref<1x208x1x128xf32, #tpu.memory_space<hbm>>
    %dma_wait3A_270 = tpu.memref_squeeze %dma_wait3A_269 : memref<1x208x1x128xf32, #tpu.memory_space<hbm>> -> memref<208x128xf32, #tpu.memory_space<hbm>>
    %dma_wait3A_271 = arith.constant 0 : i32
    %dma_wait3A_272 = arith.constant 0 : i32
    %dma_wait3A_273 = tpu.memref_slice %arg6[%dma_wait3A_263, %dma_wait3A_271, %dma_wait3A_272] : memref<2x208x128xf32, #tpu.memory_space<vmem>> -> memref<1x208x128xf32, #tpu.memory_space<vmem>>
    %dma_wait3A_274 = tpu.memref_squeeze %dma_wait3A_273 : memref<1x208x128xf32, #tpu.memory_space<vmem>> -> memref<208x128xf32, #tpu.memory_space<vmem>>
    %dma_wait3A_275 = arith.constant 0 : i32
    %dma_wait3A_276 = tpu.memref_slice %arg3[%select_n3A_107, %add3A_67, %select_n3A_123, %dma_wait3A_275] : memref<2x2500x8x128xf32, #tpu.memory_space<hbm>> -> memref<1x208x1x128xf32, #tpu.memory_space<hbm>>
    %dma_wait3A_277 = tpu.memref_squeeze %dma_wait3A_276 : memref<1x208x1x128xf32, #tpu.memory_space<hbm>> -> memref<208x128xf32, #tpu.memory_space<hbm>>
    tpu.wait_dma2 semaphore(%arg9 : memref<!tpu.dma_semaphore, #tpu.memory_space<semaphore_mem>>) src(%dma_wait3A_277 : memref<208x128xf32, #tpu.memory_space<hbm>>) dst(%dma_wait3A_274 : memref<208x128xf32, #tpu.memory_space<vmem>>)
    %parallel_loop3A_278 = arith.constant 0 : i32
    %parallel_loop3A_279 = arith.constant 208 : i32
    %parallel_loop3A_280 = arith.constant 1 : i32
    scf.for %parallel_loop3A_645 = %parallel_loop3A_278 to %parallel_loop3A_279 step %parallel_loop3A_280  : i32 {
      %parallel_loop3A_646 = arith.constant 1 : i32
      %parallel_loop3A_647 = arith.index_cast %parallel_loop3A_646 : i32 to index
      %parallel_loop3A_648 = arith.index_cast %parallel_loop3A_645 : i32 to index
      %parallel_loop3A_649 = arith.constant 0 : index
      %parallel_loop3A_650 = tpu.vector_load %arg5[%parallel_loop3A_647, %parallel_loop3A_648, %parallel_loop3A_649] {strides = array<i32>} : memref<2x208x128xi32, #tpu.memory_space<vmem>>, vector<16xi32>,
      %parallel_loop3A_651 = arith.constant 1 : i32
      %parallel_loop3A_652 = arith.index_cast %parallel_loop3A_651 : i32 to index
      %parallel_loop3A_653 = arith.index_cast %parallel_loop3A_645 : i32 to index
      %parallel_loop3A_654 = arith.constant 0 : index
      %parallel_loop3A_655 = tpu.vector_load %arg6[%parallel_loop3A_652, %parallel_loop3A_653, %parallel_loop3A_654] {strides = array<i32>} : memref<2x208x128xf32, #tpu.memory_space<vmem>>, vector<16xf32>,
      tpu.vector_store_idx %arg7[%parallel_loop3A_650], %parallel_loop3A_655 {add = true} : memref<10240xf32, #tpu.memory_space<vmem>>[vector<16xi32>], vector<16xf32>,
      %parallel_loop3A_656 = arith.constant 1 : i32
      %parallel_loop3A_657 = arith.index_cast %parallel_loop3A_656 : i32 to index
      %parallel_loop3A_658 = arith.index_cast %parallel_loop3A_645 : i32 to index
      %parallel_loop3A_659 = arith.constant 16 : index
      %parallel_loop3A_660 = tpu.vector_load %arg5[%parallel_loop3A_657, %parallel_loop3A_658, %parallel_loop3A_659] {strides = array<i32>} : memref<2x208x128xi32, #tpu.memory_space<vmem>>, vector<16xi32>,
      %parallel_loop3A_661 = arith.constant 1 : i32
      %parallel_loop3A_662 = arith.index_cast %parallel_loop3A_661 : i32 to index
      %parallel_loop3A_663 = arith.index_cast %parallel_loop3A_645 : i32 to index
      %parallel_loop3A_664 = arith.constant 16 : index
      %parallel_loop3A_665 = tpu.vector_load %arg6[%parallel_loop3A_662, %parallel_loop3A_663, %parallel_loop3A_664] {strides = array<i32>} : memref<2x208x128xf32, #tpu.memory_space<vmem>>, vector<16xf32>,
      tpu.vector_store_idx %arg7[%parallel_loop3A_660], %parallel_loop3A_665 {add = true} : memref<10240xf32, #tpu.memory_space<vmem>>[vector<16xi32>], vector<16xf32>,
      %parallel_loop3A_666 = arith.constant 1 : i32
      %parallel_loop3A_667 = arith.index_cast %parallel_loop3A_666 : i32 to index
      %parallel_loop3A_668 = arith.index_cast %parallel_loop3A_645 : i32 to index
      %parallel_loop3A_669 = arith.constant 32 : index
      %parallel_loop3A_670 = tpu.vector_load %arg5[%parallel_loop3A_667, %parallel_loop3A_668, %parallel_loop3A_669] {strides = array<i32>} : memref<2x208x128xi32, #tpu.memory_space<vmem>>, vector<16xi32>,
      %parallel_loop3A_671 = arith.constant 1 : i32
      %parallel_loop3A_672 = arith.index_cast %parallel_loop3A_671 : i32 to index
      %parallel_loop3A_673 = arith.index_cast %parallel_loop3A_645 : i32 to index
      %parallel_loop3A_674 = arith.constant 32 : index
      %parallel_loop3A_675 = tpu.vector_load %arg6[%parallel_loop3A_672, %parallel_loop3A_673, %parallel_loop3A_674] {strides = array<i32>} : memref<2x208x128xf32, #tpu.memory_space<vmem>>, vector<16xf32>,
      tpu.vector_store_idx %arg7[%parallel_loop3A_670], %parallel_loop3A_675 {add = true} : memref<10240xf32, #tpu.memory_space<vmem>>[vector<16xi32>], vector<16xf32>,
      %parallel_loop3A_676 = arith.constant 1 : i32
      %parallel_loop3A_677 = arith.index_cast %parallel_loop3A_676 : i32 to index
      %parallel_loop3A_678 = arith.index_cast %parallel_loop3A_645 : i32 to index
      %parallel_loop3A_679 = arith.constant 48 : index
      %parallel_loop3A_680 = tpu.vector_load %arg5[%parallel_loop3A_677, %parallel_loop3A_678, %parallel_loop3A_679] {strides = array<i32>} : memref<2x208x128xi32, #tpu.memory_space<vmem>>, vector<16xi32>,
      %parallel_loop3A_681 = arith.constant 1 : i32
      %parallel_loop3A_682 = arith.index_cast %parallel_loop3A_681 : i32 to index
      %parallel_loop3A_683 = arith.index_cast %parallel_loop3A_645 : i32 to index
      %parallel_loop3A_684 = arith.constant 48 : index
      %parallel_loop3A_685 = tpu.vector_load %arg6[%parallel_loop3A_682, %parallel_loop3A_683, %parallel_loop3A_684] {strides = array<i32>} : memref<2x208x128xf32, #tpu.memory_space<vmem>>, vector<16xf32>,
      tpu.vector_store_idx %arg7[%parallel_loop3A_680], %parallel_loop3A_685 {add = true} : memref<10240xf32, #tpu.memory_space<vmem>>[vector<16xi32>], vector<16xf32>,
      %parallel_loop3A_686 = arith.constant 1 : i32
      %parallel_loop3A_687 = arith.index_cast %parallel_loop3A_686 : i32 to index
      %parallel_loop3A_688 = arith.index_cast %parallel_loop3A_645 : i32 to index
      %parallel_loop3A_689 = arith.constant 64 : index
      %parallel_loop3A_690 = tpu.vector_load %arg5[%parallel_loop3A_687, %parallel_loop3A_688, %parallel_loop3A_689] {strides = array<i32>} : memref<2x208x128xi32, #tpu.memory_space<vmem>>, vector<16xi32>,
      %parallel_loop3A_691 = arith.constant 1 : i32
      %parallel_loop3A_692 = arith.index_cast %parallel_loop3A_691 : i32 to index
      %parallel_loop3A_693 = arith.index_cast %parallel_loop3A_645 : i32 to index
      %parallel_loop3A_694 = arith.constant 64 : index
      %parallel_loop3A_695 = tpu.vector_load %arg6[%parallel_loop3A_692, %parallel_loop3A_693, %parallel_loop3A_694] {strides = array<i32>} : memref<2x208x128xf32, #tpu.memory_space<vmem>>, vector<16xf32>,
      tpu.vector_store_idx %arg7[%parallel_loop3A_690], %parallel_loop3A_695 {add = true} : memref<10240xf32, #tpu.memory_space<vmem>>[vector<16xi32>], vector<16xf32>,
      %parallel_loop3A_696 = arith.constant 1 : i32
      %parallel_loop3A_697 = arith.index_cast %parallel_loop3A_696 : i32 to index
      %parallel_loop3A_698 = arith.index_cast %parallel_loop3A_645 : i32 to index
      %parallel_loop3A_699 = arith.constant 80 : index
      %parallel_loop3A_700 = tpu.vector_load %arg5[%parallel_loop3A_697, %parallel_loop3A_698, %parallel_loop3A_699] {strides = array<i32>} : memref<2x208x128xi32, #tpu.memory_space<vmem>>, vector<16xi32>,
      %parallel_loop3A_701 = arith.constant 1 : i32
      %parallel_loop3A_702 = arith.index_cast %parallel_loop3A_701 : i32 to index
      %parallel_loop3A_703 = arith.index_cast %parallel_loop3A_645 : i32 to index
      %parallel_loop3A_704 = arith.constant 80 : index
      %parallel_loop3A_705 = tpu.vector_load %arg6[%parallel_loop3A_702, %parallel_loop3A_703, %parallel_loop3A_704] {strides = array<i32>} : memref<2x208x128xf32, #tpu.memory_space<vmem>>, vector<16xf32>,
      tpu.vector_store_idx %arg7[%parallel_loop3A_700], %parallel_loop3A_705 {add = true} : memref<10240xf32, #tpu.memory_space<vmem>>[vector<16xi32>], vector<16xf32>,
      %parallel_loop3A_706 = arith.constant 1 : i32
      %parallel_loop3A_707 = arith.index_cast %parallel_loop3A_706 : i32 to index
      %parallel_loop3A_708 = arith.index_cast %parallel_loop3A_645 : i32 to index
      %parallel_loop3A_709 = arith.constant 96 : index
      %parallel_loop3A_710 = tpu.vector_load %arg5[%parallel_loop3A_707, %parallel_loop3A_708, %parallel_loop3A_709] {strides = array<i32>} : memref<2x208x128xi32, #tpu.memory_space<vmem>>, vector<16xi32>,
      %parallel_loop3A_711 = arith.constant 1 : i32
      %parallel_loop3A_712 = arith.index_cast %parallel_loop3A_711 : i32 to index
      %parallel_loop3A_713 = arith.index_cast %parallel_loop3A_645 : i32 to index
      %parallel_loop3A_714 = arith.constant 96 : index
      %parallel_loop3A_715 = tpu.vector_load %arg6[%parallel_loop3A_712, %parallel_loop3A_713, %parallel_loop3A_714] {strides = array<i32>} : memref<2x208x128xf32, #tpu.memory_space<vmem>>, vector<16xf32>,
      tpu.vector_store_idx %arg7[%parallel_loop3A_710], %parallel_loop3A_715 {add = true} : memref<10240xf32, #tpu.memory_space<vmem>>[vector<16xi32>], vector<16xf32>,
      %parallel_loop3A_716 = arith.constant 1 : i32
      %parallel_loop3A_717 = arith.index_cast %parallel_loop3A_716 : i32 to index
      %parallel_loop3A_718 = arith.index_cast %parallel_loop3A_645 : i32 to index
      %parallel_loop3A_719 = arith.constant 112 : index
      %parallel_loop3A_720 = tpu.vector_load %arg5[%parallel_loop3A_717, %parallel_loop3A_718, %parallel_loop3A_719] {strides = array<i32>} : memref<2x208x128xi32, #tpu.memory_space<vmem>>, vector<16xi32>,
      %parallel_loop3A_721 = arith.constant 1 : i32
      %parallel_loop3A_722 = arith.index_cast %parallel_loop3A_721 : i32 to index
      %parallel_loop3A_723 = arith.index_cast %parallel_loop3A_645 : i32 to index
      %parallel_loop3A_724 = arith.constant 112 : index
      %parallel_loop3A_725 = tpu.vector_load %arg6[%parallel_loop3A_722, %parallel_loop3A_723, %parallel_loop3A_724] {strides = array<i32>} : memref<2x208x128xf32, #tpu.memory_space<vmem>>, vector<16xf32>,
      tpu.vector_store_idx %arg7[%parallel_loop3A_720], %parallel_loop3A_725 {add = true} : memref<10240xf32, #tpu.memory_space<vmem>>[vector<16xi32>], vector<16xf32>,
    } {sc.loop_unroll_factor = 4 : i64, sc.parallel_access}
    %mul3A_281 = arith.constant 1248 : i32
    %mul3A_282 = arith.muli %arg0, %mul3A_281 : i32
    %add3A_283 = arith.constant 624 : i32
    %add3A_284 = arith.addi %mul3A_282, %add3A_283 : i32
    %dma_start3A_285 = arith.constant 1 : i32
    %dma_start3A_286 = arith.constant 1 : i32
    %dma_start3A_287 = arith.constant 0 : i32
    %dma_start3A_288 = arith.constant 0 : i32
    %dma_start3A_289 = tpu.memref_slice %arg5[%dma_start3A_286, %dma_start3A_287, %dma_start3A_288] : memref<2x208x128xi32, #tpu.memory_space<vmem>> -> memref<1x208x128xi32, #tpu.memory_space<vmem>>
    %dma_start3A_290 = tpu.memref_squeeze %dma_start3A_289 : memref<1x208x128xi32, #tpu.memory_space<vmem>> -> memref<208x128xi32, #tpu.memory_space<vmem>>
    %dma_start3A_291 = arith.constant 0 : i32
    %dma_start3A_292 = tpu.memref_slice %arg2[%add3A_284, %dma_start3A_285, %dma_start3A_291] : memref<2500x2x128xi32, #tpu.memory_space<hbm>> -> memref<208x1x128xi32, #tpu.memory_space<hbm>>
    %dma_start3A_293 = tpu.memref_squeeze %dma_start3A_292 : memref<208x1x128xi32, #tpu.memory_space<hbm>> -> memref<208x128xi32, #tpu.memory_space<hbm>>
    %dma_start3A_294 = arith.constant 0 : i32
    %dma_start3A_295 = arith.constant 0 : i32
    %dma_start3A_296 = tpu.memref_slice %arg5[%dma_start3A_286, %dma_start3A_294, %dma_start3A_295] : memref<2x208x128xi32, #tpu.memory_space<vmem>> -> memref<1x208x128xi32, #tpu.memory_space<vmem>>
    %dma_start3A_297 = tpu.memref_squeeze %dma_start3A_296 : memref<1x208x128xi32, #tpu.memory_space<vmem>> -> memref<208x128xi32, #tpu.memory_space<vmem>>
    %dma_start3A_298 = arith.constant 0 : i32
    %dma_start3A_299 = tpu.memref_slice %arg2[%add3A_284, %dma_start3A_285, %dma_start3A_298] : memref<2500x2x128xi32, #tpu.memory_space<hbm>> -> memref<208x1x128xi32, #tpu.memory_space<hbm>>
    %dma_start3A_300 = tpu.memref_squeeze %dma_start3A_299 : memref<208x1x128xi32, #tpu.memory_space<hbm>> -> memref<208x128xi32, #tpu.memory_space<hbm>>
    tpu.enqueue_dma source(%dma_start3A_300 : memref<208x128xi32, #tpu.memory_space<hbm>>) target(%dma_start3A_297 : memref<208x128xi32, #tpu.memory_space<vmem>>) target_semaphore(%arg9 : memref<!tpu.dma_semaphore, #tpu.memory_space<semaphore_mem>>)
    %jit3A_301 = arith.constant 8 : i32
    %div3A_302 = arith.divsi %arg1, %jit3A_301 : i32
    %sign3A_303 = arith.constant 0 : i32
    %sign3A_304 = arith.cmpi sgt, %arg1, %sign3A_303 : i32
    %sign3A_305 = arith.extui %sign3A_304 : i1 to i32
    %sign3A_306 = arith.constant 0 : i32
    %sign3A_307 = arith.cmpi slt, %arg1, %sign3A_306 : i32
    %sign3A_308 = arith.extui %sign3A_307 : i1 to i32
    %sign3A_309 = arith.subi %sign3A_305, %sign3A_308 : i32
    %sign3A_310 = arith.constant 0 : i32
    %sign3A_311 = arith.cmpi sgt, %jit3A_301, %sign3A_310 : i32
    %sign3A_312 = arith.extui %sign3A_311 : i1 to i32
    %sign3A_313 = arith.constant 0 : i32
    %sign3A_314 = arith.cmpi slt, %jit3A_301, %sign3A_313 : i32
    %sign3A_315 = arith.extui %sign3A_314 : i1 to i32
    %sign3A_316 = arith.subi %sign3A_312, %sign3A_315 : i32
    %ne3A_317 = arith.cmpi ne, %sign3A_309, %sign3A_316 : i32
    %rem3A_318 = arith.remsi %arg1, %jit3A_301 : i32
    %ne3A_319 = arith.constant 0 : i32
    %ne3A_320 = arith.cmpi ne, %rem3A_318, %ne3A_319 : i32
    %and3A_321 = arith.andi %ne3A_317, %ne3A_320 : i1
    %sub3A_322 = arith.constant 1 : i32
    %sub3A_323 = arith.subi %div3A_302, %sub3A_322 : i32
    %select_n3A_324 = arith.select %and3A_321, %sub3A_323, %div3A_302 : i32
    %jit3A_325 = arith.constant 8 : i32
    %eq3A_326 = arith.constant 0 : i32
    %eq3A_327 = arith.cmpi eq, %jit3A_325, %eq3A_326 : i32
    %jit3A_328 = arith.constant 1 : i32
    %select_n3A_329 = arith.select %eq3A_327, %jit3A_328, %jit3A_325 : i32
    %rem3A_330 = arith.remsi %arg1, %select_n3A_329 : i32
    %ne3A_331 = arith.constant 0 : i32
    %ne3A_332 = arith.cmpi ne, %rem3A_330, %ne3A_331 : i32
    %lt3A_333 = arith.constant 0 : i32
    %lt3A_334 = arith.cmpi slt, %rem3A_330, %lt3A_333 : i32
    %lt3A_335 = arith.constant 0 : i32
    %lt3A_336 = arith.cmpi slt, %select_n3A_329, %lt3A_335 : i32
    %ne3A_337 = arith.xori %lt3A_334, %lt3A_336 : i1
    %and3A_338 = arith.andi %ne3A_337, %ne3A_332 : i1
    %add3A_339 = arith.addi %rem3A_330, %select_n3A_329 : i32
    %select_n3A_340 = arith.select %and3A_338, %add3A_339, %rem3A_330 : i32
    %dma_start3A_341 = arith.constant 1 : i32
    %dma_start3A_342 = arith.constant 0 : i32
    %dma_start3A_343 = arith.constant 0 : i32
    %dma_start3A_344 = tpu.memref_slice %arg6[%dma_start3A_341, %dma_start3A_342, %dma_start3A_343] : memref<2x208x128xf32, #tpu.memory_space<vmem>> -> memref<1x208x128xf32, #tpu.memory_space<vmem>>
    %dma_start3A_345 = tpu.memref_squeeze %dma_start3A_344 : memref<1x208x128xf32, #tpu.memory_space<vmem>> -> memref<208x128xf32, #tpu.memory_space<vmem>>
    %dma_start3A_346 = arith.constant 0 : i32
    %dma_start3A_347 = tpu.memref_slice %arg3[%select_n3A_324, %add3A_284, %select_n3A_340, %dma_start3A_346] : memref<2x2500x8x128xf32, #tpu.memory_space<hbm>> -> memref<1x208x1x128xf32, #tpu.memory_space<hbm>>
    %dma_start3A_348 = tpu.memref_squeeze %dma_start3A_347 : memref<1x208x1x128xf32, #tpu.memory_space<hbm>> -> memref<208x128xf32, #tpu.memory_space<hbm>>
    %dma_start3A_349 = arith.constant 0 : i32
    %dma_start3A_350 = arith.constant 0 : i32
    %dma_start3A_351 = tpu.memref_slice %arg6[%dma_start3A_341, %dma_start3A_349, %dma_start3A_350] : memref<2x208x128xf32, #tpu.memory_space<vmem>> -> memref<1x208x128xf32, #tpu.memory_space<vmem>>
    %dma_start3A_352 = tpu.memref_squeeze %dma_start3A_351 : memref<1x208x128xf32, #tpu.memory_space<vmem>> -> memref<208x128xf32, #tpu.memory_space<vmem>>
    %dma_start3A_353 = arith.constant 0 : i32
    %dma_start3A_354 = tpu.memref_slice %arg3[%select_n3A_324, %add3A_284, %select_n3A_340, %dma_start3A_353] : memref<2x2500x8x128xf32, #tpu.memory_space<hbm>> -> memref<1x208x1x128xf32, #tpu.memory_space<hbm>>
    %dma_start3A_355 = tpu.memref_squeeze %dma_start3A_354 : memref<1x208x1x128xf32, #tpu.memory_space<hbm>> -> memref<208x128xf32, #tpu.memory_space<hbm>>
    tpu.enqueue_dma source(%dma_start3A_355 : memref<208x128xf32, #tpu.memory_space<hbm>>) target(%dma_start3A_352 : memref<208x128xf32, #tpu.memory_space<vmem>>) target_semaphore(%arg9 : memref<!tpu.dma_semaphore, #tpu.memory_space<semaphore_mem>>)
    %dma_wait3A_356 = arith.constant 1 : i32
    %dma_wait3A_357 = arith.constant 0 : i32
    %dma_wait3A_358 = arith.constant 0 : i32
    %dma_wait3A_359 = arith.constant 0 : i32
    %dma_wait3A_360 = tpu.memref_slice %arg5[%dma_wait3A_357, %dma_wait3A_358, %dma_wait3A_359] : memref<2x208x128xi32, #tpu.memory_space<vmem>> -> memref<1x208x128xi32, #tpu.memory_space<vmem>>
    %dma_wait3A_361 = tpu.memref_squeeze %dma_wait3A_360 : memref<1x208x128xi32, #tpu.memory_space<vmem>> -> memref<208x128xi32, #tpu.memory_space<vmem>>
    %dma_wait3A_362 = arith.constant 0 : i32
    %dma_wait3A_363 = tpu.memref_slice %arg2[%add3A_175, %dma_wait3A_356, %dma_wait3A_362] : memref<2500x2x128xi32, #tpu.memory_space<hbm>> -> memref<208x1x128xi32, #tpu.memory_space<hbm>>
    %dma_wait3A_364 = tpu.memref_squeeze %dma_wait3A_363 : memref<208x1x128xi32, #tpu.memory_space<hbm>> -> memref<208x128xi32, #tpu.memory_space<hbm>>
    %dma_wait3A_365 = arith.constant 0 : i32
    %dma_wait3A_366 = arith.constant 0 : i32
    %dma_wait3A_367 = tpu.memref_slice %arg5[%dma_wait3A_357, %dma_wait3A_365, %dma_wait3A_366] : memref<2x208x128xi32, #tpu.memory_space<vmem>> -> memref<1x208x128xi32, #tpu.memory_space<vmem>>
    %dma_wait3A_368 = tpu.memref_squeeze %dma_wait3A_367 : memref<1x208x128xi32, #tpu.memory_space<vmem>> -> memref<208x128xi32, #tpu.memory_space<vmem>>
    %dma_wait3A_369 = arith.constant 0 : i32
    %dma_wait3A_370 = tpu.memref_slice %arg2[%add3A_175, %dma_wait3A_356, %dma_wait3A_369] : memref<2500x2x128xi32, #tpu.memory_space<hbm>> -> memref<208x1x128xi32, #tpu.memory_space<hbm>>
    %dma_wait3A_371 = tpu.memref_squeeze %dma_wait3A_370 : memref<208x1x128xi32, #tpu.memory_space<hbm>> -> memref<208x128xi32, #tpu.memory_space<hbm>>
    tpu.wait_dma2 semaphore(%arg8 : memref<!tpu.dma_semaphore, #tpu.memory_space<semaphore_mem>>) src(%dma_wait3A_371 : memref<208x128xi32, #tpu.memory_space<hbm>>) dst(%dma_wait3A_368 : memref<208x128xi32, #tpu.memory_space<vmem>>)
    %dma_wait3A_372 = arith.constant 0 : i32
    %dma_wait3A_373 = arith.constant 0 : i32
    %dma_wait3A_374 = arith.constant 0 : i32
    %dma_wait3A_375 = tpu.memref_slice %arg6[%dma_wait3A_372, %dma_wait3A_373, %dma_wait3A_374] : memref<2x208x128xf32, #tpu.memory_space<vmem>> -> memref<1x208x128xf32, #tpu.memory_space<vmem>>
    %dma_wait3A_376 = tpu.memref_squeeze %dma_wait3A_375 : memref<1x208x128xf32, #tpu.memory_space<vmem>> -> memref<208x128xf32, #tpu.memory_space<vmem>>
    %dma_wait3A_377 = arith.constant 0 : i32
    %dma_wait3A_378 = tpu.memref_slice %arg3[%select_n3A_215, %add3A_175, %select_n3A_231, %dma_wait3A_377] : memref<2x2500x8x128xf32, #tpu.memory_space<hbm>> -> memref<1x208x1x128xf32, #tpu.memory_space<hbm>>
    %dma_wait3A_379 = tpu.memref_squeeze %dma_wait3A_378 : memref<1x208x1x128xf32, #tpu.memory_space<hbm>> -> memref<208x128xf32, #tpu.memory_space<hbm>>
    %dma_wait3A_380 = arith.constant 0 : i32
    %dma_wait3A_381 = arith.constant 0 : i32
    %dma_wait3A_382 = tpu.memref_slice %arg6[%dma_wait3A_372, %dma_wait3A_380, %dma_wait3A_381] : memref<2x208x128xf32, #tpu.memory_space<vmem>> -> memref<1x208x128xf32, #tpu.memory_space<vmem>>
    %dma_wait3A_383 = tpu.memref_squeeze %dma_wait3A_382 : memref<1x208x128xf32, #tpu.memory_space<vmem>> -> memref<208x128xf32, #tpu.memory_space<vmem>>
    %dma_wait3A_384 = arith.constant 0 : i32
    %dma_wait3A_385 = tpu.memref_slice %arg3[%select_n3A_215, %add3A_175, %select_n3A_231, %dma_wait3A_384] : memref<2x2500x8x128xf32, #tpu.memory_space<hbm>> -> memref<1x208x1x128xf32, #tpu.memory_space<hbm>>
    %dma_wait3A_386 = tpu.memref_squeeze %dma_wait3A_385 : memref<1x208x1x128xf32, #tpu.memory_space<hbm>> -> memref<208x128xf32, #tpu.memory_space<hbm>>
    tpu.wait_dma2 semaphore(%arg8 : memref<!tpu.dma_semaphore, #tpu.memory_space<semaphore_mem>>) src(%dma_wait3A_386 : memref<208x128xf32, #tpu.memory_space<hbm>>) dst(%dma_wait3A_383 : memref<208x128xf32, #tpu.memory_space<vmem>>)
    %parallel_loop3A_387 = arith.constant 0 : i32
    %parallel_loop3A_388 = arith.constant 208 : i32
    %parallel_loop3A_389 = arith.constant 1 : i32
    scf.for %parallel_loop3A_645 = %parallel_loop3A_387 to %parallel_loop3A_388 step %parallel_loop3A_389  : i32 {
      %parallel_loop3A_646 = arith.constant 0 : i32
      %parallel_loop3A_647 = arith.index_cast %parallel_loop3A_646 : i32 to index
      %parallel_loop3A_648 = arith.index_cast %parallel_loop3A_645 : i32 to index
      %parallel_loop3A_649 = arith.constant 0 : index
      %parallel_loop3A_650 = tpu.vector_load %arg5[%parallel_loop3A_647, %parallel_loop3A_648, %parallel_loop3A_649] {strides = array<i32>} : memref<2x208x128xi32, #tpu.memory_space<vmem>>, vector<16xi32>,
      %parallel_loop3A_651 = arith.constant 0 : i32
      %parallel_loop3A_652 = arith.index_cast %parallel_loop3A_651 : i32 to index
      %parallel_loop3A_653 = arith.index_cast %parallel_loop3A_645 : i32 to index
      %parallel_loop3A_654 = arith.constant 0 : index
      %parallel_loop3A_655 = tpu.vector_load %arg6[%parallel_loop3A_652, %parallel_loop3A_653, %parallel_loop3A_654] {strides = array<i32>} : memref<2x208x128xf32, #tpu.memory_space<vmem>>, vector<16xf32>,
      tpu.vector_store_idx %arg7[%parallel_loop3A_650], %parallel_loop3A_655 {add = true} : memref<10240xf32, #tpu.memory_space<vmem>>[vector<16xi32>], vector<16xf32>,
      %parallel_loop3A_656 = arith.constant 0 : i32
      %parallel_loop3A_657 = arith.index_cast %parallel_loop3A_656 : i32 to index
      %parallel_loop3A_658 = arith.index_cast %parallel_loop3A_645 : i32 to index
      %parallel_loop3A_659 = arith.constant 16 : index
      %parallel_loop3A_660 = tpu.vector_load %arg5[%parallel_loop3A_657, %parallel_loop3A_658, %parallel_loop3A_659] {strides = array<i32>} : memref<2x208x128xi32, #tpu.memory_space<vmem>>, vector<16xi32>,
      %parallel_loop3A_661 = arith.constant 0 : i32
      %parallel_loop3A_662 = arith.index_cast %parallel_loop3A_661 : i32 to index
      %parallel_loop3A_663 = arith.index_cast %parallel_loop3A_645 : i32 to index
      %parallel_loop3A_664 = arith.constant 16 : index
      %parallel_loop3A_665 = tpu.vector_load %arg6[%parallel_loop3A_662, %parallel_loop3A_663, %parallel_loop3A_664] {strides = array<i32>} : memref<2x208x128xf32, #tpu.memory_space<vmem>>, vector<16xf32>,
      tpu.vector_store_idx %arg7[%parallel_loop3A_660], %parallel_loop3A_665 {add = true} : memref<10240xf32, #tpu.memory_space<vmem>>[vector<16xi32>], vector<16xf32>,
      %parallel_loop3A_666 = arith.constant 0 : i32
      %parallel_loop3A_667 = arith.index_cast %parallel_loop3A_666 : i32 to index
      %parallel_loop3A_668 = arith.index_cast %parallel_loop3A_645 : i32 to index
      %parallel_loop3A_669 = arith.constant 32 : index
      %parallel_loop3A_670 = tpu.vector_load %arg5[%parallel_loop3A_667, %parallel_loop3A_668, %parallel_loop3A_669] {strides = array<i32>} : memref<2x208x128xi32, #tpu.memory_space<vmem>>, vector<16xi32>,
      %parallel_loop3A_671 = arith.constant 0 : i32
      %parallel_loop3A_672 = arith.index_cast %parallel_loop3A_671 : i32 to index
      %parallel_loop3A_673 = arith.index_cast %parallel_loop3A_645 : i32 to index
      %parallel_loop3A_674 = arith.constant 32 : index
      %parallel_loop3A_675 = tpu.vector_load %arg6[%parallel_loop3A_672, %parallel_loop3A_673, %parallel_loop3A_674] {strides = array<i32>} : memref<2x208x128xf32, #tpu.memory_space<vmem>>, vector<16xf32>,
      tpu.vector_store_idx %arg7[%parallel_loop3A_670], %parallel_loop3A_675 {add = true} : memref<10240xf32, #tpu.memory_space<vmem>>[vector<16xi32>], vector<16xf32>,
      %parallel_loop3A_676 = arith.constant 0 : i32
      %parallel_loop3A_677 = arith.index_cast %parallel_loop3A_676 : i32 to index
      %parallel_loop3A_678 = arith.index_cast %parallel_loop3A_645 : i32 to index
      %parallel_loop3A_679 = arith.constant 48 : index
      %parallel_loop3A_680 = tpu.vector_load %arg5[%parallel_loop3A_677, %parallel_loop3A_678, %parallel_loop3A_679] {strides = array<i32>} : memref<2x208x128xi32, #tpu.memory_space<vmem>>, vector<16xi32>,
      %parallel_loop3A_681 = arith.constant 0 : i32
      %parallel_loop3A_682 = arith.index_cast %parallel_loop3A_681 : i32 to index
      %parallel_loop3A_683 = arith.index_cast %parallel_loop3A_645 : i32 to index
      %parallel_loop3A_684 = arith.constant 48 : index
      %parallel_loop3A_685 = tpu.vector_load %arg6[%parallel_loop3A_682, %parallel_loop3A_683, %parallel_loop3A_684] {strides = array<i32>} : memref<2x208x128xf32, #tpu.memory_space<vmem>>, vector<16xf32>,
      tpu.vector_store_idx %arg7[%parallel_loop3A_680], %parallel_loop3A_685 {add = true} : memref<10240xf32, #tpu.memory_space<vmem>>[vector<16xi32>], vector<16xf32>,
      %parallel_loop3A_686 = arith.constant 0 : i32
      %parallel_loop3A_687 = arith.index_cast %parallel_loop3A_686 : i32 to index
      %parallel_loop3A_688 = arith.index_cast %parallel_loop3A_645 : i32 to index
      %parallel_loop3A_689 = arith.constant 64 : index
      %parallel_loop3A_690 = tpu.vector_load %arg5[%parallel_loop3A_687, %parallel_loop3A_688, %parallel_loop3A_689] {strides = array<i32>} : memref<2x208x128xi32, #tpu.memory_space<vmem>>, vector<16xi32>,
      %parallel_loop3A_691 = arith.constant 0 : i32
      %parallel_loop3A_692 = arith.index_cast %parallel_loop3A_691 : i32 to index
      %parallel_loop3A_693 = arith.index_cast %parallel_loop3A_645 : i32 to index
      %parallel_loop3A_694 = arith.constant 64 : index
      %parallel_loop3A_695 = tpu.vector_load %arg6[%parallel_loop3A_692, %parallel_loop3A_693, %parallel_loop3A_694] {strides = array<i32>} : memref<2x208x128xf32, #tpu.memory_space<vmem>>, vector<16xf32>,
      tpu.vector_store_idx %arg7[%parallel_loop3A_690], %parallel_loop3A_695 {add = true} : memref<10240xf32, #tpu.memory_space<vmem>>[vector<16xi32>], vector<16xf32>,
      %parallel_loop3A_696 = arith.constant 0 : i32
      %parallel_loop3A_697 = arith.index_cast %parallel_loop3A_696 : i32 to index
      %parallel_loop3A_698 = arith.index_cast %parallel_loop3A_645 : i32 to index
      %parallel_loop3A_699 = arith.constant 80 : index
      %parallel_loop3A_700 = tpu.vector_load %arg5[%parallel_loop3A_697, %parallel_loop3A_698, %parallel_loop3A_699] {strides = array<i32>} : memref<2x208x128xi32, #tpu.memory_space<vmem>>, vector<16xi32>,
      %parallel_loop3A_701 = arith.constant 0 : i32
      %parallel_loop3A_702 = arith.index_cast %parallel_loop3A_701 : i32 to index
      %parallel_loop3A_703 = arith.index_cast %parallel_loop3A_645 : i32 to index
      %parallel_loop3A_704 = arith.constant 80 : index
      %parallel_loop3A_705 = tpu.vector_load %arg6[%parallel_loop3A_702, %parallel_loop3A_703, %parallel_loop3A_704] {strides = array<i32>} : memref<2x208x128xf32, #tpu.memory_space<vmem>>, vector<16xf32>,
      tpu.vector_store_idx %arg7[%parallel_loop3A_700], %parallel_loop3A_705 {add = true} : memref<10240xf32, #tpu.memory_space<vmem>>[vector<16xi32>], vector<16xf32>,
      %parallel_loop3A_706 = arith.constant 0 : i32
      %parallel_loop3A_707 = arith.index_cast %parallel_loop3A_706 : i32 to index
      %parallel_loop3A_708 = arith.index_cast %parallel_loop3A_645 : i32 to index
      %parallel_loop3A_709 = arith.constant 96 : index
      %parallel_loop3A_710 = tpu.vector_load %arg5[%parallel_loop3A_707, %parallel_loop3A_708, %parallel_loop3A_709] {strides = array<i32>} : memref<2x208x128xi32, #tpu.memory_space<vmem>>, vector<16xi32>,
      %parallel_loop3A_711 = arith.constant 0 : i32
      %parallel_loop3A_712 = arith.index_cast %parallel_loop3A_711 : i32 to index
      %parallel_loop3A_713 = arith.index_cast %parallel_loop3A_645 : i32 to index
      %parallel_loop3A_714 = arith.constant 96 : index
      %parallel_loop3A_715 = tpu.vector_load %arg6[%parallel_loop3A_712, %parallel_loop3A_713, %parallel_loop3A_714] {strides = array<i32>} : memref<2x208x128xf32, #tpu.memory_space<vmem>>, vector<16xf32>,
      tpu.vector_store_idx %arg7[%parallel_loop3A_710], %parallel_loop3A_715 {add = true} : memref<10240xf32, #tpu.memory_space<vmem>>[vector<16xi32>], vector<16xf32>,
      %parallel_loop3A_716 = arith.constant 0 : i32
      %parallel_loop3A_717 = arith.index_cast %parallel_loop3A_716 : i32 to index
      %parallel_loop3A_718 = arith.index_cast %parallel_loop3A_645 : i32 to index
      %parallel_loop3A_719 = arith.constant 112 : index
      %parallel_loop3A_720 = tpu.vector_load %arg5[%parallel_loop3A_717, %parallel_loop3A_718, %parallel_loop3A_719] {strides = array<i32>} : memref<2x208x128xi32, #tpu.memory_space<vmem>>, vector<16xi32>,
      %parallel_loop3A_721 = arith.constant 0 : i32
      %parallel_loop3A_722 = arith.index_cast %parallel_loop3A_721 : i32 to index
      %parallel_loop3A_723 = arith.index_cast %parallel_loop3A_645 : i32 to index
      %parallel_loop3A_724 = arith.constant 112 : index
      %parallel_loop3A_725 = tpu.vector_load %arg6[%parallel_loop3A_722, %parallel_loop3A_723, %parallel_loop3A_724] {strides = array<i32>} : memref<2x208x128xf32, #tpu.memory_space<vmem>>, vector<16xf32>,
      tpu.vector_store_idx %arg7[%parallel_loop3A_720], %parallel_loop3A_725 {add = true} : memref<10240xf32, #tpu.memory_space<vmem>>[vector<16xi32>], vector<16xf32>,
    } {sc.loop_unroll_factor = 4 : i64, sc.parallel_access}
    %mul3A_390 = arith.constant 1248 : i32
    %mul3A_391 = arith.muli %arg0, %mul3A_390 : i32
    %add3A_392 = arith.constant 832 : i32
    %add3A_393 = arith.addi %mul3A_391, %add3A_392 : i32
    %dma_start3A_394 = arith.constant 1 : i32
    %dma_start3A_395 = arith.constant 0 : i32
    %dma_start3A_396 = arith.constant 0 : i32
    %dma_start3A_397 = arith.constant 0 : i32
    %dma_start3A_398 = tpu.memref_slice %arg5[%dma_start3A_395, %dma_start3A_396, %dma_start3A_397] : memref<2x208x128xi32, #tpu.memory_space<vmem>> -> memref<1x208x128xi32, #tpu.memory_space<vmem>>
    %dma_start3A_399 = tpu.memref_squeeze %dma_start3A_398 : memref<1x208x128xi32, #tpu.memory_space<vmem>> -> memref<208x128xi32, #tpu.memory_space<vmem>>
    %dma_start3A_400 = arith.constant 0 : i32
    %dma_start3A_401 = tpu.memref_slice %arg2[%add3A_393, %dma_start3A_394, %dma_start3A_400] : memref<2500x2x128xi32, #tpu.memory_space<hbm>> -> memref<208x1x128xi32, #tpu.memory_space<hbm>>
    %dma_start3A_402 = tpu.memref_squeeze %dma_start3A_401 : memref<208x1x128xi32, #tpu.memory_space<hbm>> -> memref<208x128xi32, #tpu.memory_space<hbm>>
    %dma_start3A_403 = arith.constant 0 : i32
    %dma_start3A_404 = arith.constant 0 : i32
    %dma_start3A_405 = tpu.memref_slice %arg5[%dma_start3A_395, %dma_start3A_403, %dma_start3A_404] : memref<2x208x128xi32, #tpu.memory_space<vmem>> -> memref<1x208x128xi32, #tpu.memory_space<vmem>>
    %dma_start3A_406 = tpu.memref_squeeze %dma_start3A_405 : memref<1x208x128xi32, #tpu.memory_space<vmem>> -> memref<208x128xi32, #tpu.memory_space<vmem>>
    %dma_start3A_407 = arith.constant 0 : i32
    %dma_start3A_408 = tpu.memref_slice %arg2[%add3A_393, %dma_start3A_394, %dma_start3A_407] : memref<2500x2x128xi32, #tpu.memory_space<hbm>> -> memref<208x1x128xi32, #tpu.memory_space<hbm>>
    %dma_start3A_409 = tpu.memref_squeeze %dma_start3A_408 : memref<208x1x128xi32, #tpu.memory_space<hbm>> -> memref<208x128xi32, #tpu.memory_space<hbm>>
    tpu.enqueue_dma source(%dma_start3A_409 : memref<208x128xi32, #tpu.memory_space<hbm>>) target(%dma_start3A_406 : memref<208x128xi32, #tpu.memory_space<vmem>>) target_semaphore(%arg8 : memref<!tpu.dma_semaphore, #tpu.memory_space<semaphore_mem>>)
    %jit3A_410 = arith.constant 8 : i32
    %div3A_411 = arith.divsi %arg1, %jit3A_410 : i32
    %sign3A_412 = arith.constant 0 : i32
    %sign3A_413 = arith.cmpi sgt, %arg1, %sign3A_412 : i32
    %sign3A_414 = arith.extui %sign3A_413 : i1 to i32
    %sign3A_415 = arith.constant 0 : i32
    %sign3A_416 = arith.cmpi slt, %arg1, %sign3A_415 : i32
    %sign3A_417 = arith.extui %sign3A_416 : i1 to i32
    %sign3A_418 = arith.subi %sign3A_414, %sign3A_417 : i32
    %sign3A_419 = arith.constant 0 : i32
    %sign3A_420 = arith.cmpi sgt, %jit3A_410, %sign3A_419 : i32
    %sign3A_421 = arith.extui %sign3A_420 : i1 to i32
    %sign3A_422 = arith.constant 0 : i32
    %sign3A_423 = arith.cmpi slt, %jit3A_410, %sign3A_422 : i32
    %sign3A_424 = arith.extui %sign3A_423 : i1 to i32
    %sign3A_425 = arith.subi %sign3A_421, %sign3A_424 : i32
    %ne3A_426 = arith.cmpi ne, %sign3A_418, %sign3A_425 : i32
    %rem3A_427 = arith.remsi %arg1, %jit3A_410 : i32
    %ne3A_428 = arith.constant 0 : i32
    %ne3A_429 = arith.cmpi ne, %rem3A_427, %ne3A_428 : i32
    %and3A_430 = arith.andi %ne3A_426, %ne3A_429 : i1
    %sub3A_431 = arith.constant 1 : i32
    %sub3A_432 = arith.subi %div3A_411, %sub3A_431 : i32
    %select_n3A_433 = arith.select %and3A_430, %sub3A_432, %div3A_411 : i32
    %jit3A_434 = arith.constant 8 : i32
    %eq3A_435 = arith.constant 0 : i32
    %eq3A_436 = arith.cmpi eq, %jit3A_434, %eq3A_435 : i32
    %jit3A_437 = arith.constant 1 : i32
    %select_n3A_438 = arith.select %eq3A_436, %jit3A_437, %jit3A_434 : i32
    %rem3A_439 = arith.remsi %arg1, %select_n3A_438 : i32
    %ne3A_440 = arith.constant 0 : i32
    %ne3A_441 = arith.cmpi ne, %rem3A_439, %ne3A_440 : i32
    %lt3A_442 = arith.constant 0 : i32
    %lt3A_443 = arith.cmpi slt, %rem3A_439, %lt3A_442 : i32
    %lt3A_444 = arith.constant 0 : i32
    %lt3A_445 = arith.cmpi slt, %select_n3A_438, %lt3A_444 : i32
    %ne3A_446 = arith.xori %lt3A_443, %lt3A_445 : i1
    %and3A_447 = arith.andi %ne3A_446, %ne3A_441 : i1
    %add3A_448 = arith.addi %rem3A_439, %select_n3A_438 : i32
    %select_n3A_449 = arith.select %and3A_447, %add3A_448, %rem3A_439 : i32
    %dma_start3A_450 = arith.constant 0 : i32
    %dma_start3A_451 = arith.constant 0 : i32
    %dma_start3A_452 = arith.constant 0 : i32
    %dma_start3A_453 = tpu.memref_slice %arg6[%dma_start3A_450, %dma_start3A_451, %dma_start3A_452] : memref<2x208x128xf32, #tpu.memory_space<vmem>> -> memref<1x208x128xf32, #tpu.memory_space<vmem>>
    %dma_start3A_454 = tpu.memref_squeeze %dma_start3A_453 : memref<1x208x128xf32, #tpu.memory_space<vmem>> -> memref<208x128xf32, #tpu.memory_space<vmem>>
    %dma_start3A_455 = arith.constant 0 : i32
    %dma_start3A_456 = tpu.memref_slice %arg3[%select_n3A_433, %add3A_393, %select_n3A_449, %dma_start3A_455] : memref<2x2500x8x128xf32, #tpu.memory_space<hbm>> -> memref<1x208x1x128xf32, #tpu.memory_space<hbm>>
    %dma_start3A_457 = tpu.memref_squeeze %dma_start3A_456 : memref<1x208x1x128xf32, #tpu.memory_space<hbm>> -> memref<208x128xf32, #tpu.memory_space<hbm>>
    %dma_start3A_458 = arith.constant 0 : i32
    %dma_start3A_459 = arith.constant 0 : i32
    %dma_start3A_460 = tpu.memref_slice %arg6[%dma_start3A_450, %dma_start3A_458, %dma_start3A_459] : memref<2x208x128xf32, #tpu.memory_space<vmem>> -> memref<1x208x128xf32, #tpu.memory_space<vmem>>
    %dma_start3A_461 = tpu.memref_squeeze %dma_start3A_460 : memref<1x208x128xf32, #tpu.memory_space<vmem>> -> memref<208x128xf32, #tpu.memory_space<vmem>>
    %dma_start3A_462 = arith.constant 0 : i32
    %dma_start3A_463 = tpu.memref_slice %arg3[%select_n3A_433, %add3A_393, %select_n3A_449, %dma_start3A_462] : memref<2x2500x8x128xf32, #tpu.memory_space<hbm>> -> memref<1x208x1x128xf32, #tpu.memory_space<hbm>>
    %dma_start3A_464 = tpu.memref_squeeze %dma_start3A_463 : memref<1x208x1x128xf32, #tpu.memory_space<hbm>> -> memref<208x128xf32, #tpu.memory_space<hbm>>
    tpu.enqueue_dma source(%dma_start3A_464 : memref<208x128xf32, #tpu.memory_space<hbm>>) target(%dma_start3A_461 : memref<208x128xf32, #tpu.memory_space<vmem>>) target_semaphore(%arg8 : memref<!tpu.dma_semaphore, #tpu.memory_space<semaphore_mem>>)
    %dma_wait3A_465 = arith.constant 1 : i32
    %dma_wait3A_466 = arith.constant 1 : i32
    %dma_wait3A_467 = arith.constant 0 : i32
    %dma_wait3A_468 = arith.constant 0 : i32
    %dma_wait3A_469 = tpu.memref_slice %arg5[%dma_wait3A_466, %dma_wait3A_467, %dma_wait3A_468] : memref<2x208x128xi32, #tpu.memory_space<vmem>> -> memref<1x208x128xi32, #tpu.memory_space<vmem>>
    %dma_wait3A_470 = tpu.memref_squeeze %dma_wait3A_469 : memref<1x208x128xi32, #tpu.memory_space<vmem>> -> memref<208x128xi32, #tpu.memory_space<vmem>>
    %dma_wait3A_471 = arith.constant 0 : i32
    %dma_wait3A_472 = tpu.memref_slice %arg2[%add3A_284, %dma_wait3A_465, %dma_wait3A_471] : memref<2500x2x128xi32, #tpu.memory_space<hbm>> -> memref<208x1x128xi32, #tpu.memory_space<hbm>>
    %dma_wait3A_473 = tpu.memref_squeeze %dma_wait3A_472 : memref<208x1x128xi32, #tpu.memory_space<hbm>> -> memref<208x128xi32, #tpu.memory_space<hbm>>
    %dma_wait3A_474 = arith.constant 0 : i32
    %dma_wait3A_475 = arith.constant 0 : i32
    %dma_wait3A_476 = tpu.memref_slice %arg5[%dma_wait3A_466, %dma_wait3A_474, %dma_wait3A_475] : memref<2x208x128xi32, #tpu.memory_space<vmem>> -> memref<1x208x128xi32, #tpu.memory_space<vmem>>
    %dma_wait3A_477 = tpu.memref_squeeze %dma_wait3A_476 : memref<1x208x128xi32, #tpu.memory_space<vmem>> -> memref<208x128xi32, #tpu.memory_space<vmem>>
    %dma_wait3A_478 = arith.constant 0 : i32
    %dma_wait3A_479 = tpu.memref_slice %arg2[%add3A_284, %dma_wait3A_465, %dma_wait3A_478] : memref<2500x2x128xi32, #tpu.memory_space<hbm>> -> memref<208x1x128xi32, #tpu.memory_space<hbm>>
    %dma_wait3A_480 = tpu.memref_squeeze %dma_wait3A_479 : memref<208x1x128xi32, #tpu.memory_space<hbm>> -> memref<208x128xi32, #tpu.memory_space<hbm>>
    tpu.wait_dma2 semaphore(%arg9 : memref<!tpu.dma_semaphore, #tpu.memory_space<semaphore_mem>>) src(%dma_wait3A_480 : memref<208x128xi32, #tpu.memory_space<hbm>>) dst(%dma_wait3A_477 : memref<208x128xi32, #tpu.memory_space<vmem>>)
    %dma_wait3A_481 = arith.constant 1 : i32
    %dma_wait3A_482 = arith.constant 0 : i32
    %dma_wait3A_483 = arith.constant 0 : i32
    %dma_wait3A_484 = tpu.memref_slice %arg6[%dma_wait3A_481, %dma_wait3A_482, %dma_wait3A_483] : memref<2x208x128xf32, #tpu.memory_space<vmem>> -> memref<1x208x128xf32, #tpu.memory_space<vmem>>
    %dma_wait3A_485 = tpu.memref_squeeze %dma_wait3A_484 : memref<1x208x128xf32, #tpu.memory_space<vmem>> -> memref<208x128xf32, #tpu.memory_space<vmem>>
    %dma_wait3A_486 = arith.constant 0 : i32
    %dma_wait3A_487 = tpu.memref_slice %arg3[%select_n3A_324, %add3A_284, %select_n3A_340, %dma_wait3A_486] : memref<2x2500x8x128xf32, #tpu.memory_space<hbm>> -> memref<1x208x1x128xf32, #tpu.memory_space<hbm>>
    %dma_wait3A_488 = tpu.memref_squeeze %dma_wait3A_487 : memref<1x208x1x128xf32, #tpu.memory_space<hbm>> -> memref<208x128xf32, #tpu.memory_space<hbm>>
    %dma_wait3A_489 = arith.constant 0 : i32
    %dma_wait3A_490 = arith.constant 0 : i32
    %dma_wait3A_491 = tpu.memref_slice %arg6[%dma_wait3A_481, %dma_wait3A_489, %dma_wait3A_490] : memref<2x208x128xf32, #tpu.memory_space<vmem>> -> memref<1x208x128xf32, #tpu.memory_space<vmem>>
    %dma_wait3A_492 = tpu.memref_squeeze %dma_wait3A_491 : memref<1x208x128xf32, #tpu.memory_space<vmem>> -> memref<208x128xf32, #tpu.memory_space<vmem>>
    %dma_wait3A_493 = arith.constant 0 : i32
    %dma_wait3A_494 = tpu.memref_slice %arg3[%select_n3A_324, %add3A_284, %select_n3A_340, %dma_wait3A_493] : memref<2x2500x8x128xf32, #tpu.memory_space<hbm>> -> memref<1x208x1x128xf32, #tpu.memory_space<hbm>>
    %dma_wait3A_495 = tpu.memref_squeeze %dma_wait3A_494 : memref<1x208x1x128xf32, #tpu.memory_space<hbm>> -> memref<208x128xf32, #tpu.memory_space<hbm>>
    tpu.wait_dma2 semaphore(%arg9 : memref<!tpu.dma_semaphore, #tpu.memory_space<semaphore_mem>>) src(%dma_wait3A_495 : memref<208x128xf32, #tpu.memory_space<hbm>>) dst(%dma_wait3A_492 : memref<208x128xf32, #tpu.memory_space<vmem>>)
    %parallel_loop3A_496 = arith.constant 0 : i32
    %parallel_loop3A_497 = arith.constant 208 : i32
    %parallel_loop3A_498 = arith.constant 1 : i32
    scf.for %parallel_loop3A_645 = %parallel_loop3A_496 to %parallel_loop3A_497 step %parallel_loop3A_498  : i32 {
      %parallel_loop3A_646 = arith.constant 1 : i32
      %parallel_loop3A_647 = arith.index_cast %parallel_loop3A_646 : i32 to index
      %parallel_loop3A_648 = arith.index_cast %parallel_loop3A_645 : i32 to index
      %parallel_loop3A_649 = arith.constant 0 : index
      %parallel_loop3A_650 = tpu.vector_load %arg5[%parallel_loop3A_647, %parallel_loop3A_648, %parallel_loop3A_649] {strides = array<i32>} : memref<2x208x128xi32, #tpu.memory_space<vmem>>, vector<16xi32>,
      %parallel_loop3A_651 = arith.constant 1 : i32
      %parallel_loop3A_652 = arith.index_cast %parallel_loop3A_651 : i32 to index
      %parallel_loop3A_653 = arith.index_cast %parallel_loop3A_645 : i32 to index
      %parallel_loop3A_654 = arith.constant 0 : index
      %parallel_loop3A_655 = tpu.vector_load %arg6[%parallel_loop3A_652, %parallel_loop3A_653, %parallel_loop3A_654] {strides = array<i32>} : memref<2x208x128xf32, #tpu.memory_space<vmem>>, vector<16xf32>,
      tpu.vector_store_idx %arg7[%parallel_loop3A_650], %parallel_loop3A_655 {add = true} : memref<10240xf32, #tpu.memory_space<vmem>>[vector<16xi32>], vector<16xf32>,
      %parallel_loop3A_656 = arith.constant 1 : i32
      %parallel_loop3A_657 = arith.index_cast %parallel_loop3A_656 : i32 to index
      %parallel_loop3A_658 = arith.index_cast %parallel_loop3A_645 : i32 to index
      %parallel_loop3A_659 = arith.constant 16 : index
      %parallel_loop3A_660 = tpu.vector_load %arg5[%parallel_loop3A_657, %parallel_loop3A_658, %parallel_loop3A_659] {strides = array<i32>} : memref<2x208x128xi32, #tpu.memory_space<vmem>>, vector<16xi32>,
      %parallel_loop3A_661 = arith.constant 1 : i32
      %parallel_loop3A_662 = arith.index_cast %parallel_loop3A_661 : i32 to index
      %parallel_loop3A_663 = arith.index_cast %parallel_loop3A_645 : i32 to index
      %parallel_loop3A_664 = arith.constant 16 : index
      %parallel_loop3A_665 = tpu.vector_load %arg6[%parallel_loop3A_662, %parallel_loop3A_663, %parallel_loop3A_664] {strides = array<i32>} : memref<2x208x128xf32, #tpu.memory_space<vmem>>, vector<16xf32>,
      tpu.vector_store_idx %arg7[%parallel_loop3A_660], %parallel_loop3A_665 {add = true} : memref<10240xf32, #tpu.memory_space<vmem>>[vector<16xi32>], vector<16xf32>,
      %parallel_loop3A_666 = arith.constant 1 : i32
      %parallel_loop3A_667 = arith.index_cast %parallel_loop3A_666 : i32 to index
      %parallel_loop3A_668 = arith.index_cast %parallel_loop3A_645 : i32 to index
      %parallel_loop3A_669 = arith.constant 32 : index
      %parallel_loop3A_670 = tpu.vector_load %arg5[%parallel_loop3A_667, %parallel_loop3A_668, %parallel_loop3A_669] {strides = array<i32>} : memref<2x208x128xi32, #tpu.memory_space<vmem>>, vector<16xi32>,
      %parallel_loop3A_671 = arith.constant 1 : i32
      %parallel_loop3A_672 = arith.index_cast %parallel_loop3A_671 : i32 to index
      %parallel_loop3A_673 = arith.index_cast %parallel_loop3A_645 : i32 to index
      %parallel_loop3A_674 = arith.constant 32 : index
      %parallel_loop3A_675 = tpu.vector_load %arg6[%parallel_loop3A_672, %parallel_loop3A_673, %parallel_loop3A_674] {strides = array<i32>} : memref<2x208x128xf32, #tpu.memory_space<vmem>>, vector<16xf32>,
      tpu.vector_store_idx %arg7[%parallel_loop3A_670], %parallel_loop3A_675 {add = true} : memref<10240xf32, #tpu.memory_space<vmem>>[vector<16xi32>], vector<16xf32>,
      %parallel_loop3A_676 = arith.constant 1 : i32
      %parallel_loop3A_677 = arith.index_cast %parallel_loop3A_676 : i32 to index
      %parallel_loop3A_678 = arith.index_cast %parallel_loop3A_645 : i32 to index
      %parallel_loop3A_679 = arith.constant 48 : index
      %parallel_loop3A_680 = tpu.vector_load %arg5[%parallel_loop3A_677, %parallel_loop3A_678, %parallel_loop3A_679] {strides = array<i32>} : memref<2x208x128xi32, #tpu.memory_space<vmem>>, vector<16xi32>,
      %parallel_loop3A_681 = arith.constant 1 : i32
      %parallel_loop3A_682 = arith.index_cast %parallel_loop3A_681 : i32 to index
      %parallel_loop3A_683 = arith.index_cast %parallel_loop3A_645 : i32 to index
      %parallel_loop3A_684 = arith.constant 48 : index
      %parallel_loop3A_685 = tpu.vector_load %arg6[%parallel_loop3A_682, %parallel_loop3A_683, %parallel_loop3A_684] {strides = array<i32>} : memref<2x208x128xf32, #tpu.memory_space<vmem>>, vector<16xf32>,
      tpu.vector_store_idx %arg7[%parallel_loop3A_680], %parallel_loop3A_685 {add = true} : memref<10240xf32, #tpu.memory_space<vmem>>[vector<16xi32>], vector<16xf32>,
      %parallel_loop3A_686 = arith.constant 1 : i32
      %parallel_loop3A_687 = arith.index_cast %parallel_loop3A_686 : i32 to index
      %parallel_loop3A_688 = arith.index_cast %parallel_loop3A_645 : i32 to index
      %parallel_loop3A_689 = arith.constant 64 : index
      %parallel_loop3A_690 = tpu.vector_load %arg5[%parallel_loop3A_687, %parallel_loop3A_688, %parallel_loop3A_689] {strides = array<i32>} : memref<2x208x128xi32, #tpu.memory_space<vmem>>, vector<16xi32>,
      %parallel_loop3A_691 = arith.constant 1 : i32
      %parallel_loop3A_692 = arith.index_cast %parallel_loop3A_691 : i32 to index
      %parallel_loop3A_693 = arith.index_cast %parallel_loop3A_645 : i32 to index
      %parallel_loop3A_694 = arith.constant 64 : index
      %parallel_loop3A_695 = tpu.vector_load %arg6[%parallel_loop3A_692, %parallel_loop3A_693, %parallel_loop3A_694] {strides = array<i32>} : memref<2x208x128xf32, #tpu.memory_space<vmem>>, vector<16xf32>,
      tpu.vector_store_idx %arg7[%parallel_loop3A_690], %parallel_loop3A_695 {add = true} : memref<10240xf32, #tpu.memory_space<vmem>>[vector<16xi32>], vector<16xf32>,
      %parallel_loop3A_696 = arith.constant 1 : i32
      %parallel_loop3A_697 = arith.index_cast %parallel_loop3A_696 : i32 to index
      %parallel_loop3A_698 = arith.index_cast %parallel_loop3A_645 : i32 to index
      %parallel_loop3A_699 = arith.constant 80 : index
      %parallel_loop3A_700 = tpu.vector_load %arg5[%parallel_loop3A_697, %parallel_loop3A_698, %parallel_loop3A_699] {strides = array<i32>} : memref<2x208x128xi32, #tpu.memory_space<vmem>>, vector<16xi32>,
      %parallel_loop3A_701 = arith.constant 1 : i32
      %parallel_loop3A_702 = arith.index_cast %parallel_loop3A_701 : i32 to index
      %parallel_loop3A_703 = arith.index_cast %parallel_loop3A_645 : i32 to index
      %parallel_loop3A_704 = arith.constant 80 : index
      %parallel_loop3A_705 = tpu.vector_load %arg6[%parallel_loop3A_702, %parallel_loop3A_703, %parallel_loop3A_704] {strides = array<i32>} : memref<2x208x128xf32, #tpu.memory_space<vmem>>, vector<16xf32>,
      tpu.vector_store_idx %arg7[%parallel_loop3A_700], %parallel_loop3A_705 {add = true} : memref<10240xf32, #tpu.memory_space<vmem>>[vector<16xi32>], vector<16xf32>,
      %parallel_loop3A_706 = arith.constant 1 : i32
      %parallel_loop3A_707 = arith.index_cast %parallel_loop3A_706 : i32 to index
      %parallel_loop3A_708 = arith.index_cast %parallel_loop3A_645 : i32 to index
      %parallel_loop3A_709 = arith.constant 96 : index
      %parallel_loop3A_710 = tpu.vector_load %arg5[%parallel_loop3A_707, %parallel_loop3A_708, %parallel_loop3A_709] {strides = array<i32>} : memref<2x208x128xi32, #tpu.memory_space<vmem>>, vector<16xi32>,
      %parallel_loop3A_711 = arith.constant 1 : i32
      %parallel_loop3A_712 = arith.index_cast %parallel_loop3A_711 : i32 to index
      %parallel_loop3A_713 = arith.index_cast %parallel_loop3A_645 : i32 to index
      %parallel_loop3A_714 = arith.constant 96 : index
      %parallel_loop3A_715 = tpu.vector_load %arg6[%parallel_loop3A_712, %parallel_loop3A_713, %parallel_loop3A_714] {strides = array<i32>} : memref<2x208x128xf32, #tpu.memory_space<vmem>>, vector<16xf32>,
      tpu.vector_store_idx %arg7[%parallel_loop3A_710], %parallel_loop3A_715 {add = true} : memref<10240xf32, #tpu.memory_space<vmem>>[vector<16xi32>], vector<16xf32>,
      %parallel_loop3A_716 = arith.constant 1 : i32
      %parallel_loop3A_717 = arith.index_cast %parallel_loop3A_716 : i32 to index
      %parallel_loop3A_718 = arith.index_cast %parallel_loop3A_645 : i32 to index
      %parallel_loop3A_719 = arith.constant 112 : index
      %parallel_loop3A_720 = tpu.vector_load %arg5[%parallel_loop3A_717, %parallel_loop3A_718, %parallel_loop3A_719] {strides = array<i32>} : memref<2x208x128xi32, #tpu.memory_space<vmem>>, vector<16xi32>,
      %parallel_loop3A_721 = arith.constant 1 : i32
      %parallel_loop3A_722 = arith.index_cast %parallel_loop3A_721 : i32 to index
      %parallel_loop3A_723 = arith.index_cast %parallel_loop3A_645 : i32 to index
      %parallel_loop3A_724 = arith.constant 112 : index
      %parallel_loop3A_725 = tpu.vector_load %arg6[%parallel_loop3A_722, %parallel_loop3A_723, %parallel_loop3A_724] {strides = array<i32>} : memref<2x208x128xf32, #tpu.memory_space<vmem>>, vector<16xf32>,
      tpu.vector_store_idx %arg7[%parallel_loop3A_720], %parallel_loop3A_725 {add = true} : memref<10240xf32, #tpu.memory_space<vmem>>[vector<16xi32>], vector<16xf32>,
    } {sc.loop_unroll_factor = 4 : i64, sc.parallel_access}
    %mul3A_499 = arith.constant 1248 : i32
    %mul3A_500 = arith.muli %arg0, %mul3A_499 : i32
    %add3A_501 = arith.constant 1040 : i32
    %add3A_502 = arith.addi %mul3A_500, %add3A_501 : i32
    %dma_start3A_503 = arith.constant 1 : i32
    %dma_start3A_504 = arith.constant 1 : i32
    %dma_start3A_505 = arith.constant 0 : i32
    %dma_start3A_506 = arith.constant 0 : i32
    %dma_start3A_507 = tpu.memref_slice %arg5[%dma_start3A_504, %dma_start3A_505, %dma_start3A_506] : memref<2x208x128xi32, #tpu.memory_space<vmem>> -> memref<1x208x128xi32, #tpu.memory_space<vmem>>
    %dma_start3A_508 = tpu.memref_squeeze %dma_start3A_507 : memref<1x208x128xi32, #tpu.memory_space<vmem>> -> memref<208x128xi32, #tpu.memory_space<vmem>>
    %dma_start3A_509 = arith.constant 0 : i32
    %dma_start3A_510 = tpu.memref_slice %arg2[%add3A_502, %dma_start3A_503, %dma_start3A_509] : memref<2500x2x128xi32, #tpu.memory_space<hbm>> -> memref<208x1x128xi32, #tpu.memory_space<hbm>>
    %dma_start3A_511 = tpu.memref_squeeze %dma_start3A_510 : memref<208x1x128xi32, #tpu.memory_space<hbm>> -> memref<208x128xi32, #tpu.memory_space<hbm>>
    %dma_start3A_512 = arith.constant 0 : i32
    %dma_start3A_513 = arith.constant 0 : i32
    %dma_start3A_514 = tpu.memref_slice %arg5[%dma_start3A_504, %dma_start3A_512, %dma_start3A_513] : memref<2x208x128xi32, #tpu.memory_space<vmem>> -> memref<1x208x128xi32, #tpu.memory_space<vmem>>
    %dma_start3A_515 = tpu.memref_squeeze %dma_start3A_514 : memref<1x208x128xi32, #tpu.memory_space<vmem>> -> memref<208x128xi32, #tpu.memory_space<vmem>>
    %dma_start3A_516 = arith.constant 0 : i32
    %dma_start3A_517 = tpu.memref_slice %arg2[%add3A_502, %dma_start3A_503, %dma_start3A_516] : memref<2500x2x128xi32, #tpu.memory_space<hbm>> -> memref<208x1x128xi32, #tpu.memory_space<hbm>>
    %dma_start3A_518 = tpu.memref_squeeze %dma_start3A_517 : memref<208x1x128xi32, #tpu.memory_space<hbm>> -> memref<208x128xi32, #tpu.memory_space<hbm>>
    tpu.enqueue_dma source(%dma_start3A_518 : memref<208x128xi32, #tpu.memory_space<hbm>>) target(%dma_start3A_515 : memref<208x128xi32, #tpu.memory_space<vmem>>) target_semaphore(%arg9 : memref<!tpu.dma_semaphore, #tpu.memory_space<semaphore_mem>>)
    %jit3A_519 = arith.constant 8 : i32
    %div3A_520 = arith.divsi %arg1, %jit3A_519 : i32
    %sign3A_521 = arith.constant 0 : i32
    %sign3A_522 = arith.cmpi sgt, %arg1, %sign3A_521 : i32
    %sign3A_523 = arith.extui %sign3A_522 : i1 to i32
    %sign3A_524 = arith.constant 0 : i32
    %sign3A_525 = arith.cmpi slt, %arg1, %sign3A_524 : i32
    %sign3A_526 = arith.extui %sign3A_525 : i1 to i32
    %sign3A_527 = arith.subi %sign3A_523, %sign3A_526 : i32
    %sign3A_528 = arith.constant 0 : i32
    %sign3A_529 = arith.cmpi sgt, %jit3A_519, %sign3A_528 : i32
    %sign3A_530 = arith.extui %sign3A_529 : i1 to i32
    %sign3A_531 = arith.constant 0 : i32
    %sign3A_532 = arith.cmpi slt, %jit3A_519, %sign3A_531 : i32
    %sign3A_533 = arith.extui %sign3A_532 : i1 to i32
    %sign3A_534 = arith.subi %sign3A_530, %sign3A_533 : i32
    %ne3A_535 = arith.cmpi ne, %sign3A_527, %sign3A_534 : i32
    %rem3A_536 = arith.remsi %arg1, %jit3A_519 : i32
    %ne3A_537 = arith.constant 0 : i32
    %ne3A_538 = arith.cmpi ne, %rem3A_536, %ne3A_537 : i32
    %and3A_539 = arith.andi %ne3A_535, %ne3A_538 : i1
    %sub3A_540 = arith.constant 1 : i32
    %sub3A_541 = arith.subi %div3A_520, %sub3A_540 : i32
    %select_n3A_542 = arith.select %and3A_539, %sub3A_541, %div3A_520 : i32
    %jit3A_543 = arith.constant 8 : i32
    %eq3A_544 = arith.constant 0 : i32
    %eq3A_545 = arith.cmpi eq, %jit3A_543, %eq3A_544 : i32
    %jit3A_546 = arith.constant 1 : i32
    %select_n3A_547 = arith.select %eq3A_545, %jit3A_546, %jit3A_543 : i32
    %rem3A_548 = arith.remsi %arg1, %select_n3A_547 : i32
    %ne3A_549 = arith.constant 0 : i32
    %ne3A_550 = arith.cmpi ne, %rem3A_548, %ne3A_549 : i32
    %lt3A_551 = arith.constant 0 : i32
    %lt3A_552 = arith.cmpi slt, %rem3A_548, %lt3A_551 : i32
    %lt3A_553 = arith.constant 0 : i32
    %lt3A_554 = arith.cmpi slt, %select_n3A_547, %lt3A_553 : i32
    %ne3A_555 = arith.xori %lt3A_552, %lt3A_554 : i1
    %and3A_556 = arith.andi %ne3A_555, %ne3A_550 : i1
    %add3A_557 = arith.addi %rem3A_548, %select_n3A_547 : i32
    %select_n3A_558 = arith.select %and3A_556, %add3A_557, %rem3A_548 : i32
    %dma_start3A_559 = arith.constant 1 : i32
    %dma_start3A_560 = arith.constant 0 : i32
    %dma_start3A_561 = arith.constant 0 : i32
    %dma_start3A_562 = tpu.memref_slice %arg6[%dma_start3A_559, %dma_start3A_560, %dma_start3A_561] : memref<2x208x128xf32, #tpu.memory_space<vmem>> -> memref<1x208x128xf32, #tpu.memory_space<vmem>>
    %dma_start3A_563 = tpu.memref_squeeze %dma_start3A_562 : memref<1x208x128xf32, #tpu.memory_space<vmem>> -> memref<208x128xf32, #tpu.memory_space<vmem>>
    %dma_start3A_564 = arith.constant 0 : i32
    %dma_start3A_565 = tpu.memref_slice %arg3[%select_n3A_542, %add3A_502, %select_n3A_558, %dma_start3A_564] : memref<2x2500x8x128xf32, #tpu.memory_space<hbm>> -> memref<1x208x1x128xf32, #tpu.memory_space<hbm>>
    %dma_start3A_566 = tpu.memref_squeeze %dma_start3A_565 : memref<1x208x1x128xf32, #tpu.memory_space<hbm>> -> memref<208x128xf32, #tpu.memory_space<hbm>>
    %dma_start3A_567 = arith.constant 0 : i32
    %dma_start3A_568 = arith.constant 0 : i32
    %dma_start3A_569 = tpu.memref_slice %arg6[%dma_start3A_559, %dma_start3A_567, %dma_start3A_568] : memref<2x208x128xf32, #tpu.memory_space<vmem>> -> memref<1x208x128xf32, #tpu.memory_space<vmem>>
    %dma_start3A_570 = tpu.memref_squeeze %dma_start3A_569 : memref<1x208x128xf32, #tpu.memory_space<vmem>> -> memref<208x128xf32, #tpu.memory_space<vmem>>
    %dma_start3A_571 = arith.constant 0 : i32
    %dma_start3A_572 = tpu.memref_slice %arg3[%select_n3A_542, %add3A_502, %select_n3A_558, %dma_start3A_571] : memref<2x2500x8x128xf32, #tpu.memory_space<hbm>> -> memref<1x208x1x128xf32, #tpu.memory_space<hbm>>
    %dma_start3A_573 = tpu.memref_squeeze %dma_start3A_572 : memref<1x208x1x128xf32, #tpu.memory_space<hbm>> -> memref<208x128xf32, #tpu.memory_space<hbm>>
    tpu.enqueue_dma source(%dma_start3A_573 : memref<208x128xf32, #tpu.memory_space<hbm>>) target(%dma_start3A_570 : memref<208x128xf32, #tpu.memory_space<vmem>>) target_semaphore(%arg9 : memref<!tpu.dma_semaphore, #tpu.memory_space<semaphore_mem>>)
    %dma_wait3A_574 = arith.constant 1 : i32
    %dma_wait3A_575 = arith.constant 0 : i32
    %dma_wait3A_576 = arith.constant 0 : i32
    %dma_wait3A_577 = arith.constant 0 : i32
    %dma_wait3A_578 = tpu.memref_slice %arg5[%dma_wait3A_575, %dma_wait3A_576, %dma_wait3A_577] : memref<2x208x128xi32, #tpu.memory_space<vmem>> -> memref<1x208x128xi32, #tpu.memory_space<vmem>>
    %dma_wait3A_579 = tpu.memref_squeeze %dma_wait3A_578 : memref<1x208x128xi32, #tpu.memory_space<vmem>> -> memref<208x128xi32, #tpu.memory_space<vmem>>
    %dma_wait3A_580 = arith.constant 0 : i32
    %dma_wait3A_581 = tpu.memref_slice %arg2[%add3A_393, %dma_wait3A_574, %dma_wait3A_580] : memref<2500x2x128xi32, #tpu.memory_space<hbm>> -> memref<208x1x128xi32, #tpu.memory_space<hbm>>
    %dma_wait3A_582 = tpu.memref_squeeze %dma_wait3A_581 : memref<208x1x128xi32, #tpu.memory_space<hbm>> -> memref<208x128xi32, #tpu.memory_space<hbm>>
    %dma_wait3A_583 = arith.constant 0 : i32
    %dma_wait3A_584 = arith.constant 0 : i32
    %dma_wait3A_585 = tpu.memref_slice %arg5[%dma_wait3A_575, %dma_wait3A_583, %dma_wait3A_584] : memref<2x208x128xi32, #tpu.memory_space<vmem>> -> memref<1x208x128xi32, #tpu.memory_space<vmem>>
    %dma_wait3A_586 = tpu.memref_squeeze %dma_wait3A_585 : memref<1x208x128xi32, #tpu.memory_space<vmem>> -> memref<208x128xi32, #tpu.memory_space<vmem>>
    %dma_wait3A_587 = arith.constant 0 : i32
    %dma_wait3A_588 = tpu.memref_slice %arg2[%add3A_393, %dma_wait3A_574, %dma_wait3A_587] : memref<2500x2x128xi32, #tpu.memory_space<hbm>> -> memref<208x1x128xi32, #tpu.memory_space<hbm>>
    %dma_wait3A_589 = tpu.memref_squeeze %dma_wait3A_588 : memref<208x1x128xi32, #tpu.memory_space<hbm>> -> memref<208x128xi32, #tpu.memory_space<hbm>>
    tpu.wait_dma2 semaphore(%arg8 : memref<!tpu.dma_semaphore, #tpu.memory_space<semaphore_mem>>) src(%dma_wait3A_589 : memref<208x128xi32, #tpu.memory_space<hbm>>) dst(%dma_wait3A_586 : memref<208x128xi32, #tpu.memory_space<vmem>>)
    %dma_wait3A_590 = arith.constant 0 : i32
    %dma_wait3A_591 = arith.constant 0 : i32
    %dma_wait3A_592 = arith.constant 0 : i32
    %dma_wait3A_593 = tpu.memref_slice %arg6[%dma_wait3A_590, %dma_wait3A_591, %dma_wait3A_592] : memref<2x208x128xf32, #tpu.memory_space<vmem>> -> memref<1x208x128xf32, #tpu.memory_space<vmem>>
    %dma_wait3A_594 = tpu.memref_squeeze %dma_wait3A_593 : memref<1x208x128xf32, #tpu.memory_space<vmem>> -> memref<208x128xf32, #tpu.memory_space<vmem>>
    %dma_wait3A_595 = arith.constant 0 : i32
    %dma_wait3A_596 = tpu.memref_slice %arg3[%select_n3A_433, %add3A_393, %select_n3A_449, %dma_wait3A_595] : memref<2x2500x8x128xf32, #tpu.memory_space<hbm>> -> memref<1x208x1x128xf32, #tpu.memory_space<hbm>>
    %dma_wait3A_597 = tpu.memref_squeeze %dma_wait3A_596 : memref<1x208x1x128xf32, #tpu.memory_space<hbm>> -> memref<208x128xf32, #tpu.memory_space<hbm>>
    %dma_wait3A_598 = arith.constant 0 : i32
    %dma_wait3A_599 = arith.constant 0 : i32
    %dma_wait3A_600 = tpu.memref_slice %arg6[%dma_wait3A_590, %dma_wait3A_598, %dma_wait3A_599] : memref<2x208x128xf32, #tpu.memory_space<vmem>> -> memref<1x208x128xf32, #tpu.memory_space<vmem>>
    %dma_wait3A_601 = tpu.memref_squeeze %dma_wait3A_600 : memref<1x208x128xf32, #tpu.memory_space<vmem>> -> memref<208x128xf32, #tpu.memory_space<vmem>>
    %dma_wait3A_602 = arith.constant 0 : i32
    %dma_wait3A_603 = tpu.memref_slice %arg3[%select_n3A_433, %add3A_393, %select_n3A_449, %dma_wait3A_602] : memref<2x2500x8x128xf32, #tpu.memory_space<hbm>> -> memref<1x208x1x128xf32, #tpu.memory_space<hbm>>
    %dma_wait3A_604 = tpu.memref_squeeze %dma_wait3A_603 : memref<1x208x1x128xf32, #tpu.memory_space<hbm>> -> memref<208x128xf32, #tpu.memory_space<hbm>>
    tpu.wait_dma2 semaphore(%arg8 : memref<!tpu.dma_semaphore, #tpu.memory_space<semaphore_mem>>) src(%dma_wait3A_604 : memref<208x128xf32, #tpu.memory_space<hbm>>) dst(%dma_wait3A_601 : memref<208x128xf32, #tpu.memory_space<vmem>>)
    %parallel_loop3A_605 = arith.constant 0 : i32
    %parallel_loop3A_606 = arith.constant 208 : i32
    %parallel_loop3A_607 = arith.constant 1 : i32
    scf.for %parallel_loop3A_645 = %parallel_loop3A_605 to %parallel_loop3A_606 step %parallel_loop3A_607  : i32 {
      %parallel_loop3A_646 = arith.constant 0 : i32
      %parallel_loop3A_647 = arith.index_cast %parallel_loop3A_646 : i32 to index
      %parallel_loop3A_648 = arith.index_cast %parallel_loop3A_645 : i32 to index
      %parallel_loop3A_649 = arith.constant 0 : index
      %parallel_loop3A_650 = tpu.vector_load %arg5[%parallel_loop3A_647, %parallel_loop3A_648, %parallel_loop3A_649] {strides = array<i32>} : memref<2x208x128xi32, #tpu.memory_space<vmem>>, vector<16xi32>,
      %parallel_loop3A_651 = arith.constant 0 : i32
      %parallel_loop3A_652 = arith.index_cast %parallel_loop3A_651 : i32 to index
      %parallel_loop3A_653 = arith.index_cast %parallel_loop3A_645 : i32 to index
      %parallel_loop3A_654 = arith.constant 0 : index
      %parallel_loop3A_655 = tpu.vector_load %arg6[%parallel_loop3A_652, %parallel_loop3A_653, %parallel_loop3A_654] {strides = array<i32>} : memref<2x208x128xf32, #tpu.memory_space<vmem>>, vector<16xf32>,
      tpu.vector_store_idx %arg7[%parallel_loop3A_650], %parallel_loop3A_655 {add = true} : memref<10240xf32, #tpu.memory_space<vmem>>[vector<16xi32>], vector<16xf32>,
      %parallel_loop3A_656 = arith.constant 0 : i32
      %parallel_loop3A_657 = arith.index_cast %parallel_loop3A_656 : i32 to index
      %parallel_loop3A_658 = arith.index_cast %parallel_loop3A_645 : i32 to index
      %parallel_loop3A_659 = arith.constant 16 : index
      %parallel_loop3A_660 = tpu.vector_load %arg5[%parallel_loop3A_657, %parallel_loop3A_658, %parallel_loop3A_659] {strides = array<i32>} : memref<2x208x128xi32, #tpu.memory_space<vmem>>, vector<16xi32>,
      %parallel_loop3A_661 = arith.constant 0 : i32
      %parallel_loop3A_662 = arith.index_cast %parallel_loop3A_661 : i32 to index
      %parallel_loop3A_663 = arith.index_cast %parallel_loop3A_645 : i32 to index
      %parallel_loop3A_664 = arith.constant 16 : index
      %parallel_loop3A_665 = tpu.vector_load %arg6[%parallel_loop3A_662, %parallel_loop3A_663, %parallel_loop3A_664] {strides = array<i32>} : memref<2x208x128xf32, #tpu.memory_space<vmem>>, vector<16xf32>,
      tpu.vector_store_idx %arg7[%parallel_loop3A_660], %parallel_loop3A_665 {add = true} : memref<10240xf32, #tpu.memory_space<vmem>>[vector<16xi32>], vector<16xf32>,
      %parallel_loop3A_666 = arith.constant 0 : i32
      %parallel_loop3A_667 = arith.index_cast %parallel_loop3A_666 : i32 to index
      %parallel_loop3A_668 = arith.index_cast %parallel_loop3A_645 : i32 to index
      %parallel_loop3A_669 = arith.constant 32 : index
      %parallel_loop3A_670 = tpu.vector_load %arg5[%parallel_loop3A_667, %parallel_loop3A_668, %parallel_loop3A_669] {strides = array<i32>} : memref<2x208x128xi32, #tpu.memory_space<vmem>>, vector<16xi32>,
      %parallel_loop3A_671 = arith.constant 0 : i32
      %parallel_loop3A_672 = arith.index_cast %parallel_loop3A_671 : i32 to index
      %parallel_loop3A_673 = arith.index_cast %parallel_loop3A_645 : i32 to index
      %parallel_loop3A_674 = arith.constant 32 : index
      %parallel_loop3A_675 = tpu.vector_load %arg6[%parallel_loop3A_672, %parallel_loop3A_673, %parallel_loop3A_674] {strides = array<i32>} : memref<2x208x128xf32, #tpu.memory_space<vmem>>, vector<16xf32>,
      tpu.vector_store_idx %arg7[%parallel_loop3A_670], %parallel_loop3A_675 {add = true} : memref<10240xf32, #tpu.memory_space<vmem>>[vector<16xi32>], vector<16xf32>,
      %parallel_loop3A_676 = arith.constant 0 : i32
      %parallel_loop3A_677 = arith.index_cast %parallel_loop3A_676 : i32 to index
      %parallel_loop3A_678 = arith.index_cast %parallel_loop3A_645 : i32 to index
      %parallel_loop3A_679 = arith.constant 48 : index
      %parallel_loop3A_680 = tpu.vector_load %arg5[%parallel_loop3A_677, %parallel_loop3A_678, %parallel_loop3A_679] {strides = array<i32>} : memref<2x208x128xi32, #tpu.memory_space<vmem>>, vector<16xi32>,
      %parallel_loop3A_681 = arith.constant 0 : i32
      %parallel_loop3A_682 = arith.index_cast %parallel_loop3A_681 : i32 to index
      %parallel_loop3A_683 = arith.index_cast %parallel_loop3A_645 : i32 to index
      %parallel_loop3A_684 = arith.constant 48 : index
      %parallel_loop3A_685 = tpu.vector_load %arg6[%parallel_loop3A_682, %parallel_loop3A_683, %parallel_loop3A_684] {strides = array<i32>} : memref<2x208x128xf32, #tpu.memory_space<vmem>>, vector<16xf32>,
      tpu.vector_store_idx %arg7[%parallel_loop3A_680], %parallel_loop3A_685 {add = true} : memref<10240xf32, #tpu.memory_space<vmem>>[vector<16xi32>], vector<16xf32>,
      %parallel_loop3A_686 = arith.constant 0 : i32
      %parallel_loop3A_687 = arith.index_cast %parallel_loop3A_686 : i32 to index
      %parallel_loop3A_688 = arith.index_cast %parallel_loop3A_645 : i32 to index
      %parallel_loop3A_689 = arith.constant 64 : index
      %parallel_loop3A_690 = tpu.vector_load %arg5[%parallel_loop3A_687, %parallel_loop3A_688, %parallel_loop3A_689] {strides = array<i32>} : memref<2x208x128xi32, #tpu.memory_space<vmem>>, vector<16xi32>,
      %parallel_loop3A_691 = arith.constant 0 : i32
      %parallel_loop3A_692 = arith.index_cast %parallel_loop3A_691 : i32 to index
      %parallel_loop3A_693 = arith.index_cast %parallel_loop3A_645 : i32 to index
      %parallel_loop3A_694 = arith.constant 64 : index
      %parallel_loop3A_695 = tpu.vector_load %arg6[%parallel_loop3A_692, %parallel_loop3A_693, %parallel_loop3A_694] {strides = array<i32>} : memref<2x208x128xf32, #tpu.memory_space<vmem>>, vector<16xf32>,
      tpu.vector_store_idx %arg7[%parallel_loop3A_690], %parallel_loop3A_695 {add = true} : memref<10240xf32, #tpu.memory_space<vmem>>[vector<16xi32>], vector<16xf32>,
      %parallel_loop3A_696 = arith.constant 0 : i32
      %parallel_loop3A_697 = arith.index_cast %parallel_loop3A_696 : i32 to index
      %parallel_loop3A_698 = arith.index_cast %parallel_loop3A_645 : i32 to index
      %parallel_loop3A_699 = arith.constant 80 : index
      %parallel_loop3A_700 = tpu.vector_load %arg5[%parallel_loop3A_697, %parallel_loop3A_698, %parallel_loop3A_699] {strides = array<i32>} : memref<2x208x128xi32, #tpu.memory_space<vmem>>, vector<16xi32>,
      %parallel_loop3A_701 = arith.constant 0 : i32
      %parallel_loop3A_702 = arith.index_cast %parallel_loop3A_701 : i32 to index
      %parallel_loop3A_703 = arith.index_cast %parallel_loop3A_645 : i32 to index
      %parallel_loop3A_704 = arith.constant 80 : index
      %parallel_loop3A_705 = tpu.vector_load %arg6[%parallel_loop3A_702, %parallel_loop3A_703, %parallel_loop3A_704] {strides = array<i32>} : memref<2x208x128xf32, #tpu.memory_space<vmem>>, vector<16xf32>,
      tpu.vector_store_idx %arg7[%parallel_loop3A_700], %parallel_loop3A_705 {add = true} : memref<10240xf32, #tpu.memory_space<vmem>>[vector<16xi32>], vector<16xf32>,
      %parallel_loop3A_706 = arith.constant 0 : i32
      %parallel_loop3A_707 = arith.index_cast %parallel_loop3A_706 : i32 to index
      %parallel_loop3A_708 = arith.index_cast %parallel_loop3A_645 : i32 to index
      %parallel_loop3A_709 = arith.constant 96 : index
      %parallel_loop3A_710 = tpu.vector_load %arg5[%parallel_loop3A_707, %parallel_loop3A_708, %parallel_loop3A_709] {strides = array<i32>} : memref<2x208x128xi32, #tpu.memory_space<vmem>>, vector<16xi32>,
      %parallel_loop3A_711 = arith.constant 0 : i32
      %parallel_loop3A_712 = arith.index_cast %parallel_loop3A_711 : i32 to index
      %parallel_loop3A_713 = arith.index_cast %parallel_loop3A_645 : i32 to index
      %parallel_loop3A_714 = arith.constant 96 : index
      %parallel_loop3A_715 = tpu.vector_load %arg6[%parallel_loop3A_712, %parallel_loop3A_713, %parallel_loop3A_714] {strides = array<i32>} : memref<2x208x128xf32, #tpu.memory_space<vmem>>, vector<16xf32>,
      tpu.vector_store_idx %arg7[%parallel_loop3A_710], %parallel_loop3A_715 {add = true} : memref<10240xf32, #tpu.memory_space<vmem>>[vector<16xi32>], vector<16xf32>,
      %parallel_loop3A_716 = arith.constant 0 : i32
      %parallel_loop3A_717 = arith.index_cast %parallel_loop3A_716 : i32 to index
      %parallel_loop3A_718 = arith.index_cast %parallel_loop3A_645 : i32 to index
      %parallel_loop3A_719 = arith.constant 112 : index
      %parallel_loop3A_720 = tpu.vector_load %arg5[%parallel_loop3A_717, %parallel_loop3A_718, %parallel_loop3A_719] {strides = array<i32>} : memref<2x208x128xi32, #tpu.memory_space<vmem>>, vector<16xi32>,
      %parallel_loop3A_721 = arith.constant 0 : i32
      %parallel_loop3A_722 = arith.index_cast %parallel_loop3A_721 : i32 to index
      %parallel_loop3A_723 = arith.index_cast %parallel_loop3A_645 : i32 to index
      %parallel_loop3A_724 = arith.constant 112 : index
      %parallel_loop3A_725 = tpu.vector_load %arg6[%parallel_loop3A_722, %parallel_loop3A_723, %parallel_loop3A_724] {strides = array<i32>} : memref<2x208x128xf32, #tpu.memory_space<vmem>>, vector<16xf32>,
      tpu.vector_store_idx %arg7[%parallel_loop3A_720], %parallel_loop3A_725 {add = true} : memref<10240xf32, #tpu.memory_space<vmem>>[vector<16xi32>], vector<16xf32>,
    } {sc.loop_unroll_factor = 4 : i64, sc.parallel_access}
    %dma_wait3A_608 = arith.constant 1 : i32
    %dma_wait3A_609 = arith.constant 1 : i32
    %dma_wait3A_610 = arith.constant 0 : i32
    %dma_wait3A_611 = arith.constant 0 : i32
    %dma_wait3A_612 = tpu.memref_slice %arg5[%dma_wait3A_609, %dma_wait3A_610, %dma_wait3A_611] : memref<2x208x128xi32, #tpu.memory_space<vmem>> -> memref<1x208x128xi32, #tpu.memory_space<vmem>>
    %dma_wait3A_613 = tpu.memref_squeeze %dma_wait3A_612 : memref<1x208x128xi32, #tpu.memory_space<vmem>> -> memref<208x128xi32, #tpu.memory_space<vmem>>
    %dma_wait3A_614 = arith.constant 0 : i32
    %dma_wait3A_615 = tpu.memref_slice %arg2[%add3A_502, %dma_wait3A_608, %dma_wait3A_614] : memref<2500x2x128xi32, #tpu.memory_space<hbm>> -> memref<208x1x128xi32, #tpu.memory_space<hbm>>
    %dma_wait3A_616 = tpu.memref_squeeze %dma_wait3A_615 : memref<208x1x128xi32, #tpu.memory_space<hbm>> -> memref<208x128xi32, #tpu.memory_space<hbm>>
    %dma_wait3A_617 = arith.constant 0 : i32
    %dma_wait3A_618 = arith.constant 0 : i32
    %dma_wait3A_619 = tpu.memref_slice %arg5[%dma_wait3A_609, %dma_wait3A_617, %dma_wait3A_618] : memref<2x208x128xi32, #tpu.memory_space<vmem>> -> memref<1x208x128xi32, #tpu.memory_space<vmem>>
    %dma_wait3A_620 = tpu.memref_squeeze %dma_wait3A_619 : memref<1x208x128xi32, #tpu.memory_space<vmem>> -> memref<208x128xi32, #tpu.memory_space<vmem>>
    %dma_wait3A_621 = arith.constant 0 : i32
    %dma_wait3A_622 = tpu.memref_slice %arg2[%add3A_502, %dma_wait3A_608, %dma_wait3A_621] : memref<2500x2x128xi32, #tpu.memory_space<hbm>> -> memref<208x1x128xi32, #tpu.memory_space<hbm>>
    %dma_wait3A_623 = tpu.memref_squeeze %dma_wait3A_622 : memref<208x1x128xi32, #tpu.memory_space<hbm>> -> memref<208x128xi32, #tpu.memory_space<hbm>>
    tpu.wait_dma2 semaphore(%arg9 : memref<!tpu.dma_semaphore, #tpu.memory_space<semaphore_mem>>) src(%dma_wait3A_623 : memref<208x128xi32, #tpu.memory_space<hbm>>) dst(%dma_wait3A_620 : memref<208x128xi32, #tpu.memory_space<vmem>>)
    %dma_wait3A_624 = arith.constant 1 : i32
    %dma_wait3A_625 = arith.constant 0 : i32
    %dma_wait3A_626 = arith.constant 0 : i32
    %dma_wait3A_627 = tpu.memref_slice %arg6[%dma_wait3A_624, %dma_wait3A_625, %dma_wait3A_626] : memref<2x208x128xf32, #tpu.memory_space<vmem>> -> memref<1x208x128xf32, #tpu.memory_space<vmem>>
    %dma_wait3A_628 = tpu.memref_squeeze %dma_wait3A_627 : memref<1x208x128xf32, #tpu.memory_space<vmem>> -> memref<208x128xf32, #tpu.memory_space<vmem>>
    %dma_wait3A_629 = arith.constant 0 : i32
    %dma_wait3A_630 = tpu.memref_slice %arg3[%select_n3A_542, %add3A_502, %select_n3A_558, %dma_wait3A_629] : memref<2x2500x8x128xf32, #tpu.memory_space<hbm>> -> memref<1x208x1x128xf32, #tpu.memory_space<hbm>>
    %dma_wait3A_631 = tpu.memref_squeeze %dma_wait3A_630 : memref<1x208x1x128xf32, #tpu.memory_space<hbm>> -> memref<208x128xf32, #tpu.memory_space<hbm>>
    %dma_wait3A_632 = arith.constant 0 : i32
    %dma_wait3A_633 = arith.constant 0 : i32
    %dma_wait3A_634 = tpu.memref_slice %arg6[%dma_wait3A_624, %dma_wait3A_632, %dma_wait3A_633] : memref<2x208x128xf32, #tpu.memory_space<vmem>> -> memref<1x208x128xf32, #tpu.memory_space<vmem>>
    %dma_wait3A_635 = tpu.memref_squeeze %dma_wait3A_634 : memref<1x208x128xf32, #tpu.memory_space<vmem>> -> memref<208x128xf32, #tpu.memory_space<vmem>>
    %dma_wait3A_636 = arith.constant 0 : i32
    %dma_wait3A_637 = tpu.memref_slice %arg3[%select_n3A_542, %add3A_502, %select_n3A_558, %dma_wait3A_636] : memref<2x2500x8x128xf32, #tpu.memory_space<hbm>> -> memref<1x208x1x128xf32, #tpu.memory_space<hbm>>
    %dma_wait3A_638 = tpu.memref_squeeze %dma_wait3A_637 : memref<1x208x1x128xf32, #tpu.memory_space<hbm>> -> memref<208x128xf32, #tpu.memory_space<hbm>>
    tpu.wait_dma2 semaphore(%arg9 : memref<!tpu.dma_semaphore, #tpu.memory_space<semaphore_mem>>) src(%dma_wait3A_638 : memref<208x128xf32, #tpu.memory_space<hbm>>) dst(%dma_wait3A_635 : memref<208x128xf32, #tpu.memory_space<vmem>>)
    %parallel_loop3A_639 = arith.constant 0 : i32
    %parallel_loop3A_640 = arith.constant 208 : i32
    %parallel_loop3A_641 = arith.constant 1 : i32
    scf.for %parallel_loop3A_645 = %parallel_loop3A_639 to %parallel_loop3A_640 step %parallel_loop3A_641  : i32 {
      %parallel_loop3A_646 = arith.constant 1 : i32
      %parallel_loop3A_647 = arith.index_cast %parallel_loop3A_646 : i32 to index
      %parallel_loop3A_648 = arith.index_cast %parallel_loop3A_645 : i32 to index
      %parallel_loop3A_649 = arith.constant 0 : index
      %parallel_loop3A_650 = tpu.vector_load %arg5[%parallel_loop3A_647, %parallel_loop3A_648, %parallel_loop3A_649] {strides = array<i32>} : memref<2x208x128xi32, #tpu.memory_space<vmem>>, vector<16xi32>,
      %parallel_loop3A_651 = arith.constant 1 : i32
      %parallel_loop3A_652 = arith.index_cast %parallel_loop3A_651 : i32 to index
      %parallel_loop3A_653 = arith.index_cast %parallel_loop3A_645 : i32 to index
      %parallel_loop3A_654 = arith.constant 0 : index
      %parallel_loop3A_655 = tpu.vector_load %arg6[%parallel_loop3A_652, %parallel_loop3A_653, %parallel_loop3A_654] {strides = array<i32>} : memref<2x208x128xf32, #tpu.memory_space<vmem>>, vector<16xf32>,
      tpu.vector_store_idx %arg7[%parallel_loop3A_650], %parallel_loop3A_655 {add = true} : memref<10240xf32, #tpu.memory_space<vmem>>[vector<16xi32>], vector<16xf32>,
      %parallel_loop3A_656 = arith.constant 1 : i32
      %parallel_loop3A_657 = arith.index_cast %parallel_loop3A_656 : i32 to index
      %parallel_loop3A_658 = arith.index_cast %parallel_loop3A_645 : i32 to index
      %parallel_loop3A_659 = arith.constant 16 : index
      %parallel_loop3A_660 = tpu.vector_load %arg5[%parallel_loop3A_657, %parallel_loop3A_658, %parallel_loop3A_659] {strides = array<i32>} : memref<2x208x128xi32, #tpu.memory_space<vmem>>, vector<16xi32>,
      %parallel_loop3A_661 = arith.constant 1 : i32
      %parallel_loop3A_662 = arith.index_cast %parallel_loop3A_661 : i32 to index
      %parallel_loop3A_663 = arith.index_cast %parallel_loop3A_645 : i32 to index
      %parallel_loop3A_664 = arith.constant 16 : index
      %parallel_loop3A_665 = tpu.vector_load %arg6[%parallel_loop3A_662, %parallel_loop3A_663, %parallel_loop3A_664] {strides = array<i32>} : memref<2x208x128xf32, #tpu.memory_space<vmem>>, vector<16xf32>,
      tpu.vector_store_idx %arg7[%parallel_loop3A_660], %parallel_loop3A_665 {add = true} : memref<10240xf32, #tpu.memory_space<vmem>>[vector<16xi32>], vector<16xf32>,
      %parallel_loop3A_666 = arith.constant 1 : i32
      %parallel_loop3A_667 = arith.index_cast %parallel_loop3A_666 : i32 to index
      %parallel_loop3A_668 = arith.index_cast %parallel_loop3A_645 : i32 to index
      %parallel_loop3A_669 = arith.constant 32 : index
      %parallel_loop3A_670 = tpu.vector_load %arg5[%parallel_loop3A_667, %parallel_loop3A_668, %parallel_loop3A_669] {strides = array<i32>} : memref<2x208x128xi32, #tpu.memory_space<vmem>>, vector<16xi32>,
      %parallel_loop3A_671 = arith.constant 1 : i32
      %parallel_loop3A_672 = arith.index_cast %parallel_loop3A_671 : i32 to index
      %parallel_loop3A_673 = arith.index_cast %parallel_loop3A_645 : i32 to index
      %parallel_loop3A_674 = arith.constant 32 : index
      %parallel_loop3A_675 = tpu.vector_load %arg6[%parallel_loop3A_672, %parallel_loop3A_673, %parallel_loop3A_674] {strides = array<i32>} : memref<2x208x128xf32, #tpu.memory_space<vmem>>, vector<16xf32>,
      tpu.vector_store_idx %arg7[%parallel_loop3A_670], %parallel_loop3A_675 {add = true} : memref<10240xf32, #tpu.memory_space<vmem>>[vector<16xi32>], vector<16xf32>,
      %parallel_loop3A_676 = arith.constant 1 : i32
      %parallel_loop3A_677 = arith.index_cast %parallel_loop3A_676 : i32 to index
      %parallel_loop3A_678 = arith.index_cast %parallel_loop3A_645 : i32 to index
      %parallel_loop3A_679 = arith.constant 48 : index
      %parallel_loop3A_680 = tpu.vector_load %arg5[%parallel_loop3A_677, %parallel_loop3A_678, %parallel_loop3A_679] {strides = array<i32>} : memref<2x208x128xi32, #tpu.memory_space<vmem>>, vector<16xi32>,
      %parallel_loop3A_681 = arith.constant 1 : i32
      %parallel_loop3A_682 = arith.index_cast %parallel_loop3A_681 : i32 to index
      %parallel_loop3A_683 = arith.index_cast %parallel_loop3A_645 : i32 to index
      %parallel_loop3A_684 = arith.constant 48 : index
      %parallel_loop3A_685 = tpu.vector_load %arg6[%parallel_loop3A_682, %parallel_loop3A_683, %parallel_loop3A_684] {strides = array<i32>} : memref<2x208x128xf32, #tpu.memory_space<vmem>>, vector<16xf32>,
      tpu.vector_store_idx %arg7[%parallel_loop3A_680], %parallel_loop3A_685 {add = true} : memref<10240xf32, #tpu.memory_space<vmem>>[vector<16xi32>], vector<16xf32>,
      %parallel_loop3A_686 = arith.constant 1 : i32
      %parallel_loop3A_687 = arith.index_cast %parallel_loop3A_686 : i32 to index
      %parallel_loop3A_688 = arith.index_cast %parallel_loop3A_645 : i32 to index
      %parallel_loop3A_689 = arith.constant 64 : index
      %parallel_loop3A_690 = tpu.vector_load %arg5[%parallel_loop3A_687, %parallel_loop3A_688, %parallel_loop3A_689] {strides = array<i32>} : memref<2x208x128xi32, #tpu.memory_space<vmem>>, vector<16xi32>,
      %parallel_loop3A_691 = arith.constant 1 : i32
      %parallel_loop3A_692 = arith.index_cast %parallel_loop3A_691 : i32 to index
      %parallel_loop3A_693 = arith.index_cast %parallel_loop3A_645 : i32 to index
      %parallel_loop3A_694 = arith.constant 64 : index
      %parallel_loop3A_695 = tpu.vector_load %arg6[%parallel_loop3A_692, %parallel_loop3A_693, %parallel_loop3A_694] {strides = array<i32>} : memref<2x208x128xf32, #tpu.memory_space<vmem>>, vector<16xf32>,
      tpu.vector_store_idx %arg7[%parallel_loop3A_690], %parallel_loop3A_695 {add = true} : memref<10240xf32, #tpu.memory_space<vmem>>[vector<16xi32>], vector<16xf32>,
      %parallel_loop3A_696 = arith.constant 1 : i32
      %parallel_loop3A_697 = arith.index_cast %parallel_loop3A_696 : i32 to index
      %parallel_loop3A_698 = arith.index_cast %parallel_loop3A_645 : i32 to index
      %parallel_loop3A_699 = arith.constant 80 : index
      %parallel_loop3A_700 = tpu.vector_load %arg5[%parallel_loop3A_697, %parallel_loop3A_698, %parallel_loop3A_699] {strides = array<i32>} : memref<2x208x128xi32, #tpu.memory_space<vmem>>, vector<16xi32>,
      %parallel_loop3A_701 = arith.constant 1 : i32
      %parallel_loop3A_702 = arith.index_cast %parallel_loop3A_701 : i32 to index
      %parallel_loop3A_703 = arith.index_cast %parallel_loop3A_645 : i32 to index
      %parallel_loop3A_704 = arith.constant 80 : index
      %parallel_loop3A_705 = tpu.vector_load %arg6[%parallel_loop3A_702, %parallel_loop3A_703, %parallel_loop3A_704] {strides = array<i32>} : memref<2x208x128xf32, #tpu.memory_space<vmem>>, vector<16xf32>,
      tpu.vector_store_idx %arg7[%parallel_loop3A_700], %parallel_loop3A_705 {add = true} : memref<10240xf32, #tpu.memory_space<vmem>>[vector<16xi32>], vector<16xf32>,
      %parallel_loop3A_706 = arith.constant 1 : i32
      %parallel_loop3A_707 = arith.index_cast %parallel_loop3A_706 : i32 to index
      %parallel_loop3A_708 = arith.index_cast %parallel_loop3A_645 : i32 to index
      %parallel_loop3A_709 = arith.constant 96 : index
      %parallel_loop3A_710 = tpu.vector_load %arg5[%parallel_loop3A_707, %parallel_loop3A_708, %parallel_loop3A_709] {strides = array<i32>} : memref<2x208x128xi32, #tpu.memory_space<vmem>>, vector<16xi32>,
      %parallel_loop3A_711 = arith.constant 1 : i32
      %parallel_loop3A_712 = arith.index_cast %parallel_loop3A_711 : i32 to index
      %parallel_loop3A_713 = arith.index_cast %parallel_loop3A_645 : i32 to index
      %parallel_loop3A_714 = arith.constant 96 : index
      %parallel_loop3A_715 = tpu.vector_load %arg6[%parallel_loop3A_712, %parallel_loop3A_713, %parallel_loop3A_714] {strides = array<i32>} : memref<2x208x128xf32, #tpu.memory_space<vmem>>, vector<16xf32>,
      tpu.vector_store_idx %arg7[%parallel_loop3A_710], %parallel_loop3A_715 {add = true} : memref<10240xf32, #tpu.memory_space<vmem>>[vector<16xi32>], vector<16xf32>,
      %parallel_loop3A_716 = arith.constant 1 : i32
      %parallel_loop3A_717 = arith.index_cast %parallel_loop3A_716 : i32 to index
      %parallel_loop3A_718 = arith.index_cast %parallel_loop3A_645 : i32 to index
      %parallel_loop3A_719 = arith.constant 112 : index
      %parallel_loop3A_720 = tpu.vector_load %arg5[%parallel_loop3A_717, %parallel_loop3A_718, %parallel_loop3A_719] {strides = array<i32>} : memref<2x208x128xi32, #tpu.memory_space<vmem>>, vector<16xi32>,
      %parallel_loop3A_721 = arith.constant 1 : i32
      %parallel_loop3A_722 = arith.index_cast %parallel_loop3A_721 : i32 to index
      %parallel_loop3A_723 = arith.index_cast %parallel_loop3A_645 : i32 to index
      %parallel_loop3A_724 = arith.constant 112 : index
      %parallel_loop3A_725 = tpu.vector_load %arg6[%parallel_loop3A_722, %parallel_loop3A_723, %parallel_loop3A_724] {strides = array<i32>} : memref<2x208x128xf32, #tpu.memory_space<vmem>>, vector<16xf32>,
      tpu.vector_store_idx %arg7[%parallel_loop3A_720], %parallel_loop3A_725 {add = true} : memref<10240xf32, #tpu.memory_space<vmem>>[vector<16xi32>], vector<16xf32>,
    } {sc.loop_unroll_factor = 4 : i64, sc.parallel_access}
    %eq3A_642 = arith.constant 1 : i32
    %eq3A_643 = arith.cmpi eq, %arg0, %eq3A_642 : i32
    %convert_element_type3A = arith.extui %eq3A_643 : i1 to i32
    %cond3A = arith.constant 0 : i32
    %cond3A_644 = arith.cmpi ne, %convert_element_type3A, %cond3A : i32
    scf.if %cond3A_644 {
      %dma_start3A_645 = arith.constant 1 : i32
      %dma_start3A_646 = arith.constant 0 : i32
      %dma_start3A_647 = arith.constant 0 : i32
      %dma_start3A_648 = arith.constant 0 : i32
      %dma_start3A_649 = tpu.memref_slice %arg5[%dma_start3A_646, %dma_start3A_647, %dma_start3A_648] : memref<2x208x128xi32, #tpu.memory_space<vmem>> -> memref<1x4x128xi32, #tpu.memory_space<vmem>>
      %dma_start3A_650 = tpu.memref_squeeze %dma_start3A_649 : memref<1x4x128xi32, #tpu.memory_space<vmem>> -> memref<4x128xi32, #tpu.memory_space<vmem>>
      %dma_start3A_651 = arith.constant 2496 : i32
      %dma_start3A_652 = arith.constant 0 : i32
      %dma_start3A_653 = tpu.memref_slice %arg2[%dma_start3A_651, %dma_start3A_645, %dma_start3A_652] : memref<2500x2x128xi32, #tpu.memory_space<hbm>> -> memref<4x1x128xi32, #tpu.memory_space<hbm>>
      %dma_start3A_654 = tpu.memref_squeeze %dma_start3A_653 : memref<4x1x128xi32, #tpu.memory_space<hbm>> -> memref<4x128xi32, #tpu.memory_space<hbm>>
      %dma_start3A_655 = arith.constant 0 : i32
      %dma_start3A_656 = arith.constant 0 : i32
      %dma_start3A_657 = tpu.memref_slice %arg5[%dma_start3A_646, %dma_start3A_655, %dma_start3A_656] : memref<2x208x128xi32, #tpu.memory_space<vmem>> -> memref<1x4x128xi32, #tpu.memory_space<vmem>>
      %dma_start3A_658 = tpu.memref_squeeze %dma_start3A_657 : memref<1x4x128xi32, #tpu.memory_space<vmem>> -> memref<4x128xi32, #tpu.memory_space<vmem>>
      %dma_start3A_659 = arith.constant 2496 : i32
      %dma_start3A_660 = arith.constant 0 : i32
      %dma_start3A_661 = tpu.memref_slice %arg2[%dma_start3A_659, %dma_start3A_645, %dma_start3A_660] : memref<2500x2x128xi32, #tpu.memory_space<hbm>> -> memref<4x1x128xi32, #tpu.memory_space<hbm>>
      %dma_start3A_662 = tpu.memref_squeeze %dma_start3A_661 : memref<4x1x128xi32, #tpu.memory_space<hbm>> -> memref<4x128xi32, #tpu.memory_space<hbm>>
      tpu.enqueue_dma source(%dma_start3A_662 : memref<4x128xi32, #tpu.memory_space<hbm>>) target(%dma_start3A_658 : memref<4x128xi32, #tpu.memory_space<vmem>>) target_semaphore(%arg8 : memref<!tpu.dma_semaphore, #tpu.memory_space<semaphore_mem>>)
      %jit3A_663 = arith.constant 8 : i32
      %div3A_664 = arith.divsi %arg1, %jit3A_663 : i32
      %sign3A_665 = arith.constant 0 : i32
      %sign3A_666 = arith.cmpi sgt, %arg1, %sign3A_665 : i32
      %sign3A_667 = arith.extui %sign3A_666 : i1 to i32
      %sign3A_668 = arith.constant 0 : i32
      %sign3A_669 = arith.cmpi slt, %arg1, %sign3A_668 : i32
      %sign3A_670 = arith.extui %sign3A_669 : i1 to i32
      %sign3A_671 = arith.subi %sign3A_667, %sign3A_670 : i32
      %sign3A_672 = arith.constant 0 : i32
      %sign3A_673 = arith.cmpi sgt, %jit3A_663, %sign3A_672 : i32
      %sign3A_674 = arith.extui %sign3A_673 : i1 to i32
      %sign3A_675 = arith.constant 0 : i32
      %sign3A_676 = arith.cmpi slt, %jit3A_663, %sign3A_675 : i32
      %sign3A_677 = arith.extui %sign3A_676 : i1 to i32
      %sign3A_678 = arith.subi %sign3A_674, %sign3A_677 : i32
      %ne3A_679 = arith.cmpi ne, %sign3A_671, %sign3A_678 : i32
      %rem3A_680 = arith.remsi %arg1, %jit3A_663 : i32
      %ne3A_681 = arith.constant 0 : i32
      %ne3A_682 = arith.cmpi ne, %rem3A_680, %ne3A_681 : i32
      %and3A_683 = arith.andi %ne3A_679, %ne3A_682 : i1
      %sub3A_684 = arith.constant 1 : i32
      %sub3A_685 = arith.subi %div3A_664, %sub3A_684 : i32
      %select_n3A_686 = arith.select %and3A_683, %sub3A_685, %div3A_664 : i32
      %jit3A_687 = arith.constant 8 : i32
      %eq3A_688 = arith.constant 0 : i32
      %eq3A_689 = arith.cmpi eq, %jit3A_687, %eq3A_688 : i32
      %jit3A_690 = arith.constant 1 : i32
      %select_n3A_691 = arith.select %eq3A_689, %jit3A_690, %jit3A_687 : i32
      %rem3A_692 = arith.remsi %arg1, %select_n3A_691 : i32
      %ne3A_693 = arith.constant 0 : i32
      %ne3A_694 = arith.cmpi ne, %rem3A_692, %ne3A_693 : i32
      %lt3A_695 = arith.constant 0 : i32
      %lt3A_696 = arith.cmpi slt, %rem3A_692, %lt3A_695 : i32
      %lt3A_697 = arith.constant 0 : i32
      %lt3A_698 = arith.cmpi slt, %select_n3A_691, %lt3A_697 : i32
      %ne3A_699 = arith.xori %lt3A_696, %lt3A_698 : i1
      %and3A_700 = arith.andi %ne3A_699, %ne3A_694 : i1
      %add3A_701 = arith.addi %rem3A_692, %select_n3A_691 : i32
      %select_n3A_702 = arith.select %and3A_700, %add3A_701, %rem3A_692 : i32
      %dma_start3A_703 = arith.constant 0 : i32
      %dma_start3A_704 = arith.constant 0 : i32
      %dma_start3A_705 = arith.constant 0 : i32
      %dma_start3A_706 = tpu.memref_slice %arg6[%dma_start3A_703, %dma_start3A_704, %dma_start3A_705] : memref<2x208x128xf32, #tpu.memory_space<vmem>> -> memref<1x4x128xf32, #tpu.memory_space<vmem>>
      %dma_start3A_707 = tpu.memref_squeeze %dma_start3A_706 : memref<1x4x128xf32, #tpu.memory_space<vmem>> -> memref<4x128xf32, #tpu.memory_space<vmem>>
      %dma_start3A_708 = arith.constant 2496 : i32
      %dma_start3A_709 = arith.constant 0 : i32
      %dma_start3A_710 = tpu.memref_slice %arg3[%select_n3A_686, %dma_start3A_708, %select_n3A_702, %dma_start3A_709] : memref<2x2500x8x128xf32, #tpu.memory_space<hbm>> -> memref<1x4x1x128xf32, #tpu.memory_space<hbm>>
      %dma_start3A_711 = tpu.memref_squeeze %dma_start3A_710 : memref<1x4x1x128xf32, #tpu.memory_space<hbm>> -> memref<4x128xf32, #tpu.memory_space<hbm>>
      %dma_start3A_712 = arith.constant 0 : i32
      %dma_start3A_713 = arith.constant 0 : i32
      %dma_start3A_714 = tpu.memref_slice %arg6[%dma_start3A_703, %dma_start3A_712, %dma_start3A_713] : memref<2x208x128xf32, #tpu.memory_space<vmem>> -> memref<1x4x128xf32, #tpu.memory_space<vmem>>
      %dma_start3A_715 = tpu.memref_squeeze %dma_start3A_714 : memref<1x4x128xf32, #tpu.memory_space<vmem>> -> memref<4x128xf32, #tpu.memory_space<vmem>>
      %dma_start3A_716 = arith.constant 2496 : i32
      %dma_start3A_717 = arith.constant 0 : i32
      %dma_start3A_718 = tpu.memref_slice %arg3[%select_n3A_686, %dma_start3A_716, %select_n3A_702, %dma_start3A_717] : memref<2x2500x8x128xf32, #tpu.memory_space<hbm>> -> memref<1x4x1x128xf32, #tpu.memory_space<hbm>>
      %dma_start3A_719 = tpu.memref_squeeze %dma_start3A_718 : memref<1x4x1x128xf32, #tpu.memory_space<hbm>> -> memref<4x128xf32, #tpu.memory_space<hbm>>
      tpu.enqueue_dma source(%dma_start3A_719 : memref<4x128xf32, #tpu.memory_space<hbm>>) target(%dma_start3A_715 : memref<4x128xf32, #tpu.memory_space<vmem>>) target_semaphore(%arg8 : memref<!tpu.dma_semaphore, #tpu.memory_space<semaphore_mem>>)
      %dma_wait3A_720 = arith.constant 1 : i32
      %dma_wait3A_721 = arith.constant 0 : i32
      %dma_wait3A_722 = arith.constant 0 : i32
      %dma_wait3A_723 = arith.constant 0 : i32
      %dma_wait3A_724 = tpu.memref_slice %arg5[%dma_wait3A_721, %dma_wait3A_722, %dma_wait3A_723] : memref<2x208x128xi32, #tpu.memory_space<vmem>> -> memref<1x4x128xi32, #tpu.memory_space<vmem>>
      %dma_wait3A_725 = tpu.memref_squeeze %dma_wait3A_724 : memref<1x4x128xi32, #tpu.memory_space<vmem>> -> memref<4x128xi32, #tpu.memory_space<vmem>>
      %dma_wait3A_726 = arith.constant 2496 : i32
      %dma_wait3A_727 = arith.constant 0 : i32
      %dma_wait3A_728 = tpu.memref_slice %arg2[%dma_wait3A_726, %dma_wait3A_720, %dma_wait3A_727] : memref<2500x2x128xi32, #tpu.memory_space<hbm>> -> memref<4x1x128xi32, #tpu.memory_space<hbm>>
      %dma_wait3A_729 = tpu.memref_squeeze %dma_wait3A_728 : memref<4x1x128xi32, #tpu.memory_space<hbm>> -> memref<4x128xi32, #tpu.memory_space<hbm>>
      %dma_wait3A_730 = arith.constant 0 : i32
      %dma_wait3A_731 = arith.constant 0 : i32
      %dma_wait3A_732 = tpu.memref_slice %arg5[%dma_wait3A_721, %dma_wait3A_730, %dma_wait3A_731] : memref<2x208x128xi32, #tpu.memory_space<vmem>> -> memref<1x4x128xi32, #tpu.memory_space<vmem>>
      %dma_wait3A_733 = tpu.memref_squeeze %dma_wait3A_732 : memref<1x4x128xi32, #tpu.memory_space<vmem>> -> memref<4x128xi32, #tpu.memory_space<vmem>>
      %dma_wait3A_734 = arith.constant 2496 : i32
      %dma_wait3A_735 = arith.constant 0 : i32
      %dma_wait3A_736 = tpu.memref_slice %arg2[%dma_wait3A_734, %dma_wait3A_720, %dma_wait3A_735] : memref<2500x2x128xi32, #tpu.memory_space<hbm>> -> memref<4x1x128xi32, #tpu.memory_space<hbm>>
      %dma_wait3A_737 = tpu.memref_squeeze %dma_wait3A_736 : memref<4x1x128xi32, #tpu.memory_space<hbm>> -> memref<4x128xi32, #tpu.memory_space<hbm>>
      tpu.wait_dma2 semaphore(%arg8 : memref<!tpu.dma_semaphore, #tpu.memory_space<semaphore_mem>>) src(%dma_wait3A_737 : memref<4x128xi32, #tpu.memory_space<hbm>>) dst(%dma_wait3A_733 : memref<4x128xi32, #tpu.memory_space<vmem>>)
      %dma_wait3A_738 = arith.constant 0 : i32
      %dma_wait3A_739 = arith.constant 0 : i32
      %dma_wait3A_740 = arith.constant 0 : i32
      %dma_wait3A_741 = tpu.memref_slice %arg6[%dma_wait3A_738, %dma_wait3A_739, %dma_wait3A_740] : memref<2x208x128xf32, #tpu.memory_space<vmem>> -> memref<1x4x128xf32, #tpu.memory_space<vmem>>
      %dma_wait3A_742 = tpu.memref_squeeze %dma_wait3A_741 : memref<1x4x128xf32, #tpu.memory_space<vmem>> -> memref<4x128xf32, #tpu.memory_space<vmem>>
      %dma_wait3A_743 = arith.constant 2496 : i32
      %dma_wait3A_744 = arith.constant 0 : i32
      %dma_wait3A_745 = tpu.memref_slice %arg3[%select_n3A_686, %dma_wait3A_743, %select_n3A_702, %dma_wait3A_744] : memref<2x2500x8x128xf32, #tpu.memory_space<hbm>> -> memref<1x4x1x128xf32, #tpu.memory_space<hbm>>
      %dma_wait3A_746 = tpu.memref_squeeze %dma_wait3A_745 : memref<1x4x1x128xf32, #tpu.memory_space<hbm>> -> memref<4x128xf32, #tpu.memory_space<hbm>>
      %dma_wait3A_747 = arith.constant 0 : i32
      %dma_wait3A_748 = arith.constant 0 : i32
      %dma_wait3A_749 = tpu.memref_slice %arg6[%dma_wait3A_738, %dma_wait3A_747, %dma_wait3A_748] : memref<2x208x128xf32, #tpu.memory_space<vmem>> -> memref<1x4x128xf32, #tpu.memory_space<vmem>>
      %dma_wait3A_750 = tpu.memref_squeeze %dma_wait3A_749 : memref<1x4x128xf32, #tpu.memory_space<vmem>> -> memref<4x128xf32, #tpu.memory_space<vmem>>
      %dma_wait3A_751 = arith.constant 2496 : i32
      %dma_wait3A_752 = arith.constant 0 : i32
      %dma_wait3A_753 = tpu.memref_slice %arg3[%select_n3A_686, %dma_wait3A_751, %select_n3A_702, %dma_wait3A_752] : memref<2x2500x8x128xf32, #tpu.memory_space<hbm>> -> memref<1x4x1x128xf32, #tpu.memory_space<hbm>>
      %dma_wait3A_754 = tpu.memref_squeeze %dma_wait3A_753 : memref<1x4x1x128xf32, #tpu.memory_space<hbm>> -> memref<4x128xf32, #tpu.memory_space<hbm>>
      tpu.wait_dma2 semaphore(%arg8 : memref<!tpu.dma_semaphore, #tpu.memory_space<semaphore_mem>>) src(%dma_wait3A_754 : memref<4x128xf32, #tpu.memory_space<hbm>>) dst(%dma_wait3A_750 : memref<4x128xf32, #tpu.memory_space<vmem>>)
      %parallel_loop3A_755 = arith.constant 0 : i32
      %parallel_loop3A_756 = arith.constant 4 : i32
      %parallel_loop3A_757 = arith.constant 1 : i32
      scf.for %parallel_loop3A_758 = %parallel_loop3A_755 to %parallel_loop3A_756 step %parallel_loop3A_757  : i32 {
        %parallel_loop3A_759 = arith.constant 0 : i32
        %parallel_loop3A_760 = arith.index_cast %parallel_loop3A_759 : i32 to index
        %parallel_loop3A_761 = arith.index_cast %parallel_loop3A_758 : i32 to index
        %parallel_loop3A_762 = arith.constant 0 : index
        %parallel_loop3A_763 = tpu.vector_load %arg5[%parallel_loop3A_760, %parallel_loop3A_761, %parallel_loop3A_762] {strides = array<i32>} : memref<2x208x128xi32, #tpu.memory_space<vmem>>, vector<16xi32>,
        %parallel_loop3A_764 = arith.constant 0 : i32
        %parallel_loop3A_765 = arith.index_cast %parallel_loop3A_764 : i32 to index
        %parallel_loop3A_766 = arith.index_cast %parallel_loop3A_758 : i32 to index
        %parallel_loop3A_767 = arith.constant 0 : index
        %parallel_loop3A_768 = tpu.vector_load %arg6[%parallel_loop3A_765, %parallel_loop3A_766, %parallel_loop3A_767] {strides = array<i32>} : memref<2x208x128xf32, #tpu.memory_space<vmem>>, vector<16xf32>,
        tpu.vector_store_idx %arg7[%parallel_loop3A_763], %parallel_loop3A_768 {add = true} : memref<10240xf32, #tpu.memory_space<vmem>>[vector<16xi32>], vector<16xf32>,
        %parallel_loop3A_769 = arith.constant 0 : i32
        %parallel_loop3A_770 = arith.index_cast %parallel_loop3A_769 : i32 to index
        %parallel_loop3A_771 = arith.index_cast %parallel_loop3A_758 : i32 to index
        %parallel_loop3A_772 = arith.constant 16 : index
        %parallel_loop3A_773 = tpu.vector_load %arg5[%parallel_loop3A_770, %parallel_loop3A_771, %parallel_loop3A_772] {strides = array<i32>} : memref<2x208x128xi32, #tpu.memory_space<vmem>>, vector<16xi32>,
        %parallel_loop3A_774 = arith.constant 0 : i32
        %parallel_loop3A_775 = arith.index_cast %parallel_loop3A_774 : i32 to index
        %parallel_loop3A_776 = arith.index_cast %parallel_loop3A_758 : i32 to index
        %parallel_loop3A_777 = arith.constant 16 : index
        %parallel_loop3A_778 = tpu.vector_load %arg6[%parallel_loop3A_775, %parallel_loop3A_776, %parallel_loop3A_777] {strides = array<i32>} : memref<2x208x128xf32, #tpu.memory_space<vmem>>, vector<16xf32>,
        tpu.vector_store_idx %arg7[%parallel_loop3A_773], %parallel_loop3A_778 {add = true} : memref<10240xf32, #tpu.memory_space<vmem>>[vector<16xi32>], vector<16xf32>,
        %parallel_loop3A_779 = arith.constant 0 : i32
        %parallel_loop3A_780 = arith.index_cast %parallel_loop3A_779 : i32 to index
        %parallel_loop3A_781 = arith.index_cast %parallel_loop3A_758 : i32 to index
        %parallel_loop3A_782 = arith.constant 32 : index
        %parallel_loop3A_783 = tpu.vector_load %arg5[%parallel_loop3A_780, %parallel_loop3A_781, %parallel_loop3A_782] {strides = array<i32>} : memref<2x208x128xi32, #tpu.memory_space<vmem>>, vector<16xi32>,
        %parallel_loop3A_784 = arith.constant 0 : i32
        %parallel_loop3A_785 = arith.index_cast %parallel_loop3A_784 : i32 to index
        %parallel_loop3A_786 = arith.index_cast %parallel_loop3A_758 : i32 to index
        %parallel_loop3A_787 = arith.constant 32 : index
        %parallel_loop3A_788 = tpu.vector_load %arg6[%parallel_loop3A_785, %parallel_loop3A_786, %parallel_loop3A_787] {strides = array<i32>} : memref<2x208x128xf32, #tpu.memory_space<vmem>>, vector<16xf32>,
        tpu.vector_store_idx %arg7[%parallel_loop3A_783], %parallel_loop3A_788 {add = true} : memref<10240xf32, #tpu.memory_space<vmem>>[vector<16xi32>], vector<16xf32>,
        %parallel_loop3A_789 = arith.constant 0 : i32
        %parallel_loop3A_790 = arith.index_cast %parallel_loop3A_789 : i32 to index
        %parallel_loop3A_791 = arith.index_cast %parallel_loop3A_758 : i32 to index
        %parallel_loop3A_792 = arith.constant 48 : index
        %parallel_loop3A_793 = tpu.vector_load %arg5[%parallel_loop3A_790, %parallel_loop3A_791, %parallel_loop3A_792] {strides = array<i32>} : memref<2x208x128xi32, #tpu.memory_space<vmem>>, vector<16xi32>,
        %parallel_loop3A_794 = arith.constant 0 : i32
        %parallel_loop3A_795 = arith.index_cast %parallel_loop3A_794 : i32 to index
        %parallel_loop3A_796 = arith.index_cast %parallel_loop3A_758 : i32 to index
        %parallel_loop3A_797 = arith.constant 48 : index
        %parallel_loop3A_798 = tpu.vector_load %arg6[%parallel_loop3A_795, %parallel_loop3A_796, %parallel_loop3A_797] {strides = array<i32>} : memref<2x208x128xf32, #tpu.memory_space<vmem>>, vector<16xf32>,
        tpu.vector_store_idx %arg7[%parallel_loop3A_793], %parallel_loop3A_798 {add = true} : memref<10240xf32, #tpu.memory_space<vmem>>[vector<16xi32>], vector<16xf32>,
        %parallel_loop3A_799 = arith.constant 0 : i32
        %parallel_loop3A_800 = arith.index_cast %parallel_loop3A_799 : i32 to index
        %parallel_loop3A_801 = arith.index_cast %parallel_loop3A_758 : i32 to index
        %parallel_loop3A_802 = arith.constant 64 : index
        %parallel_loop3A_803 = tpu.vector_load %arg5[%parallel_loop3A_800, %parallel_loop3A_801, %parallel_loop3A_802] {strides = array<i32>} : memref<2x208x128xi32, #tpu.memory_space<vmem>>, vector<16xi32>,
        %parallel_loop3A_804 = arith.constant 0 : i32
        %parallel_loop3A_805 = arith.index_cast %parallel_loop3A_804 : i32 to index
        %parallel_loop3A_806 = arith.index_cast %parallel_loop3A_758 : i32 to index
        %parallel_loop3A_807 = arith.constant 64 : index
        %parallel_loop3A_808 = tpu.vector_load %arg6[%parallel_loop3A_805, %parallel_loop3A_806, %parallel_loop3A_807] {strides = array<i32>} : memref<2x208x128xf32, #tpu.memory_space<vmem>>, vector<16xf32>,
        tpu.vector_store_idx %arg7[%parallel_loop3A_803], %parallel_loop3A_808 {add = true} : memref<10240xf32, #tpu.memory_space<vmem>>[vector<16xi32>], vector<16xf32>,
        %parallel_loop3A_809 = arith.constant 0 : i32
        %parallel_loop3A_810 = arith.index_cast %parallel_loop3A_809 : i32 to index
        %parallel_loop3A_811 = arith.index_cast %parallel_loop3A_758 : i32 to index
        %parallel_loop3A_812 = arith.constant 80 : index
        %parallel_loop3A_813 = tpu.vector_load %arg5[%parallel_loop3A_810, %parallel_loop3A_811, %parallel_loop3A_812] {strides = array<i32>} : memref<2x208x128xi32, #tpu.memory_space<vmem>>, vector<16xi32>,
        %parallel_loop3A_814 = arith.constant 0 : i32
        %parallel_loop3A_815 = arith.index_cast %parallel_loop3A_814 : i32 to index
        %parallel_loop3A_816 = arith.index_cast %parallel_loop3A_758 : i32 to index
        %parallel_loop3A_817 = arith.constant 80 : index
        %parallel_loop3A_818 = tpu.vector_load %arg6[%parallel_loop3A_815, %parallel_loop3A_816, %parallel_loop3A_817] {strides = array<i32>} : memref<2x208x128xf32, #tpu.memory_space<vmem>>, vector<16xf32>,
        tpu.vector_store_idx %arg7[%parallel_loop3A_813], %parallel_loop3A_818 {add = true} : memref<10240xf32, #tpu.memory_space<vmem>>[vector<16xi32>], vector<16xf32>,
        %parallel_loop3A_819 = arith.constant 0 : i32
        %parallel_loop3A_820 = arith.index_cast %parallel_loop3A_819 : i32 to index
        %parallel_loop3A_821 = arith.index_cast %parallel_loop3A_758 : i32 to index
        %parallel_loop3A_822 = arith.constant 96 : index
        %parallel_loop3A_823 = tpu.vector_load %arg5[%parallel_loop3A_820, %parallel_loop3A_821, %parallel_loop3A_822] {strides = array<i32>} : memref<2x208x128xi32, #tpu.memory_space<vmem>>, vector<16xi32>,
        %parallel_loop3A_824 = arith.constant 0 : i32
        %parallel_loop3A_825 = arith.index_cast %parallel_loop3A_824 : i32 to index
        %parallel_loop3A_826 = arith.index_cast %parallel_loop3A_758 : i32 to index
        %parallel_loop3A_827 = arith.constant 96 : index
        %parallel_loop3A_828 = tpu.vector_load %arg6[%parallel_loop3A_825, %parallel_loop3A_826, %parallel_loop3A_827] {strides = array<i32>} : memref<2x208x128xf32, #tpu.memory_space<vmem>>, vector<16xf32>,
        tpu.vector_store_idx %arg7[%parallel_loop3A_823], %parallel_loop3A_828 {add = true} : memref<10240xf32, #tpu.memory_space<vmem>>[vector<16xi32>], vector<16xf32>,
        %parallel_loop3A_829 = arith.constant 0 : i32
        %parallel_loop3A_830 = arith.index_cast %parallel_loop3A_829 : i32 to index
        %parallel_loop3A_831 = arith.index_cast %parallel_loop3A_758 : i32 to index
        %parallel_loop3A_832 = arith.constant 112 : index
        %parallel_loop3A_833 = tpu.vector_load %arg5[%parallel_loop3A_830, %parallel_loop3A_831, %parallel_loop3A_832] {strides = array<i32>} : memref<2x208x128xi32, #tpu.memory_space<vmem>>, vector<16xi32>,
        %parallel_loop3A_834 = arith.constant 0 : i32
        %parallel_loop3A_835 = arith.index_cast %parallel_loop3A_834 : i32 to index
        %parallel_loop3A_836 = arith.index_cast %parallel_loop3A_758 : i32 to index
        %parallel_loop3A_837 = arith.constant 112 : index
        %parallel_loop3A_838 = tpu.vector_load %arg6[%parallel_loop3A_835, %parallel_loop3A_836, %parallel_loop3A_837] {strides = array<i32>} : memref<2x208x128xf32, #tpu.memory_space<vmem>>, vector<16xf32>,
        tpu.vector_store_idx %arg7[%parallel_loop3A_833], %parallel_loop3A_838 {add = true} : memref<10240xf32, #tpu.memory_space<vmem>>[vector<16xi32>], vector<16xf32>,
      } {sc.loop_unroll_factor = 1 : i64, sc.parallel_access}
    } else {
    }
    "tpu.region"() ({
      %run_scoped3A = tpu.sem_alloc : memref<!tpu.dma_semaphore, #tpu.memory_space<semaphore_mem>>
      %dma_start3A_645 = arith.constant 0 : i32
      %dma_start3A_646 = tpu.memref_slice %arg4[%arg0, %arg1, %dma_start3A_645] : memref<2x16x10240xf32, #tpu.memory_space<hbm>> -> memref<1x1x10240xf32, #tpu.memory_space<hbm>>
      %dma_start3A_647 = tpu.memref_squeeze %dma_start3A_646 : memref<1x1x10240xf32, #tpu.memory_space<hbm>> -> memref<10240xf32, #tpu.memory_space<hbm>>
      %dma_start3A_648 = arith.constant 0 : i32
      %dma_start3A_649 = tpu.memref_slice %arg4[%arg0, %arg1, %dma_start3A_648] : memref<2x16x10240xf32, #tpu.memory_space<hbm>> -> memref<1x1x10240xf32, #tpu.memory_space<hbm>>
      %dma_start3A_650 = tpu.memref_squeeze %dma_start3A_649 : memref<1x1x10240xf32, #tpu.memory_space<hbm>> -> memref<10240xf32, #tpu.memory_space<hbm>>
      tpu.enqueue_dma source(%arg7 : memref<10240xf32, #tpu.memory_space<vmem>>) target(%dma_start3A_650 : memref<10240xf32, #tpu.memory_space<hbm>>) target_semaphore(%run_scoped3A : memref<!tpu.dma_semaphore, #tpu.memory_space<semaphore_mem>>)
      %dma_wait3A_651 = arith.constant 0 : i32
      %dma_wait3A_652 = tpu.memref_slice %arg4[%arg0, %arg1, %dma_wait3A_651] : memref<2x16x10240xf32, #tpu.memory_space<hbm>> -> memref<1x1x10240xf32, #tpu.memory_space<hbm>>
      %dma_wait3A_653 = tpu.memref_squeeze %dma_wait3A_652 : memref<1x1x10240xf32, #tpu.memory_space<hbm>> -> memref<10240xf32, #tpu.memory_space<hbm>>
      %dma_wait3A_654 = arith.constant 0 : i32
      %dma_wait3A_655 = tpu.memref_slice %arg4[%arg0, %arg1, %dma_wait3A_654] : memref<2x16x10240xf32, #tpu.memory_space<hbm>> -> memref<1x1x10240xf32, #tpu.memory_space<hbm>>
      %dma_wait3A_656 = tpu.memref_squeeze %dma_wait3A_655 : memref<1x1x10240xf32, #tpu.memory_space<hbm>> -> memref<10240xf32, #tpu.memory_space<hbm>>
      tpu.wait_dma2 semaphore(%run_scoped3A : memref<!tpu.dma_semaphore, #tpu.memory_space<semaphore_mem>>) src(%arg7 : memref<10240xf32, #tpu.memory_space<vmem>>) dst(%dma_wait3A_656 : memref<10240xf32, #tpu.memory_space<hbm>>)
      tpu.yield
    }) : () -> ()
    return
  }
}

module attributes {stable_mosaic.version = 14 : i64} {
  func.func @_mlp_body(%arg0: i32, %arg1: memref<1024x128xf32, #tpu.memory_space<vmem>>, %arg2: memref<2x16x1024xf32, #tpu.memory_space<vmem>>, %arg3: memref<128x128xf32, #tpu.memory_space<vmem>>, %arg4: memref<16x128xf32, #tpu.memory_space<vmem>>, %arg5: memref<1x128xf32, #tpu.memory_space<vmem>>, %arg6: memref<128x128xf32, #tpu.memory_space<vmem>>, %arg7: memref<1x128xf32, #tpu.memory_space<vmem>>, %arg8: memref<128x128xf32, #tpu.memory_space<vmem>>, %arg9: memref<1x128xf32, #tpu.memory_space<vmem>>, %arg10: memref<1x128xf32, #tpu.memory_space<vmem>>, %arg11: memref<1x128xf32, #tpu.memory_space<vmem>>, %arg12: memref<1024x128xf32, #tpu.memory_space<vmem>>) attributes {dimension_semantics = [#tpu.dimension_semantics<arbitrary>], iteration_bounds = array<i64: 10>, scalar_prefetch = 0 : i64, scratch_operands = 0 : i64, tpu.core_type = #tpu.core_type<tc>, window_params = [{transform_indices = @transform_0, window_bounds = array<i64: 1024, 128>}, {transform_indices = @transform_1, window_bounds = array<i64: 2, 16, 1024>}, {pipeline_mode = #tpu.pipeline_mode<synchronous>, transform_indices = @transform_2, window_bounds = array<i64: 128, 128>}, {pipeline_mode = #tpu.pipeline_mode<synchronous>, transform_indices = @transform_3, window_bounds = array<i64: 16, 128>}, {pipeline_mode = #tpu.pipeline_mode<synchronous>, transform_indices = @transform_4, window_bounds = array<i64: 1, 128>}, {pipeline_mode = #tpu.pipeline_mode<synchronous>, transform_indices = @transform_5, window_bounds = array<i64: 128, 128>}, {pipeline_mode = #tpu.pipeline_mode<synchronous>, transform_indices = @transform_6, window_bounds = array<i64: 1, 128>}, {pipeline_mode = #tpu.pipeline_mode<synchronous>, transform_indices = @transform_7, window_bounds = array<i64: 128, 128>}, {pipeline_mode = #tpu.pipeline_mode<synchronous>, transform_indices = @transform_8, window_bounds = array<i64: 1, 128>}, {pipeline_mode = #tpu.pipeline_mode<synchronous>, transform_indices = @transform_9, window_bounds = array<i64: 1, 128>}, {pipeline_mode = #tpu.pipeline_mode<synchronous>, transform_indices = @transform_10, window_bounds = array<i64: 1, 128>}, {transform_indices = @transform_11, window_bounds = array<i64: 1024, 128>}]} {
    %get3A = arith.constant 0 : index
    %get3A_0 = arith.constant 0 : index
    %get3A_1 = vector.load %arg1[%get3A, %get3A_0] : memref<1024x128xf32, #tpu.memory_space<vmem>>, vector<1024x128xf32>
    %get3A_2 = arith.constant 0 : index
    %get3A_3 = arith.constant 0 : index
    %get3A_4 = arith.constant 0 : index
    %get3A_5 = vector.load %arg2[%get3A_2, %get3A_3, %get3A_4] : memref<2x16x1024xf32, #tpu.memory_space<vmem>>, vector<1x16x1024xf32>
    %get3A_6 = vector.shape_cast %get3A_5 : vector<1x16x1024xf32> to vector<16x1024xf32>
    %get3A_7 = arith.constant 1 : index
    %get3A_8 = arith.constant 0 : index
    %get3A_9 = arith.constant 0 : index
    %get3A_10 = vector.load %arg2[%get3A_7, %get3A_8, %get3A_9] : memref<2x16x1024xf32, #tpu.memory_space<vmem>>, vector<1x16x1024xf32>
    %get3A_11 = vector.shape_cast %get3A_10 : vector<1x16x1024xf32> to vector<16x1024xf32>
    %add3A = arith.addf %get3A_6, %get3A_11 : vector<16x1024xf32>
    %get3A_12 = arith.constant 0 : index
    %get3A_13 = arith.constant 0 : index
    %get3A_14 = vector.load %arg3[%get3A_12, %get3A_13] : memref<128x128xf32, #tpu.memory_space<vmem>>, vector<128x128xf32>
    %dot_general3A = arith.constant dense<0.000000e+00> : vector<1024x128xf32>
    %dot_general3A_15 = tpu.matmul %get3A_1, %get3A_14, %dot_general3A {dimension_numbers = #tpu.dot_dimension_numbers<[1], [0], [0], [1], [0, 0, 1, 1], [], []>, transpose_lhs_hint = false} : vector<1024x128xf32>, vector<128x128xf32>, vector<1024x128xf32> -> vector<1024x128xf32>
    %get3A_16 = arith.constant 0 : index
    %get3A_17 = arith.constant 0 : index
    %get3A_18 = vector.load %arg4[%get3A_16, %get3A_17] : memref<16x128xf32, #tpu.memory_space<vmem>>, vector<16x128xf32>
    %dot_general3A_19 = arith.constant dense<0.000000e+00> : vector<1024x128xf32>
    %dot_general3A_20 = tpu.matmul %add3A, %get3A_18, %dot_general3A_19 {dimension_numbers = #tpu.dot_dimension_numbers<[0], [0], [1], [1], [0, 1, 1, 1], [], []>, transpose_lhs_hint = false} : vector<16x1024xf32>, vector<16x128xf32>, vector<1024x128xf32> -> vector<1024x128xf32>
    %add3A_21 = arith.addf %dot_general3A_15, %dot_general3A_20 : vector<1024x128xf32>
    %get3A_22 = arith.constant 0 : index
    %get3A_23 = arith.constant 0 : index
    %get3A_24 = vector.load %arg5[%get3A_22, %get3A_23] : memref<1x128xf32, #tpu.memory_space<vmem>>, vector<1x128xf32>
    %add3A_25 = vector.broadcast %get3A_24 : vector<1x128xf32> to vector<1024x128xf32>
    %add3A_26 = arith.addf %add3A_21, %add3A_25 : vector<1024x128xf32>
    %max3A = arith.constant 0.000000e+00 : f32
    %max3A_27 = vector.broadcast %max3A : f32 to vector<1024x128xf32>
    %max3A_28 = arith.maximumf %add3A_26, %max3A_27 : vector<1024x128xf32>
    %get3A_29 = arith.constant 0 : index
    %get3A_30 = arith.constant 0 : index
    %get3A_31 = vector.load %arg6[%get3A_29, %get3A_30] : memref<128x128xf32, #tpu.memory_space<vmem>>, vector<128x128xf32>
    %dot_general3A_32 = arith.constant dense<0.000000e+00> : vector<1024x128xf32>
    %dot_general3A_33 = tpu.matmul %max3A_28, %get3A_31, %dot_general3A_32 {dimension_numbers = #tpu.dot_dimension_numbers<[1], [0], [0], [1], [0, 0, 1, 1], [], []>, transpose_lhs_hint = false} : vector<1024x128xf32>, vector<128x128xf32>, vector<1024x128xf32> -> vector<1024x128xf32>
    %get3A_34 = arith.constant 0 : index
    %get3A_35 = arith.constant 0 : index
    %get3A_36 = vector.load %arg7[%get3A_34, %get3A_35] : memref<1x128xf32, #tpu.memory_space<vmem>>, vector<1x128xf32>
    %add3A_37 = vector.broadcast %get3A_36 : vector<1x128xf32> to vector<1024x128xf32>
    %add3A_38 = arith.addf %dot_general3A_33, %add3A_37 : vector<1024x128xf32>
    %max3A_39 = arith.constant 0.000000e+00 : f32
    %max3A_40 = vector.broadcast %max3A_39 : f32 to vector<1024x128xf32>
    %max3A_41 = arith.maximumf %add3A_38, %max3A_40 : vector<1024x128xf32>
    %get3A_42 = arith.constant 0 : index
    %get3A_43 = arith.constant 0 : index
    %get3A_44 = vector.load %arg8[%get3A_42, %get3A_43] : memref<128x128xf32, #tpu.memory_space<vmem>>, vector<128x128xf32>
    %dot_general3A_45 = arith.constant dense<0.000000e+00> : vector<1024x128xf32>
    %dot_general3A_46 = tpu.matmul %max3A_41, %get3A_44, %dot_general3A_45 {dimension_numbers = #tpu.dot_dimension_numbers<[1], [0], [0], [1], [0, 0, 1, 1], [], []>, transpose_lhs_hint = false} : vector<1024x128xf32>, vector<128x128xf32>, vector<1024x128xf32> -> vector<1024x128xf32>
    %get3A_47 = arith.constant 0 : index
    %get3A_48 = arith.constant 0 : index
    %get3A_49 = vector.load %arg9[%get3A_47, %get3A_48] : memref<1x128xf32, #tpu.memory_space<vmem>>, vector<1x128xf32>
    %add3A_50 = vector.broadcast %get3A_49 : vector<1x128xf32> to vector<1024x128xf32>
    %add3A_51 = arith.addf %dot_general3A_46, %add3A_50 : vector<1024x128xf32>
    %reduce_sum3A = arith.constant dense<0.000000e+00> : vector<1024xf32>
    %reduce_sum3A_52 = vector.multi_reduction <add>, %add3A_51, %reduce_sum3A [1] : vector<1024x128xf32> to vector<1024xf32>
    %broadcast_in_dim3A = vector.shape_cast %reduce_sum3A_52 : vector<1024xf32> to vector<1024x1xf32>
    %div3A = arith.constant 1.280000e+02 : f32
    %div3A_53 = vector.broadcast %div3A : f32 to vector<1024x1xf32>
    %div3A_54 = arith.divf %broadcast_in_dim3A, %div3A_53 : vector<1024x1xf32>
    %sub3A = vector.broadcast %div3A_54 : vector<1024x1xf32> to vector<1024x128xf32>
    %sub3A_55 = arith.subf %add3A_51, %sub3A : vector<1024x128xf32>
    %mul3A = arith.mulf %sub3A_55, %sub3A_55 : vector<1024x128xf32>
    %reduce_sum3A_56 = arith.constant dense<0.000000e+00> : vector<1024xf32>
    %reduce_sum3A_57 = vector.multi_reduction <add>, %mul3A, %reduce_sum3A_56 [1] : vector<1024x128xf32> to vector<1024xf32>
    %broadcast_in_dim3A_58 = vector.shape_cast %reduce_sum3A_57 : vector<1024xf32> to vector<1024x1xf32>
    %div3A_59 = arith.constant 1.280000e+02 : f32
    %div3A_60 = vector.broadcast %div3A_59 : f32 to vector<1024x1xf32>
    %div3A_61 = arith.divf %broadcast_in_dim3A_58, %div3A_60 : vector<1024x1xf32>
    %add3A_62 = arith.constant 9.99999974E-6 : f32
    %add3A_63 = vector.broadcast %add3A_62 : f32 to vector<1024x1xf32>
    %add3A_64 = arith.addf %div3A_61, %add3A_63 : vector<1024x1xf32>
    %rsqrt3A = math.rsqrt %add3A_64 : vector<1024x1xf32>
    %mul3A_65 = vector.broadcast %rsqrt3A : vector<1024x1xf32> to vector<1024x128xf32>
    %mul3A_66 = arith.mulf %sub3A_55, %mul3A_65 : vector<1024x128xf32>
    %get3A_67 = arith.constant 0 : index
    %get3A_68 = arith.constant 0 : index
    %get3A_69 = vector.load %arg10[%get3A_67, %get3A_68] : memref<1x128xf32, #tpu.memory_space<vmem>>, vector<1x128xf32>
    %mul3A_70 = vector.broadcast %get3A_69 : vector<1x128xf32> to vector<1024x128xf32>
    %mul3A_71 = arith.mulf %mul3A_66, %mul3A_70 : vector<1024x128xf32>
    %get3A_72 = arith.constant 0 : index
    %get3A_73 = arith.constant 0 : index
    %get3A_74 = vector.load %arg11[%get3A_72, %get3A_73] : memref<1x128xf32, #tpu.memory_space<vmem>>, vector<1x128xf32>
    %add3A_75 = vector.broadcast %get3A_74 : vector<1x128xf32> to vector<1024x128xf32>
    %add3A_76 = arith.addf %mul3A_71, %add3A_75 : vector<1024x128xf32>
    %add3A_77 = arith.addf %add3A_76, %get3A_1 : vector<1024x128xf32>
    %swap3A = arith.constant 0 : index
    %swap3A_78 = arith.constant 0 : index
    %swap3A_79 = vector.load %arg12[%swap3A, %swap3A_78] : memref<1024x128xf32, #tpu.memory_space<vmem>>, vector<1024x128xf32>
    tpu.vector_store %arg12[%swap3A, %swap3A_78], %add3A_77 {strides = array<i32>} : memref<1024x128xf32, #tpu.memory_space<vmem>>, vector<1024x128xf32>,
    return
  }
  func.func @transform_0(%arg0: i32) -> (i32, i32) {
    %c0_i32 = arith.constant 0 : i32
    %c0_i32_0 = arith.constant 0 : i32
    return %arg0, %c0_i32 : i32, i32
  }
  func.func @transform_1(%arg0: i32) -> (i32, i32, i32) {
    %c0_i32 = arith.constant 0 : i32
    %c0_i32_0 = arith.constant 0 : i32
    %c0_i32_1 = arith.constant 0 : i32
    return %c0_i32, %c0_i32_0, %arg0 : i32, i32, i32
  }
  func.func @transform_2(%arg0: i32) -> (i32, i32) {
    %c0_i32 = arith.constant 0 : i32
    %c0_i32_0 = arith.constant 0 : i32
    %c0_i32_1 = arith.constant 0 : i32
    return %c0_i32, %c0_i32_0 : i32, i32
  }
  func.func @transform_3(%arg0: i32) -> (i32, i32) {
    %c0_i32 = arith.constant 0 : i32
    %c0_i32_0 = arith.constant 0 : i32
    %c0_i32_1 = arith.constant 0 : i32
    return %c0_i32, %c0_i32_0 : i32, i32
  }
  func.func @transform_4(%arg0: i32) -> (i32, i32) {
    %c0_i32 = arith.constant 0 : i32
    %c0_i32_0 = arith.constant 0 : i32
    %c0_i32_1 = arith.constant 0 : i32
    return %c0_i32, %c0_i32_0 : i32, i32
  }
  func.func @transform_5(%arg0: i32) -> (i32, i32) {
    %c0_i32 = arith.constant 0 : i32
    %c0_i32_0 = arith.constant 0 : i32
    %c0_i32_1 = arith.constant 0 : i32
    return %c0_i32, %c0_i32_0 : i32, i32
  }
  func.func @transform_6(%arg0: i32) -> (i32, i32) {
    %c0_i32 = arith.constant 0 : i32
    %c0_i32_0 = arith.constant 0 : i32
    %c0_i32_1 = arith.constant 0 : i32
    return %c0_i32, %c0_i32_0 : i32, i32
  }
  func.func @transform_7(%arg0: i32) -> (i32, i32) {
    %c0_i32 = arith.constant 0 : i32
    %c0_i32_0 = arith.constant 0 : i32
    %c0_i32_1 = arith.constant 0 : i32
    return %c0_i32, %c0_i32_0 : i32, i32
  }
  func.func @transform_8(%arg0: i32) -> (i32, i32) {
    %c0_i32 = arith.constant 0 : i32
    %c0_i32_0 = arith.constant 0 : i32
    %c0_i32_1 = arith.constant 0 : i32
    return %c0_i32, %c0_i32_0 : i32, i32
  }
  func.func @transform_9(%arg0: i32) -> (i32, i32) {
    %c0_i32 = arith.constant 0 : i32
    %c0_i32_0 = arith.constant 0 : i32
    %c0_i32_1 = arith.constant 0 : i32
    return %c0_i32, %c0_i32_0 : i32, i32
  }
  func.func @transform_10(%arg0: i32) -> (i32, i32) {
    %c0_i32 = arith.constant 0 : i32
    %c0_i32_0 = arith.constant 0 : i32
    %c0_i32_1 = arith.constant 0 : i32
    return %c0_i32, %c0_i32_0 : i32, i32
  }
  func.func @transform_11(%arg0: i32) -> (i32, i32) {
    %c0_i32 = arith.constant 0 : i32
    %c0_i32_0 = arith.constant 0 : i32
    return %arg0, %c0_i32 : i32, i32
  }
}

</mosaic_0001>

<sc_bundles>
// kernel: kernel.4.cloned.1.call-start
scs
__scs_entry_jumppad:
0x0: {  	(pc) =	sbr.rel $0x88, $3  }
0x1: {  	(tag) =	ssettag $0x0;
	lr =	simm.s32 $0x1  }
0x2: {  	[smem:$0x3F96] =	sst lr;
	_ =	strace $0xD0000000  }
0x3: {  	_ = 	snop  }
0x4: {  	_ = 	snop  }
0x5: {  	_ = 	snop  }
0x6: {  	_ = 	snop  }
0x7: {  	_ = 	snop  }
__scs_overlays_trampoline_lowered:
0x8: {  	[smem:$0x3FA5] =	sst s0  }
0x9: {  	[smem:$0x3FA6] =	sst s1  }
0xa: {  	[smem:$0x3FA7] =	sst s2  }
0xb: {  	[smem:$0x3FA8] =	sst s3  }
0xc: {  	[smem:$0x3FA9] =	sst s4  }
0xd: {  	[smem:$0x3FAA] =	sst s5  }
0xe: {  	[smem:$0x3FAB] =	sst s6  }
0xf: {  	[smem:$0x3FAC] =	sst s7  }
0x10: {  	[smem:$0x3FAD] =	sst s8  }
0x11: {  	[smem:$0x3FAE] =	sst s9;
	s0 =	simm.s32 @!p0 $0x0  }
0x12: {  	s1 =	sld [smem:$0x3F94];
	s0 =	simm.s32 @p0 $0x1  }
0x13: {  	[smem:$0x3FAF] =	sst s0;
	s0 =	simm.s32 @!p1 $0x0  }
0x14: {  	s2 =	sld [smem:$0x3F93];
	s0 =	simm.s32 @p1 $0x1  }
0x15: {  	[smem:$0x3FB0] =	sst s0;
	s0 =	simm.s32 @!p2 $0x0  }
0x16: {  	s3 =	sld [smem:$0x3FDB];
	s0 =	simm.s32 @p2 $0x1  }
0x17: {  	s4 =	simm.s32 $0x1BF5;
	[smem:$0x3FB2] =	sst s0  }
0x18: {  	s0 =	sld [smem:$0x3F95];
	_ =	swait.ge [sflag:s4], $0x0  }
0x19: {  	s7 =	sld [smem:$0x3F96]  }
0x1a: {  	s8 =	sadd.s32 $0xFFFFE003, lr  }
0x1b: {  	s9 =	sadd.s32 $0xFFFFFEF7, lr;
	s5 =	simm.s32 $0xFFFFFFFF;
	p2 =	slt.u32 s8, $0xFFFFF086  }
0x1c: {  	p1 =	slt.u32 s9, $0xF7A;
	s5 =	simm.s32 @!p2 $0x0  }
0x1d: {  	s5 =	simm.s32 @p1 $0x1;
	p0 =	seq.s32 s7, s2  }
0x1e: {  	s7 =	smul.u32 @!p0 $0xF7A, s2;
	p2 =	seq.s32 @!p0 s5, $0x0  }
0x1f: {  	s9 =	smul.u32 $0xF7A, s1;
	s8 =	simm.s32 @!p0 $0x1BF5;
	p2 =	por !p2, p0  }
0x20: {  	[sflag:s8] =	ssyncset.s32 @!p0 $0xFFFFF086;
	s6 =	sadd.s32 @!p0 s3, s7;
	s7 =	simm.s32 @!p0 $0x108  }
0x21: {  	s3 =	sadd.s32 s3, s9;
	s6 =	sadd.s32 @!p0 $0x88, s6;
	s7 =	simm.s32 @p2 $0x1082  }
0x22: {  	[simem:s7], [sflag:s8] =	dma.local @!p0 [hbm:s6], $0xF7A  }
0x23: {  	s9 =	sor.u32 $0xD0000000, s2;
	s6 =	simm.s32 $0x108;
	_ =	swait.ge @!p0 [sflag:s8], $0x0  }
0x24: {  	s3 =	sadd.s32 $0x88, s3;
	s6 =	simm.s32 @!p1 $0x1082;
	[sflag:s4] =	ssyncset.s32 $0xFFFFF086  }
0x25: {  	[simem:s6], [sflag:s4] =	dma.local [hbm:s3], $0xF7A  }
0x26: {  	[smem:$0x3F96] =	sst s1;
	(tag) =	ssettag s2;
	_ =	strace s9  }
0x27: {  	s1 =	sld [smem:$0x3FA6]  }
0x28: {  	s2 =	sld [smem:$0x3FA7]  }
0x29: {  	s4 =	sld [smem:$0x3FA9]  }
0x2a: {  	p0 =	seq.s32 s5, $0x0;
	s5 =	sld [smem:$0x3FAA]  }
0x2b: {  	s6 =	sld [smem:$0x3FAB]  }
0x2c: {  	s7 =	sld [smem:$0x3FAC]  }
0x2d: {  	s3 =	simm.s32 $0x108;
	s8 =	sld [smem:$0x3FAD]  }
0x2e: {  	s3 =	simm.s32 @!p0 $0x1082;
	s9 =	sld [smem:$0x3FAE]  }
0x2f: {  	lr =	sadd.s32 s0, s3;
	s0 =	sld [smem:$0x3FA5]  }
0x30: {  	s3 =	sld [smem:$0x3FA8]  }
0x31: {  	[smem:$0x3FB1] =	sst s10  }
0x32: {  	s10 =	sld [smem:$0x3FAF];
	_ =	sdelay $0x3  }
0x33: {  	p0 =	seq.s32 s10, $0x1;
	s10 =	sld [smem:$0x3FB1];
	_ =	sdelay $0x3  }
0x34: {  	[smem:$0x3FB1] =	sst s10  }
0x35: {  	s10 =	sld [smem:$0x3FB0];
	_ =	sdelay $0x3  }
0x36: {  	p1 =	seq.s32 s10, $0x1;
	s10 =	sld [smem:$0x3FB1];
	_ =	sdelay $0x3  }
0x37: {  	[smem:$0x3FB1] =	sst s10  }
0x38: {  	s10 =	sld [smem:$0x3FB2]  }
0x39: {  	_ = 	snop;
	(pc) =	sbr.ind lr, $3  }
0x3a: {  	_ = 	snop  }
0x3b: {  	_ = 	snop  }
0x3c: {  	p2 =	seq.s32 s10, $0x1;
	s10 =	sld [smem:$0x3FB1]  }
0x3d: {  	_ =	shalt  }
0x3e: {  	_ =	shalt  }
0x3f: {  	_ =	shalt  }
0x40: {  	_ =	shalt  }
0x41: {  	_ =	shalt  }
0x42: {  	_ =	shalt  }
0x43: {  	_ =	shalt  }
0x44: {  	_ =	shalt  }
0x45: {  	_ =	shalt  }
0x46: {  	_ =	shalt  }
0x47: {  	_ =	shalt  }
0x48: {  	_ =	shalt  }
0x49: {  	_ =	shalt  }
0x4a: {  	_ =	shalt  }
0x4b: {  	_ =	shalt  }
0x4c: {  	_ =	shalt  }
0x4d: {  	_ =	shalt  }
0x4e: {  	_ =	shalt  }
0x4f: {  	_ =	shalt  }
0x50: {  	_ =	shalt  }
0x51: {  	_ =	shalt  }
0x52: {  	_ =	shalt  }
0x53: {  	_ =	shalt  }
0x54: {  	_ =	shalt  }
0x55: {  	_ =	shalt  }
0x56: {  	_ =	shalt  }
0x57: {  	_ =	shalt  }
0x58: {  	_ =	shalt  }
0x59: {  	_ =	shalt  }
0x5a: {  	_ =	shalt  }
0x5b: {  	_ =	shalt  }
0x5c: {  	_ =	shalt  }
0x5d: {  	_ =	shalt  }
0x5e: {  	_ =	shalt  }
0x5f: {  	_ =	shalt  }
0x60: {  	_ =	shalt  }
0x61: {  	_ =	shalt  }
0x62: {  	_ =	shalt  }
0x63: {  	_ =	shalt  }
0x64: {  	_ =	shalt  }
0x65: {  	_ =	shalt  }
0x66: {  	_ =	shalt  }
0x67: {  	_ =	shalt  }
0x68: {  	_ =	shalt  }
0x69: {  	_ =	shalt  }
0x6a: {  	_ =	shalt  }
0x6b: {  	_ =	shalt  }
0x6c: {  	_ =	shalt  }
0x6d: {  	_ =	shalt  }
0x6e: {  	_ =	shalt  }
0x6f: {  	_ =	shalt  }
0x70: {  	_ =	shalt  }
0x71: {  	_ =	shalt  }
0x72: {  	_ =	shalt  }
0x73: {  	_ =	shalt  }
0x74: {  	_ =	shalt  }
0x75: {  	_ =	shalt  }
0x76: {  	_ =	shalt  }
0x77: {  	_ =	shalt  }
0x78: {  	_ =	shalt  }
0x79: {  	_ =	shalt  }
0x7a: {  	_ =	shalt  }
0x7b: {  	_ =	shalt  }
0x7c: {  	_ =	shalt  }
0x7d: {  	_ =	shalt  }
0x7e: {  	_ =	shalt  }
0x7f: {  	_ =	shalt  }
0x80: {  	_ =	shalt  }
0x81: {  	_ =	shalt  }
0x82: {  	_ =	shalt  }
0x83: {  	_ =	shalt  }
0x84: {  	_ =	shalt  }
0x85: {  	_ =	shalt  }
0x86: {  	_ =	shalt  }
0x87: {  	_ =	shalt  }
.Lfunc_end0:
.L_simem_size_0:
called_computation_lowered:
.L_overlay_start_0:
0x88: {  	s2 =	sld [smem:$0x3FD9]  }
0x89: {  	s3 =	sld [smem:$0x3FFE];
	_ =	sdelay $0x1  }
0x8a: {  	s1 =	srdreg.scid  }
0x8b: {  	s0 =	sand.u32 $0x1, s1  }
0x8c: {  	s18 =	sshll.u32 s0, $0xA;
	s2 =	sadd.s32 s3, s2  }
0x8d: {  	s2 =	sadd.s32 s2, s18  }
0x8e: {  	[smem:$0x3FBD] =	sst s2  }
0x8f: {  	_ = 	snop  }
0x90: {  	s2 =	sld [smem:$0x3FC8]  }
0x91: {  	s19 =	sld [smem:$0x3FC7]  }
0x92: {  	s4 =	sld [smem:$0x3FD0];
	(tm) =	ssettm $0x1  }
0x93: {  	s5 =	sld [smem:$0x3FFB];
	_ =	sdelay $0x3  }
0x94: {  	_ =	strace s5  }
0x95: {  	s5 =	sld [smem:$0x3FFC];
	_ =	sdelay $0x3  }
0x96: {  	_ =	strace s5  }
0x97: {  	s5 =	sld [smem:$0x3FFD];
	_ =	sdelay $0x3  }
0x98: {  	_ =	strace s5  }
0x99: {  	_ =	strace $0x8FFFFFFF  }
0x9a: {  	s20 =	sld [smem:$0x3FDB];
	_ =	sdelay $0x1  }
0x9b: {  	s6 =	simm.s32 $_scs_section_size  }
0x9c: {  	s7 =	simm.s32 $_size__tile_overlayer_lowered;
	s8 =	simm.s32 $_tile_overlayer_lowered  }
0x9d: {  	s23 =	simm.s32 $0x1BFF;
	s22 =	sshll.u32 s8, $0x1;
	s5 =	sadd.s32 s6, s20  }
0x9e: {  	s9 =	simm.s32 $0x0;
	s21 =	sshll.u32 s7, $0x1;
	s7 =	sadd.s32 s22, s5  }
0x9f: {  	[timem:s9], [sflag:s23] =	dma.local [hbm:s7], s21  }
0xa0: {  	_ =	swait.ge [sflag:s23], s21  }
0xa1: {  	s6 =	ssub.s32 $0x0, s21;
	[sflag:s23] =	ssyncset.done $0x0  }
0xa2: {  	[sflag:s23] =	ssyncadd.s32 s6;
	_ =	sdelay $0x1  }
0xa3: {  	s24 =	simm.s32 $0x1B8B  }
0xa4: {  	_ =	swait.ge [sflag:s24], $0x1  }
0xa5: {  	[sflag:s24] =	ssyncset.done $0x0  }
0xa6: {  	s25 =	simm.s32 $0x1B8E;
	[sflag:s24] =	ssyncadd.s32 $0xFFFFFFFF  }
0xa7: {  	s26 =	simm.s32 $execute0_lowered;
	[smem:$0x3FD2] =	sst s25  }
0xa8: {  	s6 =	sshll.u32 s26, $0x1;
	_ =	strace $0x80000046;
	[dreg:$0x1] =	wrdreg $0xFFFFFFFF  }
0xa9: {  	s28 =	simm.s32 $_size_execute0_lowered;
	s5 =	sadd.s32 s5, s6;
	[dreg:$0x0] =	wrdreg $0x0  }
0xaa: {  	s6 =	sshll.u32 s28, $0x1;
	[dreg:$0x2] =	wrdreg s5  }
0xab: {  	[dreg:$0x3] =	wrdreg s6  }
0xac: {  	[dreg:$0x4] =	wrdreg $0xC0  }
0xad: {  	_ =	task [dreg:s9], $0x5FFFF  }
0xae: {  	[dreg:$0x1] =	wrdreg $0xFFFFFFFF  }
0xaf: {  	[dreg:$0x0] =	wrdreg $0x60  }
0xb0: {  	[dreg:$0x2] =	wrdreg s2  }
0xb1: {  	[dreg:$0x3] =	wrdreg s19  }
0xb2: {  	[dreg:$0x4] =	wrdreg s4  }
0xb3: {  	[dreg:$0x5] =	wrdreg $0x9  }
0xb4: {  	_ =	task.clear_ibuf [dreg:s9], $0x6FFFF;
	_ =	strace $0x90000046  }
0xb5: {  	s29 =	simm.s32 $0x9;
	_ =	strace $0x80000048  }
0xb6: {  	_ =	swait.ge [sflag:s29], $0x1  }
0xb7: {  	[sflag:s29] =	ssyncadd.s32 $0xFFFFFFFF  }
0xb8: {  	_ =	strace $0x90000048  }
0xb9: {  	_ =	sfence  }
0xba: {  	s30 =	sld [smem:$0x0];
	_ =	sdelay $0x2  }
0xbb: {  	s31 =	sshll.u32 s1, $0xD;
	s1 =	sshrl.u32 s1, $0x2  }
0xbc: {  	s3 =	sand.u32 $0x4000, s31;
	s1 =	sadd.s32 s1, s30  }
0xbd: {  	s0 =	sor.u32 s3, s0;
	s1 =	sshll.u32 s1, $0x11  }
0xbe: {  	s0 =	sor.u32 s1, s0  }
0xbf: {  	s0 =	sadd.s32 $0x8F2B, s0  }
0xc0: {  	[sflag:s0] =	ssyncadd.remote.s32 $0x1  }
0xc1: {  	_ =	sfence.sel $0xFFFF  }
0xc2: {  	[dreg:$0x0] =	wrdreg $0xFFFFFFFF;
	(pc) =	sbr.abs _section_cstart, $3  }
0xc3: {  	[dreg:$0x1] =	wrdreg $0xFFFFFFFF  }
0xc4: {  	_ =	task.clear_ibuf [dreg:s9], $0x2FFFF;
	_ =	strace $0x9FFFFFFF  }
0xc5: {  	(tm) =	ssettm $0x7FFFFFFF  }
tec
execute0_lowered:
.L_overlay_start_1:
0x0: {  	(tag) =	ssettag $0x1  }
0x1: {  	s16 =	rddreg [dreg:$0x0]  }
0x2: {  	s1 =	rddreg [dreg:$0x1]  }
0x3: {  	s15 =	rddreg [dreg:$0x2];
	s22 =	stileid.u32  }
0x4: {  	s2 =	simm.s32 $0x0;
	s0 =	srdreg.scid;
	s28 =	simm.s32 $0x2  }
0x5: {  	s29 =	simm.s32 $0x3;
	s30 =	simm.s32 $0x0;
	s3 =	sshrl.u32 s22, $0x3  }
0x6: {  	[smem:$0x7FF] =	sst s2;
	s6 =	sshll.u32 s22, $0x7;
	s22 =	smul.u32 $0x2800, s22  }
0x7: {  	s0 =	sand.u32 $0x1, s0;
	s13 =	sadd.s32 $0x10, s16;
	s14 =	smul.u32 $0x271000, s3  }
0x8: {  	s16 =	sadd.s32 $0x13810, s16;
	_ =	strace $0x80000047;
	s4 =	smul.u32 $0x138000, s0  }
0x9: {  	s8 =	ssub.s32 $0x2, s0;
	s11 =	smul.u32 $0x4E0, s0;
	s17 =	sand.u32 $0x380, s6  }
0xa: {  	s10 =	smul.u32 $0x9C00, s0;
	[dreg:$0x4] =	wrdreg s16;
	s5 =	sshrl.u32 s8, $0x1  }
0xb: {  	p0 =	seq.s32 s0, $0x0;
	s18 =	ssub.s32 s8, s5;
	s9 =	sadd.s32 s4, s14  }
0xc: {  	s12 =	sadd.s32 $0xD0, s11;
	s21 =	sadd.s32 $0x1A0, s11;
	s3 =	sor.u32 s17, s9  }
0xd: {  	s7 =	sshll.u32 s12, $0xA;
	s5 =	sshll.u32 s12, $0x5;
	s8 =	sshll.u32 s21, $0xA  }
0xe: {  	s9 =	sadd.s32 $0x270, s11;
	s12 =	sadd.s32 $0x340, s11;
	s18 =	smax.u32 s18, $0x1  }
0xf: {  	s19 =	sshrl.u32 s3, $0x3;
	s3 =	sadd.s32 s10, s13;
	s20 =	sadd.s32 s14, s7  }
0x10: {  	s5 =	sadd.s32 s5, s13;
	s8 =	sadd.s32 s14, s8;
	s7 =	sshll.u32 s21, $0x5  }
0x11: {  	s10 =	sshll.u32 s9, $0xA;
	s9 =	sshll.u32 s9, $0x5;
	s21 =	smul.u32 $0x28000, s0  }
0x12: {  	s4 =	sadd.s32 s1, s19;
	s6 =	sor.u32 s17, s20;
	s8 =	sor.u32 s17, s8  }
0x13: {  	s7 =	sadd.s32 s7, s13;
	s10 =	sadd.s32 s14, s10;
	s19 =	sshll.u32 s12, $0xA  }
0x14: {  	s9 =	sadd.s32 s9, s13;
	s12 =	sshll.u32 s12, $0x5;
	s20 =	sadd.s32 $0x410, s11  }
0x15: {  	s6 =	sshrl.u32 s6, $0x3;
	s8 =	sshrl.u32 s8, $0x3;
	s10 =	sor.u32 s17, s10  }
0x16: {  	s19 =	sadd.s32 s14, s19;
	s11 =	sadd.s32 s12, s13;
	s24 =	sshll.u32 s20, $0xA  }
0x17: {  	s20 =	sshll.u32 s20, $0x5;
	s25 =	sadd.s32 s22, s21;
	s21 =	simm.s32 $0x400  }
0x18: {  	s22 =	simm.s32 $0xD000;
	s6 =	sadd.s32 s1, s6;
	s8 =	sadd.s32 s1, s8  }
0x19: {  	s10 =	sshrl.u32 s10, $0x3;
	s19 =	sor.u32 s17, s19;
	s13 =	sadd.s32 s20, s13  }
0x1a: {  	s31 =	sshrl.u32 s25, $0x3;
	s20 =	simm.s32 $0x100;
	s25 =	simm.s32 $0x1  }
0x1b: {  	s10 =	sadd.s32 s1, s10;
	s23 =	sshrl.u32 s19, $0x3;
	s19 =	sadd.s32 s14, s24  }
.Ltmp0:
0x1c: {  	s19 =	sor.u32 s17, s19;
	s17 =	sor.u32 s17, s14;
	(pc) =	sbr.rel .LBB2_1-.Ltmp0, $4  }
0x1d: {  	s24 =	simm.s32 $0x13800;
	s12 =	sadd.s32 s1, s23;
	s17 =	sadd.s32 $0x270000, s17  }
0x1e: {  	s23 =	simm.s32 $0x6800;
	s19 =	sshrl.u32 s19, $0x3;
	s26 =	sshrl.u32 s17, $0x3  }
0x1f: {  	s14 =	sadd.s32 s1, s19;
	s17 =	sadd.s32 s15, s31;
	s1 =	sadd.s32 s1, s26  }
0x20: {  	v0 =	vimm.f32 $0.0e+00;
	s19 =	simm.s32 $0x80;
	s26 =	simm.s32 $0x1A000;
	[dreg:$0x5] =	wrdreg s1  }
.LBB2_18:
0x21: {  	_ =	sdelay $0x3  }
0x22: {  	[tilespmem:v2+s26+$0x0] =	vst.idx.add.f32.msk $0xffff, v3  }
0x23: {  	v2 =	vld [tilespmem:s1+$0x30];
	_ =	sdelay $0x2  }
0x24: {  	v3 =	vld [tilespmem:s1+$0xD030];
	_ =	sdelay $0x4  }
0x25: {  	[tilespmem:v2+s26+$0x0] =	vst.idx.add.f32.msk $0xffff, v3  }
0x26: {  	v2 =	vld [tilespmem:s1+$0x40];
	_ =	sdelay $0x2  }
0x27: {  	v3 =	vld [tilespmem:s1+$0xD040];
	_ =	sdelay $0x4  }
0x28: {  	[tilespmem:v2+s26+$0x0] =	vst.idx.add.f32.msk $0xffff, v3  }
0x29: {  	v2 =	vld [tilespmem:s1+$0x50]  }
0x2a: {  	v3 =	vld [tilespmem:s0+$0xD050];
	_ =	sdelay $0x1  }
0x2b: {  	v4 =	vld [tilespmem:s1+$0xD050];
	_ =	sdelay $0x2  }
0x2c: {  	[tilespmem:v1+s26+$0x0] =	vst.idx.add.f32.msk $0xffff, v3  }
0x2d: {  	v1 =	vld [tilespmem:s0+$0x60]  }
0x2e: {  	[tilespmem:v2+s26+$0x0] =	vst.idx.add.f32.msk $0xffff, v4  }
0x2f: {  	v2 =	vld [tilespmem:s1+$0x60]  }
0x30: {  	v3 =	vld [tilespmem:s0+$0xD060];
	_ =	sdelay $0x1  }
0x31: {  	v4 =	vld [tilespmem:s1+$0xD060];
	_ =	sdelay $0x2  }
0x32: {  	[tilespmem:v1+s26+$0x0] =	vst.idx.add.f32.msk $0xffff, v3  }
0x33: {  	v1 =	vld [tilespmem:s0+$0x70]  }
0x34: {  	[tilespmem:v2+s26+$0x0] =	vst.idx.add.f32.msk $0xffff, v4  }
0x35: {  	v2 =	vld [tilespmem:s1+$0x70];
	_ =	sdelay $0x1  }
0x36: {  	v3 =	vld [tilespmem:s0+$0xD070]  }
0x37: {  	v4 =	vld [tilespmem:s1+$0xD070];
	_ =	sdelay $0x3  }
0x38: {  	[tilespmem:v1+s26+$0x0] =	vst.idx.add.f32.msk $0xffff, v3  }
0x39: {  	[tilespmem:v2+s26+$0x0] =	vst.idx.add.f32.msk $0xffff, v4  }
.LBB2_19:
0x3a: {  	s30 =	sadd.s32 $0x1, s30  }
0x3b: {  	p1 =	sne.s32 s30, s18  }
.Ltmp1:
0x3c: {  	_ = 	snop;
	(pc) =	sbr.rel @!p1 .LBB2_20-.Ltmp1, $4  }
0x3d: {  	[hbm4b:s17+s2] =	stream.linear.scatter [tilespmem:s26], [sflag:$0x3], $0x2800, $0x38;
	[tilespmem:$0x1C800] =	vst v63  }
0x3e: {  	_ =	swait.ge [sflag:s29], $0x2800  }
0x3f: {  	[sflag:s29] =	ssyncset.done $0x0  }
0x40: {  	[sflag:s29] =	ssyncadd.s32 $0xFFFFD800  }
.LBB2_1:
0x41: {  	[tilespmem:s2], [sflag:$0x1] =	stream.strided.gather [hbm4b:s3+s19], $0x6800, s20, s19, $0x38;
	[tilespmem:$0x1C800] =	vst v63  }
0x42: {  	s0 =	simm.s32 $0x1A040  }
0x43: {  	[tilespmem:s22], [sflag:$0x1] =	stream.strided.gather [hbm4b:s4+s19], $0x6800, s21, s19, $0x38;
	[tilespmem:$0x1C800] =	vst v63  }
0x44: {  	[tilespmem:s0+$0xFFFFFFC0] =	vst v0  }
0x45: {  	[tilespmem:s0+$0x30] =	vst v0  }
0x46: {  	[tilespmem:s0+$0x20] =	vst v0  }
0x47: {  	[tilespmem:s0+$0x10] =	vst v0  }
0x48: {  	[tilespmem:s0+$0x0] =	vst v0  }
0x49: {  	[tilespmem:s0+$0xFFFFFFF0] =	vst v0  }
0x4a: {  	s1 =	simm.s32 $0x0;
	[tilespmem:s0+$0xFFFFFFE0] =	vst v0  }
.LBB2_2:
0x4b: {  	s1 =	sadd.s32 $0x8, s1;
	[tilespmem:s0+$0xFFFFFFD0] =	vst v0;
	s0 =	sadd.s32 $0x80, s0  }
0x4c: {  	[tilespmem:s0+$0xFFFFFFC0] =	vst v0;
	p1 =	slt.u32 s1, $0x278  }
0x4d: {  	[tilespmem:s0+$0x30] =	vst v0  }
.Ltmp2:
0x4e: {  	[tilespmem:s0+$0x20] =	vst v0;
	(pc) =	sbr.rel @p1 .LBB2_2-.Ltmp2, $4  }
0x4f: {  	[tilespmem:s0+$0x10] =	vst v0  }
0x50: {  	[tilespmem:s0+$0x0] =	vst v0  }
0x51: {  	[tilespmem:s0+$0xFFFFFFF0] =	vst v0  }
0x52: {  	[tilespmem:s0+$0xFFFFFFE0] =	vst v0  }
0x53: {  	[tilespmem:s0+$0xFFFFFFD0] =	vst v0;
	s31 =	simm.s32 $0x100  }
0x54: {  	[tilespmem:s23], [sflag:$0x2] =	stream.strided.gather [hbm4b:s5+s19], $0x6800, s31, s19, $0x38;
	[tilespmem:$0x1C800] =	vst v63  }
0x55: {  	_ = 	snop  }
0x56: {  	[tilespmem:s24], [sflag:$0x2] =	stream.strided.gather [hbm4b:s6+s19], $0x6800, s21, s19, $0x38;
	[tilespmem:$0x1C800] =	vst v63  }
0x57: {  	_ =	swait.ge [sflag:s25], $0x6800  }
0x58: {  	[sflag:s25] =	ssyncset.done $0x0  }
0x59: {  	[sflag:s25] =	ssyncadd.s32 $0xFFFF9800  }
0x5a: {  	_ =	swait.ge [sflag:s25], $0x6800  }
0x5b: {  	[sflag:s25] =	ssyncset.done $0x0  }
0x5c: {  	[sflag:s25] =	ssyncadd.s32 $0xFFFF9800  }
0x5d: {  	v1 =	vld [tilespmem:s31+$0x80]  }
0x5e: {  	s0 =	simm.s32 $0xD100  }
0x5f: {  	v2 =	vld [tilespmem:s0+$0x80]  }
0x60: {  	v3 =	vld [tilespmem:s31+$0xFFFFFF80]  }
0x61: {  	v4 =	vld [tilespmem:s31+$0x0]  }
0x62: {  	v5 =	vld [tilespmem:s31+$0xFFFFFF00]  }
0x63: {  	v6 =	vld [tilespmem:s0+$0xFFFFFF80]  }
0x64: {  	v7 =	vld [tilespmem:s0+$0x0]  }
0x65: {  	[tilespmem:v1+s26+$0x0] =	vst.idx.add.f32.msk $0xffff, v2  }
0x66: {  	v2 =	vld [tilespmem:s0+$0xFFFFFF00]  }
0x67: {  	v1 =	vld [tilespmem:s31+$0x90]  }
0x68: {  	[tilespmem:v3+s26+$0x0] =	vst.idx.add.f32.msk $0xffff, v6  }
0x69: {  	[tilespmem:v4+s26+$0x0] =	vst.idx.add.f32.msk $0xffff, v7  }
0x6a: {  	v8 =	vld [tilespmem:s0+$0x90]  }
0x6b: {  	v3 =	vld [tilespmem:s31+$0xFFFFFF90]  }
0x6c: {  	v48 =	vld [tilespmem:s0+$0xFFFFFF90]  }
0x6d: {  	[tilespmem:v5+s26+$0x0] =	vst.idx.add.f32.msk $0xffff, v2  }
0x6e: {  	v2 =	vld [tilespmem:s31+$0xFFFFFF10]  }
0x6f: {  	[tilespmem:v1+s26+$0x0] =	vst.idx.add.f32.msk $0xffff, v8  }
0x70: {  	v1 =	vld [tilespmem:s31+$0xA0]  }
0x71: {  	v47 =	vld [tilespmem:s0+$0xFFFFFF10]  }
0x72: {  	v46 =	vld [tilespmem:s31+$0x10]  }
0x73: {  	v45 =	vld [tilespmem:s0+$0xA0]  }
0x74: {  	v49 =	vld [tilespmem:s0+$0x10]  }
0x75: {  	[tilespmem:v3+s26+$0x0] =	vst.idx.add.f32.msk $0xffff, v48  }
0x76: {  	[tilespmem:v2+s26+$0x0] =	vst.idx.add.f32.msk $0xffff, v47  }
0x77: {  	v3 =	vld [tilespmem:s31+$0xFFFFFF20]  }
0x78: {  	[tilespmem:v1+s26+$0x0] =	vst.idx.add.f32.msk $0xffff, v45  }
0x79: {  	v1 =	vld [tilespmem:s31+$0xB0]  }
0x7a: {  	v51 =	vld [tilespmem:s0+$0xFFFFFF20]  }
0x7b: {  	[tilespmem:v46+s26+$0x0] =	vst.idx.add.f32.msk $0xffff, v49  }
0x7c: {  	v2 =	vld [tilespmem:s0+$0xB0]  }
0x7d: {  	v50 =	vld [tilespmem:s31+$0xFFFFFFA0]  }
0x7e: {  	v52 =	vld [tilespmem:s0+$0xFFFFFFA0]  }
0x7f: {  	[tilespmem:v3+s26+$0x0] =	vst.idx.add.f32.msk $0xffff, v51  }
0x80: {  	v3 =	vld [tilespmem:s31+$0xFFFFFF30]  }
0x81: {  	[tilespmem:v1+s26+$0x0] =	vst.idx.add.f32.msk $0xffff, v2  }
0x82: {  	v2 =	vld [tilespmem:s31+$0x20]  }
0x83: {  	v8 =	vld [tilespmem:s0+$0x20]  }
0x84: {  	v56 =	vld [tilespmem:s0+$0xFFFFFF30]  }
0x85: {  	v1 =	vld [tilespmem:s31+$0xC0]  }
0x86: {  	[tilespmem:v50+s26+$0x0] =	vst.idx.add.f32.msk $0xffff, v52  }
0x87: {  	v57 =	vld [tilespmem:s0+$0xFFFFFFB0]  }
0x88: {  	v53 =	vld [tilespmem:s0+$0xC0]  }
0x89: {  	[tilespmem:v3+s26+$0x0] =	vst.idx.add.f32.msk $0xffff, v56  }
0x8a: {  	[tilespmem:v2+s26+$0x0] =	vst.idx.add.f32.msk $0xffff, v8  }
0x8b: {  	v2 =	vld [tilespmem:s31+$0xFFFFFFB0]  }
0x8c: {  	v55 =	vld [tilespmem:s31+$0x30]  }
0x8d: {  	[tilespmem:v1+s26+$0x0] =	vst.idx.add.f32.msk $0xffff, v53  }
0x8e: {  	v1 =	vld [tilespmem:s31+$0xD0]  }
0x8f: {  	v8 =	vld [tilespmem:s0+$0x30]  }
0x90: {  	v3 =	vld [tilespmem:s31+$0xFFFFFF40]  }
0x91: {  	v54 =	vld [tilespmem:s0+$0xD0]  }
0x92: {  	v6 =	vld [tilespmem:s0+$0xFFFFFF40]  }
0x93: {  	[tilespmem:v2+s26+$0x0] =	vst.idx.add.f32.msk $0xffff, v57  }
0x94: {  	[tilespmem:v55+s26+$0x0] =	vst.idx.add.f32.msk $0xffff, v8  }
0x95: {  	v58 =	vld [tilespmem:s31+$0xFFFFFFC0]  }
0x96: {  	[tilespmem:v1+s26+$0x0] =	vst.idx.add.f32.msk $0xffff, v54  }
0x97: {  	v5 =	vld [tilespmem:s31+$0x40]  }
0x98: {  	v1 =	vld [tilespmem:s31+$0xE0]  }
0x99: {  	v7 =	vld [tilespmem:s0+$0xFFFFFFC0]  }
0x9a: {  	v8 =	vld [tilespmem:s0+$0x40]  }
0x9b: {  	v2 =	vld [tilespmem:s0+$0xE0];
	_ =	sdelay $0x1  }
0x9c: {  	[tilespmem:v3+s26+$0x0] =	vst.idx.add.f32.msk $0xffff, v6  }
0x9d: {  	[tilespmem:v58+s26+$0x0] =	vst.idx.add.f32.msk $0xffff, v7  }
0x9e: {  	[tilespmem:v5+s26+$0x0] =	vst.idx.add.f32.msk $0xffff, v8  }
0x9f: {  	[tilespmem:v1+s26+$0x0] =	vst.idx.add.f32.msk $0xffff, v2  }
0xa0: {  	v1 =	vld [tilespmem:s31+$0xFFFFFF50]  }
0xa1: {  	v2 =	vld [tilespmem:s31+$0xFFFFFFD0]  }
0xa2: {  	v3 =	vld [tilespmem:s31+$0x50]  }
0xa3: {  	v59 =	vld [tilespmem:s0+$0xFFFFFF50]  }
0xa4: {  	v60 =	vld [tilespmem:s0+$0xFFFFFFD0]  }
0xa5: {  	v61 =	vld [tilespmem:s0+$0x50]  }
0xa6: {  	v62 =	vld [tilespmem:s31+$0xF0]  }
0xa7: {  	v63 =	vld [tilespmem:s0+$0xF0]  }
0xa8: {  	[tilespmem:v1+s26+$0x0] =	vst.idx.add.f32.msk $0xffff, v59  }
0xa9: {  	[tilespmem:v2+s26+$0x0] =	vst.idx.add.f32.msk $0xffff, v60  }
0xaa: {  	[tilespmem:v3+s26+$0x0] =	vst.idx.add.f32.msk $0xffff, v61  }
0xab: {  	v1 =	vld [tilespmem:s31+$0xFFFFFF60]  }
0xac: {  	v2 =	vld [tilespmem:s31+$0xFFFFFFE0]  }
0xad: {  	v3 =	vld [tilespmem:s31+$0x60]  }
0xae: {  	v4 =	vld [tilespmem:s0+$0xFFFFFF60]  }
0xaf: {  	v5 =	vld [tilespmem:s0+$0xFFFFFFE0]  }
0xb0: {  	v6 =	vld [tilespmem:s0+$0x60];
	_ =	sdelay $0x1  }
0xb1: {  	[tilespmem:v62+s26+$0x0] =	vst.idx.add.f32.msk $0xffff, v63  }
0xb2: {  	[tilespmem:v1+s26+$0x0] =	vst.idx.add.f32.msk $0xffff, v4  }
0xb3: {  	[tilespmem:v2+s26+$0x0] =	vst.idx.add.f32.msk $0xffff, v5  }
0xb4: {  	[tilespmem:v3+s26+$0x0] =	vst.idx.add.f32.msk $0xffff, v6  }
0xb5: {  	s15 =	simm.s32 $0x0;
	s16 =	simm.s32 $0x300;
	s1 =	simm.s32 $0xD100;
	v1 =	vld [tilespmem:s31+$0xFFFFFF70]  }
.LBB2_4:
0xb6: {  	v2 =	vld [tilespmem:s16+$0x80];
	s15 =	sadd.s32 $0x4, s15  }
0xb7: {  	v3 =	vld [tilespmem:s16+$0xFFFFFF80];
	p1 =	slt.u32 s15, $0xCC  }
0xb8: {  	s0 =	sadd.s32 $0x200, s0;
	v4 =	vld [tilespmem:s16+$0x0]  }
0xb9: {  	v5 =	vld [tilespmem:s0+$0x80]  }
0xba: {  	v6 =	vld [tilespmem:s16+$0xFFFFFF00]  }
0xbb: {  	v7 =	vld [tilespmem:s0+$0xFFFFFF00]  }
0xbc: {  	v8 =	vld [tilespmem:s0+$0xFFFFFF80]  }
0xbd: {  	v9 =	vld [tilespmem:s0+$0x0]  }
0xbe: {  	[tilespmem:v2+s26+$0x0] =	vst.idx.add.f32.msk $0xffff, v5  }
0xbf: {  	v5 =	vld [tilespmem:s16+$0x90]  }
0xc0: {  	v2 =	vld [tilespmem:s31+$0xFFFFFFF0]  }
0xc1: {  	[tilespmem:v3+s26+$0x0] =	vst.idx.add.f32.msk $0xffff, v8  }
0xc2: {  	v3 =	vld [tilespmem:s0+$0x90]  }
0xc3: {  	[tilespmem:v6+s26+$0x0] =	vst.idx.add.f32.msk $0xffff, v7  }
0xc4: {  	[tilespmem:v4+s26+$0x0] =	vst.idx.add.f32.msk $0xffff, v9  }
0xc5: {  	v4 =	vld [tilespmem:s16+$0xFFFFFF10]  }
0xc6: {  	v6 =	vld [tilespmem:s16+$0xFFFFFF90]  }
0xc7: {  	[tilespmem:v5+s26+$0x0] =	vst.idx.add.f32.msk $0xffff, v3  }
0xc8: {  	v5 =	vld [tilespmem:s16+$0xA0]  }
0xc9: {  	v7 =	vld [tilespmem:s16+$0x10]  }
0xca: {  	v8 =	vld [tilespmem:s0+$0xFFFFFF10]  }
0xcb: {  	v9 =	vld [tilespmem:s0+$0xA0]  }
0xcc: {  	v10 =	vld [tilespmem:s0+$0xFFFFFF90]  }
0xcd: {  	v11 =	vld [tilespmem:s0+$0x10]  }
0xce: {  	v3 =	vld [tilespmem:s31+$0x70];
	s31 =	smov.u32 s16  }
0xcf: {  	[tilespmem:v4+s26+$0x0] =	vst.idx.add.f32.msk $0xffff, v8  }
0xd0: {  	[tilespmem:v5+s26+$0x0] =	vst.idx.add.f32.msk $0xffff, v9  }
0xd1: {  	v4 =	vld [tilespmem:s16+$0xB0]  }
0xd2: {  	[tilespmem:v6+s26+$0x0] =	vst.idx.add.f32.msk $0xffff, v10  }
0xd3: {  	[tilespmem:v7+s26+$0x0] =	vst.idx.add.f32.msk $0xffff, v11  }
0xd4: {  	v5 =	vld [tilespmem:s0+$0xB0]  }
0xd5: {  	v6 =	vld [tilespmem:s16+$0xFFFFFF20]  }
0xd6: {  	v7 =	vld [tilespmem:s16+$0xFFFFFFA0]  }
0xd7: {  	v8 =	vld [tilespmem:s16+$0x20]  }
0xd8: {  	v9 =	vld [tilespmem:s0+$0xFFFFFF20]  }
0xd9: {  	[tilespmem:v4+s26+$0x0] =	vst.idx.add.f32.msk $0xffff, v5  }
0xda: {  	v4 =	vld [tilespmem:s16+$0xC0]  }
0xdb: {  	v5 =	vld [tilespmem:s0+$0xFFFFFFA0]  }
0xdc: {  	v10 =	vld [tilespmem:s0+$0x20]  }
0xdd: {  	v11 =	vld [tilespmem:s0+$0xC0]  }
0xde: {  	[tilespmem:v6+s26+$0x0] =	vst.idx.add.f32.msk $0xffff, v9  }
0xdf: {  	v6 =	vld [tilespmem:s16+$0xFFFFFF30]  }
0xe0: {  	[tilespmem:v7+s26+$0x0] =	vst.idx.add.f32.msk $0xffff, v5  }
0xe1: {  	[tilespmem:v8+s26+$0x0] =	vst.idx.add.f32.msk $0xffff, v10  }
0xe2: {  	[tilespmem:v4+s26+$0x0] =	vst.idx.add.f32.msk $0xffff, v11  }
0xe3: {  	v4 =	vld [tilespmem:s16+$0xD0]  }
0xe4: {  	v5 =	vld [tilespmem:s16+$0xFFFFFFB0]  }
0xe5: {  	v7 =	vld [tilespmem:s16+$0x30]  }
0xe6: {  	v8 =	vld [tilespmem:s0+$0xD0]  }
0xe7: {  	v9 =	vld [tilespmem:s0+$0xFFFFFF30]  }
0xe8: {  	v10 =	vld [tilespmem:s0+$0xFFFFFFB0]  }
0xe9: {  	v11 =	vld [tilespmem:s0+$0x30]  }
0xea: {  	v12 =	vld [tilespmem:s1+$0xFFFFFF70]  }
0xeb: {  	[tilespmem:v4+s26+$0x0] =	vst.idx.add.f32.msk $0xffff, v8  }
0xec: {  	v4 =	vld [tilespmem:s16+$0xE0]  }
0xed: {  	[tilespmem:v6+s26+$0x0] =	vst.idx.add.f32.msk $0xffff, v9  }
0xee: {  	[tilespmem:v5+s26+$0x0] =	vst.idx.add.f32.msk $0xffff, v10  }
0xef: {  	v5 =	vld [tilespmem:s0+$0xE0]  }
0xf0: {  	[tilespmem:v7+s26+$0x0] =	vst.idx.add.f32.msk $0xffff, v11  }
0xf1: {  	v6 =	vld [tilespmem:s16+$0xFFFFFF40]  }
0xf2: {  	v7 =	vld [tilespmem:s16+$0xFFFFFFC0]  }
0xf3: {  	v8 =	vld [tilespmem:s16+$0x40]  }
0xf4: {  	[tilespmem:v4+s26+$0x0] =	vst.idx.add.f32.msk $0xffff, v5  }
0xf5: {  	v4 =	vld [tilespmem:s16+$0xF0]  }
0xf6: {  	v5 =	vld [tilespmem:s0+$0xFFFFFF40]  }
0xf7: {  	v9 =	vld [tilespmem:s0+$0xFFFFFFC0]  }
0xf8: {  	v10 =	vld [tilespmem:s0+$0xF0]  }
0xf9: {  	v11 =	vld [tilespmem:s0+$0x40]  }
0xfa: {  	v13 =	vld [tilespmem:s1+$0xFFFFFFF0]  }
0xfb: {  	[tilespmem:v6+s26+$0x0] =	vst.idx.add.f32.msk $0xffff, v5  }
0xfc: {  	[tilespmem:v7+s26+$0x0] =	vst.idx.add.f32.msk $0xffff, v9  }
0xfd: {  	[tilespmem:v4+s26+$0x0] =	vst.idx.add.f32.msk $0xffff, v10  }
0xfe: {  	[tilespmem:v8+s26+$0x0] =	vst.idx.add.f32.msk $0xffff, v11  }
0xff: {  	v4 =	vld [tilespmem:s16+$0xFFFFFF50]  }
0x100: {  	v5 =	vld [tilespmem:s16+$0xFFFFFFD0]  }
0x101: {  	v6 =	vld [tilespmem:s16+$0x50]  }
0x102: {  	v7 =	vld [tilespmem:s0+$0xFFFFFF50]  }
0x103: {  	v8 =	vld [tilespmem:s0+$0xFFFFFFD0]  }
0x104: {  	v9 =	vld [tilespmem:s0+$0x50]  }
0x105: {  	v10 =	vld [tilespmem:s1+$0x70];
	s1 =	smov.u32 s0  }
0x106: {  	[tilespmem:v1+s26+$0x0] =	vst.idx.add.f32.msk $0xffff, v12  }
0x107: {  	[tilespmem:v4+s26+$0x0] =	vst.idx.add.f32.msk $0xffff, v7  }
0x108: {  	[tilespmem:v5+s26+$0x0] =	vst.idx.add.f32.msk $0xffff, v8  }
0x109: {  	[tilespmem:v6+s26+$0x0] =	vst.idx.add.f32.msk $0xffff, v9  }
0x10a: {  	v1 =	vld [tilespmem:s16+$0xFFFFFF60]  }
0x10b: {  	v4 =	vld [tilespmem:s16+$0xFFFFFFE0]  }
0x10c: {  	v5 =	vld [tilespmem:s16+$0x60]  }
0x10d: {  	v6 =	vld [tilespmem:s0+$0xFFFFFF60]  }
0x10e: {  	v7 =	vld [tilespmem:s0+$0xFFFFFFE0]  }
0x10f: {  	v8 =	vld [tilespmem:s0+$0x60]  }
0x110: {  	[tilespmem:v2+s26+$0x0] =	vst.idx.add.f32.msk $0xffff, v13  }
.Ltmp3:
0x111: {  	[tilespmem:v3+s26+$0x0] =	vst.idx.add.f32.msk $0xffff, v10;
	(pc) =	sbr.rel @p1 .LBB2_4-.Ltmp3, $4  }
0x112: {  	[tilespmem:v1+s26+$0x0] =	vst.idx.add.f32.msk $0xffff, v6  }
0x113: {  	[tilespmem:v4+s26+$0x0] =	vst.idx.add.f32.msk $0xffff, v7  }
0x114: {  	[tilespmem:v5+s26+$0x0] =	vst.idx.add.f32.msk $0xffff, v8  }
0x115: {  	s16 =	sadd.s32 $0x200, s16;
	v1 =	vld [tilespmem:s31+$0xFFFFFF70]  }
0x116: {  	_ = 	snop  }
0x117: {  	v2 =	vld [tilespmem:s31+$0xFFFFFFF0]  }
0x118: {  	v3 =	vld [tilespmem:s31+$0x70]  }
0x119: {  	v4 =	vld [tilespmem:s1+$0xFFFFFF70]  }
0x11a: {  	v5 =	vld [tilespmem:s1+$0xFFFFFFF0]  }
0x11b: {  	v6 =	vld [tilespmem:s1+$0x70];
	_ =	sdelay $0x2  }
0x11c: {  	[tilespmem:v1+s26+$0x0] =	vst.idx.add.f32.msk $0xffff, v4  }
0x11d: {  	[tilespmem:v2+s26+$0x0] =	vst.idx.add.f32.msk $0xffff, v5  }
0x11e: {  	s0 =	simm.s32 $0x0;
	[tilespmem:v3+s26+$0x0] =	vst.idx.add.f32.msk $0xffff, v6  }
0x11f: {  	[tilespmem:s0], [sflag:$0x1] =	stream.strided.gather [hbm4b:s7+s19], $0x6800, s20, s19, $0x38;
	[tilespmem:$0x1C800] =	vst v63  }
0x120: {  	_ = 	snop  }
0x121: {  	[tilespmem:s22], [sflag:$0x1] =	stream.strided.gather [hbm4b:s8+s19], $0x6800, s21, s19, $0x38;
	[tilespmem:$0x1C800] =	vst v63  }
0x122: {  	_ =	swait.ge [sflag:s28], $0x6800  }
0x123: {  	[sflag:s28] =	ssyncset.done $0x0  }
0x124: {  	[sflag:s28] =	ssyncadd.s32 $0xFFFF9800  }
0x125: {  	_ =	swait.ge [sflag:s28], $0x6800  }
0x126: {  	[sflag:s28] =	ssyncset.done $0x0  }
0x127: {  	s31 =	simm.s32 $0x0;
	[sflag:s28] =	ssyncadd.s32 $0xFFFF9800  }
0x128: {  	v1 =	vld [tilespmem:s31+$0x6980]  }
0x129: {  	v2 =	vld [tilespmem:s31+$0x6800]  }
0x12a: {  	v3 =	vld [tilespmem:s31+$0x6880]  }
0x12b: {  	v4 =	vld [tilespmem:s31+$0x13980]  }
0x12c: {  	v5 =	vld [tilespmem:s31+$0x6900]  }
0x12d: {  	v54 =	vld [tilespmem:s31+$0x13800];
	_ =	sdelay $0x1  }
0x12e: {  	v7 =	vld [tilespmem:s31+$0x13880]  }
0x12f: {  	v8 =	vld [tilespmem:s31+$0x13900]  }
0x130: {  	[tilespmem:v1+s26+$0x0] =	vst.idx.add.f32.msk $0xffff, v4  }
0x131: {  	[tilespmem:v2+s26+$0x0] =	vst.idx.add.f32.msk $0xffff, v54  }
0x132: {  	v1 =	vld [tilespmem:s31+$0x6990]  }
0x133: {  	[tilespmem:v3+s26+$0x0] =	vst.idx.add.f32.msk $0xffff, v7  }
0x134: {  	[tilespmem:v5+s26+$0x0] =	vst.idx.add.f32.msk $0xffff, v8  }
0x135: {  	v2 =	vld [tilespmem:s31+$0x13990]  }
0x136: {  	v4 =	vld [tilespmem:s31+$0x6890]  }
0x137: {  	v5 =	vld [tilespmem:s31+$0x6910]  }
0x138: {  	v55 =	vld [tilespmem:s31+$0x13890]  }
0x139: {  	v8 =	vld [tilespmem:s31+$0x13910]  }
0x13a: {  	[tilespmem:v1+s26+$0x0] =	vst.idx.add.f32.msk $0xffff, v2  }
0x13b: {  	v1 =	vld [tilespmem:s31+$0x69A0]  }
0x13c: {  	v3 =	vld [tilespmem:s31+$0x6810]  }
0x13d: {  	v2 =	vld [tilespmem:s31+$0x13810]  }
0x13e: {  	v56 =	vld [tilespmem:s31+$0x139A0]  }
0x13f: {  	[tilespmem:v4+s26+$0x0] =	vst.idx.add.f32.msk $0xffff, v55  }
0x140: {  	[tilespmem:v5+s26+$0x0] =	vst.idx.add.f32.msk $0xffff, v8  }
0x141: {  	v4 =	vld [tilespmem:s31+$0x68A0]  }
0x142: {  	v58 =	vld [tilespmem:s31+$0x138A0]  }
0x143: {  	[tilespmem:v1+s26+$0x0] =	vst.idx.add.f32.msk $0xffff, v56  }
0x144: {  	v1 =	vld [tilespmem:s31+$0x69B0]  }
0x145: {  	[tilespmem:v3+s26+$0x0] =	vst.idx.add.f32.msk $0xffff, v2  }
0x146: {  	v2 =	vld [tilespmem:s31+$0x6820]  }
0x147: {  	v3 =	vld [tilespmem:s31+$0x139B0]  }
0x148: {  	v5 =	vld [tilespmem:s31+$0x6920]  }
0x149: {  	v57 =	vld [tilespmem:s31+$0x13820]  }
0x14a: {  	[tilespmem:v4+s26+$0x0] =	vst.idx.add.f32.msk $0xffff, v58  }
0x14b: {  	v7 =	vld [tilespmem:s31+$0x138B0]  }
0x14c: {  	[tilespmem:v1+s26+$0x0] =	vst.idx.add.f32.msk $0xffff, v3  }
0x14d: {  	v3 =	vld [tilespmem:s31+$0x13920]  }
0x14e: {  	v1 =	vld [tilespmem:s31+$0x69C0]  }
0x14f: {  	[tilespmem:v2+s26+$0x0] =	vst.idx.add.f32.msk $0xffff, v57  }
0x150: {  	v4 =	vld [tilespmem:s31+$0x6830]  }
0x151: {  	v2 =	vld [tilespmem:s31+$0x139C0]  }
0x152: {  	[tilespmem:v5+s26+$0x0] =	vst.idx.add.f32.msk $0xffff, v3  }
0x153: {  	v3 =	vld [tilespmem:s31+$0x68B0]  }
0x154: {  	v5 =	vld [tilespmem:s31+$0x13830]  }
0x155: {  	v8 =	vld [tilespmem:s31+$0x13930]  }
0x156: {  	[tilespmem:v1+s26+$0x0] =	vst.idx.add.f32.msk $0xffff, v2  }
0x157: {  	v2 =	vld [tilespmem:s31+$0x6930]  }
0x158: {  	v1 =	vld [tilespmem:s31+$0x69D0]  }
0x159: {  	v59 =	vld [tilespmem:s31+$0x139D0]  }
0x15a: {  	[tilespmem:v4+s26+$0x0] =	vst.idx.add.f32.msk $0xffff, v5  }
0x15b: {  	v60 =	vld [tilespmem:s31+$0x13840]  }
0x15c: {  	[tilespmem:v3+s26+$0x0] =	vst.idx.add.f32.msk $0xffff, v7  }
0x15d: {  	v3 =	vld [tilespmem:s31+$0x6840]  }
0x15e: {  	v4 =	vld [tilespmem:s31+$0x68C0]  }
0x15f: {  	[tilespmem:v2+s26+$0x0] =	vst.idx.add.f32.msk $0xffff, v8  }
0x160: {  	[tilespmem:v1+s26+$0x0] =	vst.idx.add.f32.msk $0xffff, v59  }
0x161: {  	v5 =	vld [tilespmem:s31+$0x6940]  }
0x162: {  	v1 =	vld [tilespmem:s31+$0x69E0]  }
0x163: {  	v7 =	vld [tilespmem:s31+$0x138C0]  }
0x164: {  	v8 =	vld [tilespmem:s31+$0x13940]  }
0x165: {  	v2 =	vld [tilespmem:s31+$0x139E0];
	_ =	sdelay $0x1  }
0x166: {  	[tilespmem:v3+s26+$0x0] =	vst.idx.add.f32.msk $0xffff, v60  }
0x167: {  	[tilespmem:v4+s26+$0x0] =	vst.idx.add.f32.msk $0xffff, v7  }
0x168: {  	[tilespmem:v5+s26+$0x0] =	vst.idx.add.f32.msk $0xffff, v8  }
0x169: {  	[tilespmem:v1+s26+$0x0] =	vst.idx.add.f32.msk $0xffff, v2  }
0x16a: {  	v1 =	vld [tilespmem:s31+$0x6850]  }
0x16b: {  	v2 =	vld [tilespmem:s31+$0x68D0]  }
0x16c: {  	v3 =	vld [tilespmem:s31+$0x6950]  }
0x16d: {  	v4 =	vld [tilespmem:s31+$0x13850]  }
0x16e: {  	v5 =	vld [tilespmem:s31+$0x138D0]  }
0x16f: {  	v61 =	vld [tilespmem:s31+$0x13950]  }
0x170: {  	v62 =	vld [tilespmem:s31+$0x69F0]  }
0x171: {  	v63 =	vld [tilespmem:s31+$0x139F0]  }
0x172: {  	[tilespmem:v1+s26+$0x0] =	vst.idx.add.f32.msk $0xffff, v4  }
0x173: {  	[tilespmem:v2+s26+$0x0] =	vst.idx.add.f32.msk $0xffff, v5  }
0x174: {  	[tilespmem:v3+s26+$0x0] =	vst.idx.add.f32.msk $0xffff, v61  }
0x175: {  	v1 =	vld [tilespmem:s31+$0x6860]  }
0x176: {  	v2 =	vld [tilespmem:s31+$0x68E0]  }
0x177: {  	v3 =	vld [tilespmem:s31+$0x6960]  }
0x178: {  	v4 =	vld [tilespmem:s31+$0x13860]  }
0x179: {  	v5 =	vld [tilespmem:s31+$0x138E0]  }
0x17a: {  	v6 =	vld [tilespmem:s31+$0x13960];
	_ =	sdelay $0x1  }
0x17b: {  	[tilespmem:v62+s26+$0x0] =	vst.idx.add.f32.msk $0xffff, v63  }
0x17c: {  	[tilespmem:v1+s26+$0x0] =	vst.idx.add.f32.msk $0xffff, v4  }
0x17d: {  	[tilespmem:v2+s26+$0x0] =	vst.idx.add.f32.msk $0xffff, v5  }
0x17e: {  	[tilespmem:v3+s26+$0x0] =	vst.idx.add.f32.msk $0xffff, v6  }
0x17f: {  	v3 =	vld [tilespmem:s31+$0x6870]  }
0x180: {  	s1 =	simm.s32 $0x800;
	s0 =	simm.s32 $0x0;
	v1 =	vld [tilespmem:s31+$0x68F0]  }
.LBB2_6:
0x181: {  	s15 =	sshra.s32 s1, $0x2;
	s0 =	sadd.s32 $0x4, s0;
	v2 =	vld [tilespmem:s31+$0x6970]  }
0x182: {  	v4 =	vld [tilespmem:s15+$0x6980];
	p1 =	slt.u32 s0, $0xCC  }
0x183: {  	v5 =	vld [tilespmem:s15+$0x6800]  }
0x184: {  	v6 =	vld [tilespmem:s15+$0x6880]  }
0x185: {  	v7 =	vld [tilespmem:s15+$0x13980]  }
0x186: {  	v8 =	vld [tilespmem:s15+$0x6900]  }
0x187: {  	v9 =	vld [tilespmem:s15+$0x13800]  }
0x188: {  	v10 =	vld [tilespmem:s15+$0x13880]  }
0x189: {  	v11 =	vld [tilespmem:s15+$0x13900]  }
0x18a: {  	[tilespmem:v4+s26+$0x0] =	vst.idx.add.f32.msk $0xffff, v7  }
0x18b: {  	v4 =	vld [tilespmem:s15+$0x6990]  }
0x18c: {  	[tilespmem:v5+s26+$0x0] =	vst.idx.add.f32.msk $0xffff, v9  }
0x18d: {  	[tilespmem:v6+s26+$0x0] =	vst.idx.add.f32.msk $0xffff, v10  }
0x18e: {  	v5 =	vld [tilespmem:s15+$0x13990]  }
0x18f: {  	[tilespmem:v8+s26+$0x0] =	vst.idx.add.f32.msk $0xffff, v11  }
0x190: {  	v6 =	vld [tilespmem:s15+$0x6810]  }
0x191: {  	v7 =	vld [tilespmem:s15+$0x6890]  }
0x192: {  	v8 =	vld [tilespmem:s15+$0x6910]  }
0x193: {  	[tilespmem:v4+s26+$0x0] =	vst.idx.add.f32.msk $0xffff, v5  }
0x194: {  	v4 =	vld [tilespmem:s15+$0x69A0]  }
0x195: {  	v5 =	vld [tilespmem:s15+$0x13810]  }
0x196: {  	v9 =	vld [tilespmem:s15+$0x13890]  }
0x197: {  	v10 =	vld [tilespmem:s15+$0x139A0]  }
0x198: {  	v11 =	vld [tilespmem:s15+$0x13910]  }
0x199: {  	v12 =	vld [tilespmem:s31+$0x13870]  }
0x19a: {  	[tilespmem:v6+s26+$0x0] =	vst.idx.add.f32.msk $0xffff, v5  }
0x19b: {  	[tilespmem:v7+s26+$0x0] =	vst.idx.add.f32.msk $0xffff, v9  }
0x19c: {  	[tilespmem:v4+s26+$0x0] =	vst.idx.add.f32.msk $0xffff, v10  }
0x19d: {  	v4 =	vld [tilespmem:s15+$0x69B0]  }
0x19e: {  	[tilespmem:v8+s26+$0x0] =	vst.idx.add.f32.msk $0xffff, v11  }
0x19f: {  	v5 =	vld [tilespmem:s15+$0x6820]  }
0x1a0: {  	v6 =	vld [tilespmem:s15+$0x139B0]  }
0x1a1: {  	v7 =	vld [tilespmem:s15+$0x68A0]  }
0x1a2: {  	v8 =	vld [tilespmem:s15+$0x6920]  }
0x1a3: {  	v9 =	vld [tilespmem:s15+$0x13820]  }
0x1a4: {  	v10 =	vld [tilespmem:s15+$0x138A0]  }
0x1a5: {  	[tilespmem:v4+s26+$0x0] =	vst.idx.add.f32.msk $0xffff, v6  }
0x1a6: {  	v4 =	vld [tilespmem:s15+$0x69C0]  }
0x1a7: {  	v6 =	vld [tilespmem:s15+$0x13920]  }
0x1a8: {  	[tilespmem:v5+s26+$0x0] =	vst.idx.add.f32.msk $0xffff, v9  }
0x1a9: {  	v5 =	vld [tilespmem:s15+$0x139C0]  }
0x1aa: {  	[tilespmem:v7+s26+$0x0] =	vst.idx.add.f32.msk $0xffff, v10  }
0x1ab: {  	v7 =	vld [tilespmem:s15+$0x6830]  }
0x1ac: {  	[tilespmem:v8+s26+$0x0] =	vst.idx.add.f32.msk $0xffff, v6  }
0x1ad: {  	v6 =	vld [tilespmem:s15+$0x68B0]  }
0x1ae: {  	[tilespmem:v4+s26+$0x0] =	vst.idx.add.f32.msk $0xffff, v5  }
0x1af: {  	v4 =	vld [tilespmem:s15+$0x69D0]  }
0x1b0: {  	v5 =	vld [tilespmem:s15+$0x6930]  }
0x1b1: {  	v8 =	vld [tilespmem:s15+$0x13830]  }
0x1b2: {  	v9 =	vld [tilespmem:s15+$0x139D0]  }
0x1b3: {  	v10 =	vld [tilespmem:s15+$0x138B0]  }
0x1b4: {  	v11 =	vld [tilespmem:s15+$0x13930]  }
0x1b5: {  	v13 =	vld [tilespmem:s31+$0x138F0]  }
0x1b6: {  	[tilespmem:v7+s26+$0x0] =	vst.idx.add.f32.msk $0xffff, v8  }
0x1b7: {  	[tilespmem:v4+s26+$0x0] =	vst.idx.add.f32.msk $0xffff, v9  }
0x1b8: {  	v4 =	vld [tilespmem:s15+$0x69E0]  }
0x1b9: {  	[tilespmem:v6+s26+$0x0] =	vst.idx.add.f32.msk $0xffff, v10  }
0x1ba: {  	[tilespmem:v5+s26+$0x0] =	vst.idx.add.f32.msk $0xffff, v11  }
0x1bb: {  	v5 =	vld [tilespmem:s15+$0x139E0]  }
0x1bc: {  	v6 =	vld [tilespmem:s15+$0x6840]  }
0x1bd: {  	v7 =	vld [tilespmem:s15+$0x68C0]  }
0x1be: {  	v8 =	vld [tilespmem:s15+$0x6940]  }
0x1bf: {  	v9 =	vld [tilespmem:s15+$0x13840]  }
0x1c0: {  	[tilespmem:v4+s26+$0x0] =	vst.idx.add.f32.msk $0xffff, v5  }
0x1c1: {  	v4 =	vld [tilespmem:s15+$0x69F0]  }
0x1c2: {  	v5 =	vld [tilespmem:s15+$0x138C0]  }
0x1c3: {  	v10 =	vld [tilespmem:s15+$0x13940]  }
0x1c4: {  	v11 =	vld [tilespmem:s15+$0x139F0]  }
0x1c5: {  	[tilespmem:v6+s26+$0x0] =	vst.idx.add.f32.msk $0xffff, v9  }
0x1c6: {  	v6 =	vld [tilespmem:s15+$0x6850]  }
0x1c7: {  	[tilespmem:v7+s26+$0x0] =	vst.idx.add.f32.msk $0xffff, v5  }
0x1c8: {  	[tilespmem:v8+s26+$0x0] =	vst.idx.add.f32.msk $0xffff, v10  }
0x1c9: {  	[tilespmem:v4+s26+$0x0] =	vst.idx.add.f32.msk $0xffff, v11  }
0x1ca: {  	v4 =	vld [tilespmem:s15+$0x68D0]  }
0x1cb: {  	v5 =	vld [tilespmem:s15+$0x6950]  }
0x1cc: {  	v7 =	vld [tilespmem:s15+$0x13850]  }
0x1cd: {  	v8 =	vld [tilespmem:s15+$0x138D0]  }
0x1ce: {  	v9 =	vld [tilespmem:s15+$0x13950]  }
0x1cf: {  	v10 =	vld [tilespmem:s31+$0x13970];
	s31 =	smov.u32 s15  }
0x1d0: {  	[tilespmem:v3+s26+$0x0] =	vst.idx.add.f32.msk $0xffff, v12  }
0x1d1: {  	[tilespmem:v6+s26+$0x0] =	vst.idx.add.f32.msk $0xffff, v7  }
0x1d2: {  	[tilespmem:v4+s26+$0x0] =	vst.idx.add.f32.msk $0xffff, v8  }
0x1d3: {  	[tilespmem:v5+s26+$0x0] =	vst.idx.add.f32.msk $0xffff, v9  }
0x1d4: {  	v3 =	vld [tilespmem:s31+$0x6860]  }
0x1d5: {  	v4 =	vld [tilespmem:s31+$0x68E0]  }
0x1d6: {  	v5 =	vld [tilespmem:s31+$0x6960]  }
0x1d7: {  	v6 =	vld [tilespmem:s31+$0x13860]  }
0x1d8: {  	v7 =	vld [tilespmem:s31+$0x138E0]  }
0x1d9: {  	v8 =	vld [tilespmem:s31+$0x13960]  }
0x1da: {  	[tilespmem:v1+s26+$0x0] =	vst.idx.add.f32.msk $0xffff, v13  }
0x1db: {  	[tilespmem:v2+s26+$0x0] =	vst.idx.add.f32.msk $0xffff, v10  }
.Ltmp4:
0x1dc: {  	[tilespmem:v3+s26+$0x0] =	vst.idx.add.f32.msk $0xffff, v6;
	(pc) =	sbr.rel @p1 .LBB2_6-.Ltmp4, $4  }
0x1dd: {  	[tilespmem:v4+s26+$0x0] =	vst.idx.add.f32.msk $0xffff, v7  }
0x1de: {  	[tilespmem:v5+s26+$0x0] =	vst.idx.add.f32.msk $0xffff, v8  }
0x1df: {  	v3 =	vld [tilespmem:s31+$0x6870]  }
0x1e0: {  	s1 =	sadd.s32 $0x800, s1;
	v1 =	vld [tilespmem:s31+$0x68F0]  }
0x1e1: {  	_ = 	snop  }
0x1e2: {  	v2 =	vld [tilespmem:s31+$0x6970]  }
0x1e3: {  	v4 =	vld [tilespmem:s31+$0x13870]  }
0x1e4: {  	v5 =	vld [tilespmem:s31+$0x138F0]  }
0x1e5: {  	v6 =	vld [tilespmem:s31+$0x13970];
	_ =	sdelay $0x2  }
0x1e6: {  	[tilespmem:v3+s26+$0x0] =	vst.idx.add.f32.msk $0xffff, v4  }
0x1e7: {  	[tilespmem:v1+s26+$0x0] =	vst.idx.add.f32.msk $0xffff, v5  }
0x1e8: {  	s31 =	simm.s32 $0x100;
	[tilespmem:v2+s26+$0x0] =	vst.idx.add.f32.msk $0xffff, v6  }
0x1e9: {  	[tilespmem:s23], [sflag:$0x2] =	stream.strided.gather [hbm4b:s9+s19], $0x6800, s31, s19, $0x38;
	[tilespmem:$0x1C800] =	vst v63  }
0x1ea: {  	_ = 	snop  }
0x1eb: {  	[tilespmem:s24], [sflag:$0x2] =	stream.strided.gather [hbm4b:s10+s19], $0x6800, s21, s19, $0x38;
	[tilespmem:$0x1C800] =	vst v63  }
0x1ec: {  	_ =	swait.ge [sflag:s25], $0x6800  }
0x1ed: {  	[sflag:s25] =	ssyncset.done $0x0  }
0x1ee: {  	[sflag:s25] =	ssyncadd.s32 $0xFFFF9800  }
0x1ef: {  	_ =	swait.ge [sflag:s25], $0x6800  }
0x1f0: {  	[sflag:s25] =	ssyncset.done $0x0  }
0x1f1: {  	[sflag:s25] =	ssyncadd.s32 $0xFFFF9800  }
0x1f2: {  	v1 =	vld [tilespmem:s31+$0x80]  }
0x1f3: {  	s0 =	simm.s32 $0xD100  }
0x1f4: {  	v2 =	vld [tilespmem:s0+$0x80]  }
0x1f5: {  	v3 =	vld [tilespmem:s31+$0xFFFFFF80]  }
0x1f6: {  	v42 =	vld [tilespmem:s31+$0x0]  }
0x1f7: {  	v43 =	vld [tilespmem:s31+$0xFFFFFF00]  }
0x1f8: {  	v44 =	vld [tilespmem:s0+$0xFFFFFF80]  }
0x1f9: {  	v7 =	vld [tilespmem:s0+$0x0]  }
0x1fa: {  	[tilespmem:v1+s26+$0x0] =	vst.idx.add.f32.msk $0xffff, v2  }
0x1fb: {  	v2 =	vld [tilespmem:s0+$0xFFFFFF00]  }
0x1fc: {  	v1 =	vld [tilespmem:s31+$0x90]  }
0x1fd: {  	[tilespmem:v3+s26+$0x0] =	vst.idx.add.f32.msk $0xffff, v44  }
0x1fe: {  	[tilespmem:v42+s26+$0x0] =	vst.idx.add.f32.msk $0xffff, v7  }
0x1ff: {  	v8 =	vld [tilespmem:s0+$0x90]  }
0x200: {  	v3 =	vld [tilespmem:s31+$0xFFFFFF90]  }
0x201: {  	v48 =	vld [tilespmem:s0+$0xFFFFFF90]  }
0x202: {  	[tilespmem:v43+s26+$0x0] =	vst.idx.add.f32.msk $0xffff, v2  }
0x203: {  	v2 =	vld [tilespmem:s31+$0xFFFFFF10]  }
0x204: {  	[tilespmem:v1+s26+$0x0] =	vst.idx.add.f32.msk $0xffff, v8  }
0x205: {  	v1 =	vld [tilespmem:s31+$0xA0]  }
0x206: {  	v47 =	vld [tilespmem:s0+$0xFFFFFF10]  }
0x207: {  	v46 =	vld [tilespmem:s31+$0x10]  }
0x208: {  	v45 =	vld [tilespmem:s0+$0xA0]  }
0x209: {  	v49 =	vld [tilespmem:s0+$0x10]  }
0x20a: {  	[tilespmem:v3+s26+$0x0] =	vst.idx.add.f32.msk $0xffff, v48  }
0x20b: {  	[tilespmem:v2+s26+$0x0] =	vst.idx.add.f32.msk $0xffff, v47  }
0x20c: {  	v3 =	vld [tilespmem:s31+$0xFFFFFF20]  }
0x20d: {  	[tilespmem:v1+s26+$0x0] =	vst.idx.add.f32.msk $0xffff, v45  }
0x20e: {  	v1 =	vld [tilespmem:s31+$0xB0]  }
0x20f: {  	v51 =	vld [tilespmem:s0+$0xFFFFFF20]  }
0x210: {  	[tilespmem:v46+s26+$0x0] =	vst.idx.add.f32.msk $0xffff, v49  }
0x211: {  	v2 =	vld [tilespmem:s0+$0xB0]  }
0x212: {  	v50 =	vld [tilespmem:s31+$0xFFFFFFA0]  }
0x213: {  	v52 =	vld [tilespmem:s0+$0xFFFFFFA0]  }
0x214: {  	[tilespmem:v3+s26+$0x0] =	vst.idx.add.f32.msk $0xffff, v51  }
0x215: {  	v3 =	vld [tilespmem:s31+$0xFFFFFF30]  }
0x216: {  	[tilespmem:v1+s26+$0x0] =	vst.idx.add.f32.msk $0xffff, v2  }
0x217: {  	v2 =	vld [tilespmem:s31+$0x20]  }
0x218: {  	v8 =	vld [tilespmem:s0+$0x20]  }
0x219: {  	v56 =	vld [tilespmem:s0+$0xFFFFFF30]  }
0x21a: {  	v1 =	vld [tilespmem:s31+$0xC0]  }
0x21b: {  	[tilespmem:v50+s26+$0x0] =	vst.idx.add.f32.msk $0xffff, v52  }
0x21c: {  	v57 =	vld [tilespmem:s0+$0xFFFFFFB0]  }
0x21d: {  	v53 =	vld [tilespmem:s0+$0xC0]  }
0x21e: {  	[tilespmem:v3+s26+$0x0] =	vst.idx.add.f32.msk $0xffff, v56  }
0x21f: {  	[tilespmem:v2+s26+$0x0] =	vst.idx.add.f32.msk $0xffff, v8  }
0x220: {  	v2 =	vld [tilespmem:s31+$0xFFFFFFB0]  }
0x221: {  	v55 =	vld [tilespmem:s31+$0x30]  }
0x222: {  	[tilespmem:v1+s26+$0x0] =	vst.idx.add.f32.msk $0xffff, v53  }
0x223: {  	v1 =	vld [tilespmem:s31+$0xD0]  }
0x224: {  	v8 =	vld [tilespmem:s0+$0x30]  }
0x225: {  	v3 =	vld [tilespmem:s31+$0xFFFFFF40]  }
0x226: {  	v54 =	vld [tilespmem:s0+$0xD0]  }
0x227: {  	v6 =	vld [tilespmem:s0+$0xFFFFFF40]  }
0x228: {  	[tilespmem:v2+s26+$0x0] =	vst.idx.add.f32.msk $0xffff, v57  }
0x229: {  	[tilespmem:v55+s26+$0x0] =	vst.idx.add.f32.msk $0xffff, v8  }
0x22a: {  	v58 =	vld [tilespmem:s31+$0xFFFFFFC0]  }
0x22b: {  	[tilespmem:v1+s26+$0x0] =	vst.idx.add.f32.msk $0xffff, v54  }
0x22c: {  	v5 =	vld [tilespmem:s31+$0x40]  }
0x22d: {  	v1 =	vld [tilespmem:s31+$0xE0]  }
0x22e: {  	v7 =	vld [tilespmem:s0+$0xFFFFFFC0]  }
0x22f: {  	v8 =	vld [tilespmem:s0+$0x40]  }
0x230: {  	v2 =	vld [tilespmem:s0+$0xE0];
	_ =	sdelay $0x1  }
0x231: {  	[tilespmem:v3+s26+$0x0] =	vst.idx.add.f32.msk $0xffff, v6  }
0x232: {  	[tilespmem:v58+s26+$0x0] =	vst.idx.add.f32.msk $0xffff, v7  }
0x233: {  	[tilespmem:v5+s26+$0x0] =	vst.idx.add.f32.msk $0xffff, v8  }
0x234: {  	[tilespmem:v1+s26+$0x0] =	vst.idx.add.f32.msk $0xffff, v2  }
0x235: {  	v1 =	vld [tilespmem:s31+$0xFFFFFF50]  }
0x236: {  	v2 =	vld [tilespmem:s31+$0xFFFFFFD0]  }
0x237: {  	v3 =	vld [tilespmem:s31+$0x50]  }
0x238: {  	v59 =	vld [tilespmem:s0+$0xFFFFFF50]  }
0x239: {  	v60 =	vld [tilespmem:s0+$0xFFFFFFD0]  }
0x23a: {  	v61 =	vld [tilespmem:s0+$0x50]  }
0x23b: {  	v62 =	vld [tilespmem:s31+$0xF0]  }
0x23c: {  	v63 =	vld [tilespmem:s0+$0xF0]  }
0x23d: {  	[tilespmem:v1+s26+$0x0] =	vst.idx.add.f32.msk $0xffff, v59  }
0x23e: {  	[tilespmem:v2+s26+$0x0] =	vst.idx.add.f32.msk $0xffff, v60  }
0x23f: {  	[tilespmem:v3+s26+$0x0] =	vst.idx.add.f32.msk $0xffff, v61  }
0x240: {  	v1 =	vld [tilespmem:s31+$0xFFFFFF60]  }
0x241: {  	v2 =	vld [tilespmem:s31+$0xFFFFFFE0]  }
0x242: {  	v3 =	vld [tilespmem:s31+$0x60]  }
0x243: {  	v4 =	vld [tilespmem:s0+$0xFFFFFF60]  }
0x244: {  	v5 =	vld [tilespmem:s0+$0xFFFFFFE0]  }
0x245: {  	v6 =	vld [tilespmem:s0+$0x60];
	_ =	sdelay $0x1  }
0x246: {  	[tilespmem:v62+s26+$0x0] =	vst.idx.add.f32.msk $0xffff, v63  }
0x247: {  	[tilespmem:v1+s26+$0x0] =	vst.idx.add.f32.msk $0xffff, v4  }
0x248: {  	[tilespmem:v2+s26+$0x0] =	vst.idx.add.f32.msk $0xffff, v5  }
0x249: {  	[tilespmem:v3+s26+$0x0] =	vst.idx.add.f32.msk $0xffff, v6  }
0x24a: {  	s15 =	simm.s32 $0x0;
	s16 =	simm.s32 $0x300;
	s1 =	simm.s32 $0xD100;
	v1 =	vld [tilespmem:s31+$0xFFFFFF70]  }
.LBB2_8:
0x24b: {  	v2 =	vld [tilespmem:s16+$0x80];
	s15 =	sadd.s32 $0x4, s15  }
0x24c: {  	v3 =	vld [tilespmem:s16+$0xFFFFFF80];
	p1 =	slt.u32 s15, $0xCC  }
0x24d: {  	s0 =	sadd.s32 $0x200, s0;
	v4 =	vld [tilespmem:s16+$0x0]  }
0x24e: {  	v5 =	vld [tilespmem:s0+$0x80]  }
0x24f: {  	v6 =	vld [tilespmem:s16+$0xFFFFFF00]  }
0x250: {  	v7 =	vld [tilespmem:s0+$0xFFFFFF00]  }
0x251: {  	v8 =	vld [tilespmem:s0+$0xFFFFFF80]  }
0x252: {  	v9 =	vld [tilespmem:s0+$0x0]  }
0x253: {  	[tilespmem:v2+s26+$0x0] =	vst.idx.add.f32.msk $0xffff, v5  }
0x254: {  	v5 =	vld [tilespmem:s16+$0x90]  }
0x255: {  	v2 =	vld [tilespmem:s31+$0xFFFFFFF0]  }
0x256: {  	[tilespmem:v3+s26+$0x0] =	vst.idx.add.f32.msk $0xffff, v8  }
0x257: {  	v3 =	vld [tilespmem:s0+$0x90]  }
0x258: {  	[tilespmem:v6+s26+$0x0] =	vst.idx.add.f32.msk $0xffff, v7  }
0x259: {  	[tilespmem:v4+s26+$0x0] =	vst.idx.add.f32.msk $0xffff, v9  }
0x25a: {  	v4 =	vld [tilespmem:s16+$0xFFFFFF10]  }
0x25b: {  	v6 =	vld [tilespmem:s16+$0xFFFFFF90]  }
0x25c: {  	[tilespmem:v5+s26+$0x0] =	vst.idx.add.f32.msk $0xffff, v3  }
0x25d: {  	v5 =	vld [tilespmem:s16+$0xA0]  }
0x25e: {  	v7 =	vld [tilespmem:s16+$0x10]  }
0x25f: {  	v8 =	vld [tilespmem:s0+$0xFFFFFF10]  }
0x260: {  	v9 =	vld [tilespmem:s0+$0xA0]  }
0x261: {  	v10 =	vld [tilespmem:s0+$0xFFFFFF90]  }
0x262: {  	v11 =	vld [tilespmem:s0+$0x10]  }
0x263: {  	v3 =	vld [tilespmem:s31+$0x70];
	s31 =	smov.u32 s16  }
0x264: {  	[tilespmem:v4+s26+$0x0] =	vst.idx.add.f32.msk $0xffff, v8  }
0x265: {  	[tilespmem:v5+s26+$0x0] =	vst.idx.add.f32.msk $0xffff, v9  }
0x266: {  	v4 =	vld [tilespmem:s16+$0xB0]  }
0x267: {  	[tilespmem:v6+s26+$0x0] =	vst.idx.add.f32.msk $0xffff, v10  }
0x268: {  	[tilespmem:v7+s26+$0x0] =	vst.idx.add.f32.msk $0xffff, v11  }
0x269: {  	v5 =	vld [tilespmem:s0+$0xB0]  }
0x26a: {  	v6 =	vld [tilespmem:s16+$0xFFFFFF20]  }
0x26b: {  	v7 =	vld [tilespmem:s16+$0xFFFFFFA0]  }
0x26c: {  	v8 =	vld [tilespmem:s16+$0x20]  }
0x26d: {  	v9 =	vld [tilespmem:s0+$0xFFFFFF20]  }
0x26e: {  	[tilespmem:v4+s26+$0x0] =	vst.idx.add.f32.msk $0xffff, v5  }
0x26f: {  	v4 =	vld [tilespmem:s16+$0xC0]  }
0x270: {  	v5 =	vld [tilespmem:s0+$0xFFFFFFA0]  }
0x271: {  	v10 =	vld [tilespmem:s0+$0x20]  }
0x272: {  	v11 =	vld [tilespmem:s0+$0xC0]  }
0x273: {  	[tilespmem:v6+s26+$0x0] =	vst.idx.add.f32.msk $0xffff, v9  }
0x274: {  	v6 =	vld [tilespmem:s16+$0xFFFFFF30]  }
0x275: {  	[tilespmem:v7+s26+$0x0] =	vst.idx.add.f32.msk $0xffff, v5  }
0x276: {  	[tilespmem:v8+s26+$0x0] =	vst.idx.add.f32.msk $0xffff, v10  }
0x277: {  	[tilespmem:v4+s26+$0x0] =	vst.idx.add.f32.msk $0xffff, v11  }
0x278: {  	v4 =	vld [tilespmem:s16+$0xD0]  }
0x279: {  	v5 =	vld [tilespmem:s16+$0xFFFFFFB0]  }
0x27a: {  	v7 =	vld [tilespmem:s16+$0x30]  }
0x27b: {  	v8 =	vld [tilespmem:s0+$0xD0]  }
0x27c: {  	v9 =	vld [tilespmem:s0+$0xFFFFFF30]  }
0x27d: {  	v10 =	vld [tilespmem:s0+$0xFFFFFFB0]  }
0x27e: {  	v11 =	vld [tilespmem:s0+$0x30]  }
0x27f: {  	v12 =	vld [tilespmem:s1+$0xFFFFFF70]  }
0x280: {  	[tilespmem:v4+s26+$0x0] =	vst.idx.add.f32.msk $0xffff, v8  }
0x281: {  	v4 =	vld [tilespmem:s16+$0xE0]  }
0x282: {  	[tilespmem:v6+s26+$0x0] =	vst.idx.add.f32.msk $0xffff, v9  }
0x283: {  	[tilespmem:v5+s26+$0x0] =	vst.idx.add.f32.msk $0xffff, v10  }
0x284: {  	v5 =	vld [tilespmem:s0+$0xE0]  }
0x285: {  	[tilespmem:v7+s26+$0x0] =	vst.idx.add.f32.msk $0xffff, v11  }
0x286: {  	v6 =	vld [tilespmem:s16+$0xFFFFFF40]  }
0x287: {  	v7 =	vld [tilespmem:s16+$0xFFFFFFC0]  }
0x288: {  	v8 =	vld [tilespmem:s16+$0x40]  }
0x289: {  	[tilespmem:v4+s26+$0x0] =	vst.idx.add.f32.msk $0xffff, v5  }
0x28a: {  	v4 =	vld [tilespmem:s16+$0xF0]  }
0x28b: {  	v5 =	vld [tilespmem:s0+$0xFFFFFF40]  }
0x28c: {  	v9 =	vld [tilespmem:s0+$0xFFFFFFC0]  }
0x28d: {  	v10 =	vld [tilespmem:s0+$0xF0]  }
0x28e: {  	v11 =	vld [tilespmem:s0+$0x40]  }
0x28f: {  	v13 =	vld [tilespmem:s1+$0xFFFFFFF0]  }
0x290: {  	[tilespmem:v6+s26+$0x0] =	vst.idx.add.f32.msk $0xffff, v5  }
0x291: {  	[tilespmem:v7+s26+$0x0] =	vst.idx.add.f32.msk $0xffff, v9  }
0x292: {  	[tilespmem:v4+s26+$0x0] =	vst.idx.add.f32.msk $0xffff, v10  }
0x293: {  	[tilespmem:v8+s26+$0x0] =	vst.idx.add.f32.msk $0xffff, v11  }
0x294: {  	v4 =	vld [tilespmem:s16+$0xFFFFFF50]  }
0x295: {  	v5 =	vld [tilespmem:s16+$0xFFFFFFD0]  }
0x296: {  	v6 =	vld [tilespmem:s16+$0x50]  }
0x297: {  	v7 =	vld [tilespmem:s0+$0xFFFFFF50]  }
0x298: {  	v8 =	vld [tilespmem:s0+$0xFFFFFFD0]  }
0x299: {  	v9 =	vld [tilespmem:s0+$0x50]  }
0x29a: {  	v10 =	vld [tilespmem:s1+$0x70];
	s1 =	smov.u32 s0  }
0x29b: {  	[tilespmem:v1+s26+$0x0] =	vst.idx.add.f32.msk $0xffff, v12  }
0x29c: {  	[tilespmem:v4+s26+$0x0] =	vst.idx.add.f32.msk $0xffff, v7  }
0x29d: {  	[tilespmem:v5+s26+$0x0] =	vst.idx.add.f32.msk $0xffff, v8  }
0x29e: {  	[tilespmem:v6+s26+$0x0] =	vst.idx.add.f32.msk $0xffff, v9  }
0x29f: {  	v1 =	vld [tilespmem:s16+$0xFFFFFF60]  }
0x2a0: {  	v4 =	vld [tilespmem:s16+$0xFFFFFFE0]  }
0x2a1: {  	v5 =	vld [tilespmem:s16+$0x60]  }
0x2a2: {  	v6 =	vld [tilespmem:s0+$0xFFFFFF60]  }
0x2a3: {  	v7 =	vld [tilespmem:s0+$0xFFFFFFE0]  }
0x2a4: {  	v8 =	vld [tilespmem:s0+$0x60]  }
0x2a5: {  	[tilespmem:v2+s26+$0x0] =	vst.idx.add.f32.msk $0xffff, v13  }
.Ltmp5:
0x2a6: {  	[tilespmem:v3+s26+$0x0] =	vst.idx.add.f32.msk $0xffff, v10;
	(pc) =	sbr.rel @p1 .LBB2_8-.Ltmp5, $4  }
0x2a7: {  	[tilespmem:v1+s26+$0x0] =	vst.idx.add.f32.msk $0xffff, v6  }
0x2a8: {  	[tilespmem:v4+s26+$0x0] =	vst.idx.add.f32.msk $0xffff, v7  }
0x2a9: {  	[tilespmem:v5+s26+$0x0] =	vst.idx.add.f32.msk $0xffff, v8  }
0x2aa: {  	s16 =	sadd.s32 $0x200, s16;
	v1 =	vld [tilespmem:s31+$0xFFFFFF70]  }
0x2ab: {  	_ = 	snop  }
0x2ac: {  	v2 =	vld [tilespmem:s31+$0xFFFFFFF0]  }
0x2ad: {  	v3 =	vld [tilespmem:s31+$0x70]  }
0x2ae: {  	v4 =	vld [tilespmem:s1+$0xFFFFFF70]  }
0x2af: {  	v5 =	vld [tilespmem:s1+$0xFFFFFFF0]  }
0x2b0: {  	v6 =	vld [tilespmem:s1+$0x70];
	_ =	sdelay $0x2  }
0x2b1: {  	[tilespmem:v1+s26+$0x0] =	vst.idx.add.f32.msk $0xffff, v4  }
0x2b2: {  	[tilespmem:v2+s26+$0x0] =	vst.idx.add.f32.msk $0xffff, v5  }
0x2b3: {  	s0 =	simm.s32 $0x0;
	[tilespmem:v3+s26+$0x0] =	vst.idx.add.f32.msk $0xffff, v6  }
0x2b4: {  	[tilespmem:s0], [sflag:$0x1] =	stream.strided.gather [hbm4b:s11+s19], $0x6800, s20, s19, $0x38;
	[tilespmem:$0x1C800] =	vst v63  }
0x2b5: {  	_ = 	snop  }
0x2b6: {  	[tilespmem:s22], [sflag:$0x1] =	stream.strided.gather [hbm4b:s12+s19], $0x6800, s21, s19, $0x38;
	[tilespmem:$0x1C800] =	vst v63  }
0x2b7: {  	_ =	swait.ge [sflag:s28], $0x6800  }
0x2b8: {  	[sflag:s28] =	ssyncset.done $0x0  }
0x2b9: {  	[sflag:s28] =	ssyncadd.s32 $0xFFFF9800  }
0x2ba: {  	_ =	swait.ge [sflag:s28], $0x6800  }
0x2bb: {  	[sflag:s28] =	ssyncset.done $0x0  }
0x2bc: {  	s31 =	simm.s32 $0x0;
	[sflag:s28] =	ssyncadd.s32 $0xFFFF9800  }
0x2bd: {  	v1 =	vld [tilespmem:s31+$0x6980]  }
0x2be: {  	v2 =	vld [tilespmem:s31+$0x6800]  }
0x2bf: {  	v3 =	vld [tilespmem:s31+$0x6880]  }
0x2c0: {  	v4 =	vld [tilespmem:s31+$0x13980]  }
0x2c1: {  	v5 =	vld [tilespmem:s31+$0x6900]  }
0x2c2: {  	v54 =	vld [tilespmem:s31+$0x13800];
	_ =	sdelay $0x1  }
0x2c3: {  	v7 =	vld [tilespmem:s31+$0x13880]  }
0x2c4: {  	v8 =	vld [tilespmem:s31+$0x13900]  }
0x2c5: {  	[tilespmem:v1+s26+$0x0] =	vst.idx.add.f32.msk $0xffff, v4  }
0x2c6: {  	[tilespmem:v2+s26+$0x0] =	vst.idx.add.f32.msk $0xffff, v54  }
0x2c7: {  	v1 =	vld [tilespmem:s31+$0x6990]  }
0x2c8: {  	[tilespmem:v3+s26+$0x0] =	vst.idx.add.f32.msk $0xffff, v7  }
0x2c9: {  	[tilespmem:v5+s26+$0x0] =	vst.idx.add.f32.msk $0xffff, v8  }
0x2ca: {  	v2 =	vld [tilespmem:s31+$0x13990]  }
0x2cb: {  	v4 =	vld [tilespmem:s31+$0x6890]  }
0x2cc: {  	v5 =	vld [tilespmem:s31+$0x6910]  }
0x2cd: {  	v55 =	vld [tilespmem:s31+$0x13890]  }
0x2ce: {  	v8 =	vld [tilespmem:s31+$0x13910]  }
0x2cf: {  	[tilespmem:v1+s26+$0x0] =	vst.idx.add.f32.msk $0xffff, v2  }
0x2d0: {  	v1 =	vld [tilespmem:s31+$0x69A0]  }
0x2d1: {  	v3 =	vld [tilespmem:s31+$0x6810]  }
0x2d2: {  	v2 =	vld [tilespmem:s31+$0x13810]  }
0x2d3: {  	v56 =	vld [tilespmem:s31+$0x139A0]  }
0x2d4: {  	[tilespmem:v4+s26+$0x0] =	vst.idx.add.f32.msk $0xffff, v55  }
0x2d5: {  	[tilespmem:v5+s26+$0x0] =	vst.idx.add.f32.msk $0xffff, v8  }
0x2d6: {  	v4 =	vld [tilespmem:s31+$0x68A0]  }
0x2d7: {  	v58 =	vld [tilespmem:s31+$0x138A0]  }
0x2d8: {  	[tilespmem:v1+s26+$0x0] =	vst.idx.add.f32.msk $0xffff, v56  }
0x2d9: {  	v1 =	vld [tilespmem:s31+$0x69B0]  }
0x2da: {  	[tilespmem:v3+s26+$0x0] =	vst.idx.add.f32.msk $0xffff, v2  }
0x2db: {  	v2 =	vld [tilespmem:s31+$0x6820]  }
0x2dc: {  	v3 =	vld [tilespmem:s31+$0x139B0]  }
0x2dd: {  	v5 =	vld [tilespmem:s31+$0x6920]  }
0x2de: {  	v57 =	vld [tilespmem:s31+$0x13820]  }
0x2df: {  	[tilespmem:v4+s26+$0x0] =	vst.idx.add.f32.msk $0xffff, v58  }
0x2e0: {  	v7 =	vld [tilespmem:s31+$0x138B0]  }
0x2e1: {  	[tilespmem:v1+s26+$0x0] =	vst.idx.add.f32.msk $0xffff, v3  }
0x2e2: {  	v3 =	vld [tilespmem:s31+$0x13920]  }
0x2e3: {  	v1 =	vld [tilespmem:s31+$0x69C0]  }
0x2e4: {  	[tilespmem:v2+s26+$0x0] =	vst.idx.add.f32.msk $0xffff, v57  }
0x2e5: {  	v4 =	vld [tilespmem:s31+$0x6830]  }
0x2e6: {  	v2 =	vld [tilespmem:s31+$0x139C0]  }
0x2e7: {  	[tilespmem:v5+s26+$0x0] =	vst.idx.add.f32.msk $0xffff, v3  }
0x2e8: {  	v3 =	vld [tilespmem:s31+$0x68B0]  }
0x2e9: {  	v5 =	vld [tilespmem:s31+$0x13830]  }
0x2ea: {  	v8 =	vld [tilespmem:s31+$0x13930]  }
0x2eb: {  	[tilespmem:v1+s26+$0x0] =	vst.idx.add.f32.msk $0xffff, v2  }
0x2ec: {  	v2 =	vld [tilespmem:s31+$0x6930]  }
0x2ed: {  	v1 =	vld [tilespmem:s31+$0x69D0]  }
0x2ee: {  	v59 =	vld [tilespmem:s31+$0x139D0]  }
0x2ef: {  	[tilespmem:v4+s26+$0x0] =	vst.idx.add.f32.msk $0xffff, v5  }
0x2f0: {  	v60 =	vld [tilespmem:s31+$0x13840]  }
0x2f1: {  	[tilespmem:v3+s26+$0x0] =	vst.idx.add.f32.msk $0xffff, v7  }
0x2f2: {  	v3 =	vld [tilespmem:s31+$0x6840]  }
0x2f3: {  	v4 =	vld [tilespmem:s31+$0x68C0]  }
0x2f4: {  	[tilespmem:v2+s26+$0x0] =	vst.idx.add.f32.msk $0xffff, v8  }
0x2f5: {  	[tilespmem:v1+s26+$0x0] =	vst.idx.add.f32.msk $0xffff, v59  }
0x2f6: {  	v5 =	vld [tilespmem:s31+$0x6940]  }
0x2f7: {  	v1 =	vld [tilespmem:s31+$0x69E0]  }
0x2f8: {  	v7 =	vld [tilespmem:s31+$0x138C0]  }
0x2f9: {  	v8 =	vld [tilespmem:s31+$0x13940]  }
0x2fa: {  	v2 =	vld [tilespmem:s31+$0x139E0];
	_ =	sdelay $0x1  }
0x2fb: {  	[tilespmem:v3+s26+$0x0] =	vst.idx.add.f32.msk $0xffff, v60  }
0x2fc: {  	[tilespmem:v4+s26+$0x0] =	vst.idx.add.f32.msk $0xffff, v7  }
0x2fd: {  	[tilespmem:v5+s26+$0x0] =	vst.idx.add.f32.msk $0xffff, v8  }
0x2fe: {  	[tilespmem:v1+s26+$0x0] =	vst.idx.add.f32.msk $0xffff, v2  }
0x2ff: {  	v1 =	vld [tilespmem:s31+$0x6850]  }
0x300: {  	v2 =	vld [tilespmem:s31+$0x68D0]  }
0x301: {  	v3 =	vld [tilespmem:s31+$0x6950]  }
0x302: {  	v4 =	vld [tilespmem:s31+$0x13850]  }
0x303: {  	v5 =	vld [tilespmem:s31+$0x138D0]  }
0x304: {  	v61 =	vld [tilespmem:s31+$0x13950]  }
0x305: {  	v62 =	vld [tilespmem:s31+$0x69F0]  }
0x306: {  	v63 =	vld [tilespmem:s31+$0x139F0]  }
0x307: {  	[tilespmem:v1+s26+$0x0] =	vst.idx.add.f32.msk $0xffff, v4  }
0x308: {  	[tilespmem:v2+s26+$0x0] =	vst.idx.add.f32.msk $0xffff, v5  }
0x309: {  	[tilespmem:v3+s26+$0x0] =	vst.idx.add.f32.msk $0xffff, v61  }
0x30a: {  	v1 =	vld [tilespmem:s31+$0x6860]  }
0x30b: {  	v2 =	vld [tilespmem:s31+$0x68E0]  }
0x30c: {  	v3 =	vld [tilespmem:s31+$0x6960]  }
0x30d: {  	v4 =	vld [tilespmem:s31+$0x13860]  }
0x30e: {  	v5 =	vld [tilespmem:s31+$0x138E0]  }
0x30f: {  	v6 =	vld [tilespmem:s31+$0x13960];
	_ =	sdelay $0x1  }
0x310: {  	[tilespmem:v62+s26+$0x0] =	vst.idx.add.f32.msk $0xffff, v63  }
0x311: {  	[tilespmem:v1+s26+$0x0] =	vst.idx.add.f32.msk $0xffff, v4  }
0x312: {  	[tilespmem:v2+s26+$0x0] =	vst.idx.add.f32.msk $0xffff, v5  }
0x313: {  	[tilespmem:v3+s26+$0x0] =	vst.idx.add.f32.msk $0xffff, v6  }
0x314: {  	v3 =	vld [tilespmem:s31+$0x6870]  }
0x315: {  	s1 =	simm.s32 $0x800;
	s0 =	simm.s32 $0x0;
	v1 =	vld [tilespmem:s31+$0x68F0]  }
.LBB2_10:
0x316: {  	s15 =	sshra.s32 s1, $0x2;
	s0 =	sadd.s32 $0x4, s0;
	v2 =	vld [tilespmem:s31+$0x6970]  }
0x317: {  	v4 =	vld [tilespmem:s15+$0x6980];
	p1 =	slt.u32 s0, $0xCC  }
0x318: {  	v5 =	vld [tilespmem:s15+$0x6800]  }
0x319: {  	v6 =	vld [tilespmem:s15+$0x6880]  }
0x31a: {  	v7 =	vld [tilespmem:s15+$0x13980]  }
0x31b: {  	v8 =	vld [tilespmem:s15+$0x6900]  }
0x31c: {  	v9 =	vld [tilespmem:s15+$0x13800]  }
0x31d: {  	v10 =	vld [tilespmem:s15+$0x13880]  }
0x31e: {  	v11 =	vld [tilespmem:s15+$0x13900]  }
0x31f: {  	[tilespmem:v4+s26+$0x0] =	vst.idx.add.f32.msk $0xffff, v7  }
0x320: {  	v4 =	vld [tilespmem:s15+$0x6990]  }
0x321: {  	[tilespmem:v5+s26+$0x0] =	vst.idx.add.f32.msk $0xffff, v9  }
0x322: {  	[tilespmem:v6+s26+$0x0] =	vst.idx.add.f32.msk $0xffff, v10  }
0x323: {  	v5 =	vld [tilespmem:s15+$0x13990]  }
0x324: {  	[tilespmem:v8+s26+$0x0] =	vst.idx.add.f32.msk $0xffff, v11  }
0x325: {  	v6 =	vld [tilespmem:s15+$0x6810]  }
0x326: {  	v7 =	vld [tilespmem:s15+$0x6890]  }
0x327: {  	v8 =	vld [tilespmem:s15+$0x6910]  }
0x328: {  	[tilespmem:v4+s26+$0x0] =	vst.idx.add.f32.msk $0xffff, v5  }
0x329: {  	v4 =	vld [tilespmem:s15+$0x69A0]  }
0x32a: {  	v5 =	vld [tilespmem:s15+$0x13810]  }
0x32b: {  	v9 =	vld [tilespmem:s15+$0x13890]  }
0x32c: {  	v10 =	vld [tilespmem:s15+$0x139A0]  }
0x32d: {  	v11 =	vld [tilespmem:s15+$0x13910]  }
0x32e: {  	v12 =	vld [tilespmem:s31+$0x13870]  }
0x32f: {  	[tilespmem:v6+s26+$0x0] =	vst.idx.add.f32.msk $0xffff, v5  }
0x330: {  	[tilespmem:v7+s26+$0x0] =	vst.idx.add.f32.msk $0xffff, v9  }
0x331: {  	[tilespmem:v4+s26+$0x0] =	vst.idx.add.f32.msk $0xffff, v10  }
0x332: {  	v4 =	vld [tilespmem:s15+$0x69B0]  }
0x333: {  	[tilespmem:v8+s26+$0x0] =	vst.idx.add.f32.msk $0xffff, v11  }
0x334: {  	v5 =	vld [tilespmem:s15+$0x6820]  }
0x335: {  	v6 =	vld [tilespmem:s15+$0x139B0]  }
0x336: {  	v7 =	vld [tilespmem:s15+$0x68A0]  }
0x337: {  	v8 =	vld [tilespmem:s15+$0x6920]  }
0x338: {  	v9 =	vld [tilespmem:s15+$0x13820]  }
0x339: {  	v10 =	vld [tilespmem:s15+$0x138A0]  }
0x33a: {  	[tilespmem:v4+s26+$0x0] =	vst.idx.add.f32.msk $0xffff, v6  }
0x33b: {  	v4 =	vld [tilespmem:s15+$0x69C0]  }
0x33c: {  	v6 =	vld [tilespmem:s15+$0x13920]  }
0x33d: {  	[tilespmem:v5+s26+$0x0] =	vst.idx.add.f32.msk $0xffff, v9  }
0x33e: {  	v5 =	vld [tilespmem:s15+$0x139C0]  }
0x33f: {  	[tilespmem:v7+s26+$0x0] =	vst.idx.add.f32.msk $0xffff, v10  }
0x340: {  	v7 =	vld [tilespmem:s15+$0x6830]  }
0x341: {  	[tilespmem:v8+s26+$0x0] =	vst.idx.add.f32.msk $0xffff, v6  }
0x342: {  	v6 =	vld [tilespmem:s15+$0x68B0]  }
0x343: {  	[tilespmem:v4+s26+$0x0] =	vst.idx.add.f32.msk $0xffff, v5  }
0x344: {  	v4 =	vld [tilespmem:s15+$0x69D0]  }
0x345: {  	v5 =	vld [tilespmem:s15+$0x6930]  }
0x346: {  	v8 =	vld [tilespmem:s15+$0x13830]  }
0x347: {  	v9 =	vld [tilespmem:s15+$0x139D0]  }
0x348: {  	v10 =	vld [tilespmem:s15+$0x138B0]  }
0x349: {  	v11 =	vld [tilespmem:s15+$0x13930]  }
0x34a: {  	v13 =	vld [tilespmem:s31+$0x138F0]  }
0x34b: {  	[tilespmem:v7+s26+$0x0] =	vst.idx.add.f32.msk $0xffff, v8  }
0x34c: {  	[tilespmem:v4+s26+$0x0] =	vst.idx.add.f32.msk $0xffff, v9  }
0x34d: {  	v4 =	vld [tilespmem:s15+$0x69E0]  }
0x34e: {  	[tilespmem:v6+s26+$0x0] =	vst.idx.add.f32.msk $0xffff, v10  }
0x34f: {  	[tilespmem:v5+s26+$0x0] =	vst.idx.add.f32.msk $0xffff, v11  }
0x350: {  	v5 =	vld [tilespmem:s15+$0x139E0]  }
0x351: {  	v6 =	vld [tilespmem:s15+$0x6840]  }
0x352: {  	v7 =	vld [tilespmem:s15+$0x68C0]  }
0x353: {  	v8 =	vld [tilespmem:s15+$0x6940]  }
0x354: {  	v9 =	vld [tilespmem:s15+$0x13840]  }
0x355: {  	[tilespmem:v4+s26+$0x0] =	vst.idx.add.f32.msk $0xffff, v5  }
0x356: {  	v4 =	vld [tilespmem:s15+$0x69F0]  }
0x357: {  	v5 =	vld [tilespmem:s15+$0x138C0]  }
0x358: {  	v10 =	vld [tilespmem:s15+$0x13940]  }
0x359: {  	v11 =	vld [tilespmem:s15+$0x139F0]  }
0x35a: {  	[tilespmem:v6+s26+$0x0] =	vst.idx.add.f32.msk $0xffff, v9  }
0x35b: {  	v6 =	vld [tilespmem:s15+$0x6850]  }
0x35c: {  	[tilespmem:v7+s26+$0x0] =	vst.idx.add.f32.msk $0xffff, v5  }
0x35d: {  	[tilespmem:v8+s26+$0x0] =	vst.idx.add.f32.msk $0xffff, v10  }
0x35e: {  	[tilespmem:v4+s26+$0x0] =	vst.idx.add.f32.msk $0xffff, v11  }
0x35f: {  	v4 =	vld [tilespmem:s15+$0x68D0]  }
0x360: {  	v5 =	vld [tilespmem:s15+$0x6950]  }
0x361: {  	v7 =	vld [tilespmem:s15+$0x13850]  }
0x362: {  	v8 =	vld [tilespmem:s15+$0x138D0]  }
0x363: {  	v9 =	vld [tilespmem:s15+$0x13950]  }
0x364: {  	v10 =	vld [tilespmem:s31+$0x13970];
	s31 =	smov.u32 s15  }
0x365: {  	[tilespmem:v3+s26+$0x0] =	vst.idx.add.f32.msk $0xffff, v12  }
0x366: {  	[tilespmem:v6+s26+$0x0] =	vst.idx.add.f32.msk $0xffff, v7  }
0x367: {  	[tilespmem:v4+s26+$0x0] =	vst.idx.add.f32.msk $0xffff, v8  }
0x368: {  	[tilespmem:v5+s26+$0x0] =	vst.idx.add.f32.msk $0xffff, v9  }
0x369: {  	v3 =	vld [tilespmem:s31+$0x6860]  }
0x36a: {  	v4 =	vld [tilespmem:s31+$0x68E0]  }
0x36b: {  	v5 =	vld [tilespmem:s31+$0x6960]  }
0x36c: {  	v6 =	vld [tilespmem:s31+$0x13860]  }
0x36d: {  	v7 =	vld [tilespmem:s31+$0x138E0]  }
0x36e: {  	v8 =	vld [tilespmem:s31+$0x13960]  }
0x36f: {  	[tilespmem:v1+s26+$0x0] =	vst.idx.add.f32.msk $0xffff, v13  }
0x370: {  	[tilespmem:v2+s26+$0x0] =	vst.idx.add.f32.msk $0xffff, v10  }
.Ltmp6:
0x371: {  	[tilespmem:v3+s26+$0x0] =	vst.idx.add.f32.msk $0xffff, v6;
	(pc) =	sbr.rel @p1 .LBB2_10-.Ltmp6, $4  }
0x372: {  	[tilespmem:v4+s26+$0x0] =	vst.idx.add.f32.msk $0xffff, v7  }
0x373: {  	[tilespmem:v5+s26+$0x0] =	vst.idx.add.f32.msk $0xffff, v8  }
0x374: {  	v3 =	vld [tilespmem:s31+$0x6870]  }
0x375: {  	s1 =	sadd.s32 $0x800, s1;
	v1 =	vld [tilespmem:s31+$0x68F0]  }
0x376: {  	_ = 	snop  }
0x377: {  	v2 =	vld [tilespmem:s31+$0x6970]  }
0x378: {  	v4 =	vld [tilespmem:s31+$0x13870]  }
0x379: {  	v5 =	vld [tilespmem:s31+$0x138F0]  }
0x37a: {  	v6 =	vld [tilespmem:s31+$0x13970];
	_ =	sdelay $0x2  }
0x37b: {  	[tilespmem:v3+s26+$0x0] =	vst.idx.add.f32.msk $0xffff, v4  }
0x37c: {  	[tilespmem:v1+s26+$0x0] =	vst.idx.add.f32.msk $0xffff, v5  }
0x37d: {  	s31 =	simm.s32 $0x100;
	[tilespmem:v2+s26+$0x0] =	vst.idx.add.f32.msk $0xffff, v6  }
0x37e: {  	[tilespmem:s23], [sflag:$0x2] =	stream.strided.gather [hbm4b:s13+s19], $0x6800, s31, s19, $0x38;
	[tilespmem:$0x1C800] =	vst v63  }
0x37f: {  	_ = 	snop  }
0x380: {  	[tilespmem:s24], [sflag:$0x2] =	stream.strided.gather [hbm4b:s14+s19], $0x6800, s21, s19, $0x38;
	[tilespmem:$0x1C800] =	vst v63  }
0x381: {  	_ =	swait.ge [sflag:s25], $0x6800  }
0x382: {  	[sflag:s25] =	ssyncset.done $0x0  }
0x383: {  	[sflag:s25] =	ssyncadd.s32 $0xFFFF9800  }
0x384: {  	_ =	swait.ge [sflag:s25], $0x6800  }
0x385: {  	[sflag:s25] =	ssyncset.done $0x0  }
0x386: {  	[sflag:s25] =	ssyncadd.s32 $0xFFFF9800  }
0x387: {  	v1 =	vld [tilespmem:s31+$0x80]  }
0x388: {  	s0 =	simm.s32 $0xD100  }
0x389: {  	v2 =	vld [tilespmem:s0+$0x80]  }
0x38a: {  	v3 =	vld [tilespmem:s31+$0xFFFFFF80]  }
0x38b: {  	v42 =	vld [tilespmem:s31+$0x0]  }
0x38c: {  	v43 =	vld [tilespmem:s31+$0xFFFFFF00]  }
0x38d: {  	v44 =	vld [tilespmem:s0+$0xFFFFFF80]  }
0x38e: {  	v7 =	vld [tilespmem:s0+$0x0]  }
0x38f: {  	[tilespmem:v1+s26+$0x0] =	vst.idx.add.f32.msk $0xffff, v2  }
0x390: {  	v2 =	vld [tilespmem:s0+$0xFFFFFF00]  }
0x391: {  	v1 =	vld [tilespmem:s31+$0x90]  }
0x392: {  	[tilespmem:v3+s26+$0x0] =	vst.idx.add.f32.msk $0xffff, v44  }
0x393: {  	[tilespmem:v42+s26+$0x0] =	vst.idx.add.f32.msk $0xffff, v7  }
0x394: {  	v8 =	vld [tilespmem:s0+$0x90]  }
0x395: {  	v3 =	vld [tilespmem:s31+$0xFFFFFF90]  }
0x396: {  	v48 =	vld [tilespmem:s0+$0xFFFFFF90]  }
0x397: {  	[tilespmem:v43+s26+$0x0] =	vst.idx.add.f32.msk $0xffff, v2  }
0x398: {  	v2 =	vld [tilespmem:s31+$0xFFFFFF10]  }
0x399: {  	[tilespmem:v1+s26+$0x0] =	vst.idx.add.f32.msk $0xffff, v8  }
0x39a: {  	v1 =	vld [tilespmem:s31+$0xA0]  }
0x39b: {  	v47 =	vld [tilespmem:s0+$0xFFFFFF10]  }
0x39c: {  	v46 =	vld [tilespmem:s31+$0x10]  }
0x39d: {  	v45 =	vld [tilespmem:s0+$0xA0]  }
0x39e: {  	v49 =	vld [tilespmem:s0+$0x10]  }
0x39f: {  	[tilespmem:v3+s26+$0x0] =	vst.idx.add.f32.msk $0xffff, v48  }
0x3a0: {  	[tilespmem:v2+s26+$0x0] =	vst.idx.add.f32.msk $0xffff, v47  }
0x3a1: {  	v3 =	vld [tilespmem:s31+$0xFFFFFF20]  }
0x3a2: {  	[tilespmem:v1+s26+$0x0] =	vst.idx.add.f32.msk $0xffff, v45  }
0x3a3: {  	v1 =	vld [tilespmem:s31+$0xB0]  }
0x3a4: {  	v51 =	vld [tilespmem:s0+$0xFFFFFF20]  }
0x3a5: {  	[tilespmem:v46+s26+$0x0] =	vst.idx.add.f32.msk $0xffff, v49  }
0x3a6: {  	v2 =	vld [tilespmem:s0+$0xB0]  }
0x3a7: {  	v50 =	vld [tilespmem:s31+$0xFFFFFFA0]  }
0x3a8: {  	v52 =	vld [tilespmem:s0+$0xFFFFFFA0]  }
0x3a9: {  	[tilespmem:v3+s26+$0x0] =	vst.idx.add.f32.msk $0xffff, v51  }
0x3aa: {  	v3 =	vld [tilespmem:s31+$0xFFFFFF30]  }
0x3ab: {  	[tilespmem:v1+s26+$0x0] =	vst.idx.add.f32.msk $0xffff, v2  }
0x3ac: {  	v2 =	vld [tilespmem:s31+$0x20]  }
0x3ad: {  	v8 =	vld [tilespmem:s0+$0x20]  }
0x3ae: {  	v56 =	vld [tilespmem:s0+$0xFFFFFF30]  }
0x3af: {  	v1 =	vld [tilespmem:s31+$0xC0]  }
0x3b0: {  	[tilespmem:v50+s26+$0x0] =	vst.idx.add.f32.msk $0xffff, v52  }
0x3b1: {  	v57 =	vld [tilespmem:s0+$0xFFFFFFB0]  }
0x3b2: {  	v53 =	vld [tilespmem:s0+$0xC0]  }
0x3b3: {  	[tilespmem:v3+s26+$0x0] =	vst.idx.add.f32.msk $0xffff, v56  }
0x3b4: {  	[tilespmem:v2+s26+$0x0] =	vst.idx.add.f32.msk $0xffff, v8  }
0x3b5: {  	v2 =	vld [tilespmem:s31+$0xFFFFFFB0]  }
0x3b6: {  	v55 =	vld [tilespmem:s31+$0x30]  }
0x3b7: {  	[tilespmem:v1+s26+$0x0] =	vst.idx.add.f32.msk $0xffff, v53  }
0x3b8: {  	v1 =	vld [tilespmem:s31+$0xD0]  }
0x3b9: {  	v8 =	vld [tilespmem:s0+$0x30]  }
0x3ba: {  	v3 =	vld [tilespmem:s31+$0xFFFFFF40]  }
0x3bb: {  	v54 =	vld [tilespmem:s0+$0xD0]  }
0x3bc: {  	v6 =	vld [tilespmem:s0+$0xFFFFFF40]  }
0x3bd: {  	[tilespmem:v2+s26+$0x0] =	vst.idx.add.f32.msk $0xffff, v57  }
0x3be: {  	[tilespmem:v55+s26+$0x0] =	vst.idx.add.f32.msk $0xffff, v8  }
0x3bf: {  	v58 =	vld [tilespmem:s31+$0xFFFFFFC0]  }
0x3c0: {  	[tilespmem:v1+s26+$0x0] =	vst.idx.add.f32.msk $0xffff, v54  }
0x3c1: {  	v5 =	vld [tilespmem:s31+$0x40]  }
0x3c2: {  	v1 =	vld [tilespmem:s31+$0xE0]  }
0x3c3: {  	v7 =	vld [tilespmem:s0+$0xFFFFFFC0]  }
0x3c4: {  	v8 =	vld [tilespmem:s0+$0x40]  }
0x3c5: {  	v2 =	vld [tilespmem:s0+$0xE0];
	_ =	sdelay $0x1  }
0x3c6: {  	[tilespmem:v3+s26+$0x0] =	vst.idx.add.f32.msk $0xffff, v6  }
0x3c7: {  	[tilespmem:v58+s26+$0x0] =	vst.idx.add.f32.msk $0xffff, v7  }
0x3c8: {  	[tilespmem:v5+s26+$0x0] =	vst.idx.add.f32.msk $0xffff, v8  }
0x3c9: {  	[tilespmem:v1+s26+$0x0] =	vst.idx.add.f32.msk $0xffff, v2  }
0x3ca: {  	v1 =	vld [tilespmem:s31+$0xFFFFFF50]  }
0x3cb: {  	v2 =	vld [tilespmem:s31+$0xFFFFFFD0]  }
0x3cc: {  	v3 =	vld [tilespmem:s31+$0x50]  }
0x3cd: {  	v59 =	vld [tilespmem:s0+$0xFFFFFF50]  }
0x3ce: {  	v60 =	vld [tilespmem:s0+$0xFFFFFFD0]  }
0x3cf: {  	v61 =	vld [tilespmem:s0+$0x50]  }
0x3d0: {  	v62 =	vld [tilespmem:s31+$0xF0]  }
0x3d1: {  	v63 =	vld [tilespmem:s0+$0xF0]  }
0x3d2: {  	[tilespmem:v1+s26+$0x0] =	vst.idx.add.f32.msk $0xffff, v59  }
0x3d3: {  	[tilespmem:v2+s26+$0x0] =	vst.idx.add.f32.msk $0xffff, v60  }
0x3d4: {  	[tilespmem:v3+s26+$0x0] =	vst.idx.add.f32.msk $0xffff, v61  }
0x3d5: {  	v1 =	vld [tilespmem:s31+$0xFFFFFF60]  }
0x3d6: {  	v2 =	vld [tilespmem:s31+$0xFFFFFFE0]  }
0x3d7: {  	v3 =	vld [tilespmem:s31+$0x60]  }
0x3d8: {  	v4 =	vld [tilespmem:s0+$0xFFFFFF60]  }
0x3d9: {  	v5 =	vld [tilespmem:s0+$0xFFFFFFE0]  }
0x3da: {  	v6 =	vld [tilespmem:s0+$0x60];
	_ =	sdelay $0x1  }
0x3db: {  	[tilespmem:v62+s26+$0x0] =	vst.idx.add.f32.msk $0xffff, v63  }
0x3dc: {  	[tilespmem:v1+s26+$0x0] =	vst.idx.add.f32.msk $0xffff, v4  }
0x3dd: {  	[tilespmem:v2+s26+$0x0] =	vst.idx.add.f32.msk $0xffff, v5  }
0x3de: {  	[tilespmem:v3+s26+$0x0] =	vst.idx.add.f32.msk $0xffff, v6  }
0x3df: {  	s15 =	simm.s32 $0x0;
	s16 =	simm.s32 $0x300;
	s1 =	simm.s32 $0xD100;
	v1 =	vld [tilespmem:s31+$0xFFFFFF70]  }
.LBB2_12:
0x3e0: {  	v2 =	vld [tilespmem:s16+$0x80];
	s15 =	sadd.s32 $0x4, s15  }
0x3e1: {  	v3 =	vld [tilespmem:s16+$0xFFFFFF80];
	p1 =	slt.u32 s15, $0xCC  }
0x3e2: {  	s0 =	sadd.s32 $0x200, s0;
	v4 =	vld [tilespmem:s16+$0x0]  }
0x3e3: {  	v5 =	vld [tilespmem:s0+$0x80]  }
0x3e4: {  	v6 =	vld [tilespmem:s16+$0xFFFFFF00]  }
0x3e5: {  	v7 =	vld [tilespmem:s0+$0xFFFFFF00]  }
0x3e6: {  	v8 =	vld [tilespmem:s0+$0xFFFFFF80]  }
0x3e7: {  	v9 =	vld [tilespmem:s0+$0x0]  }
0x3e8: {  	[tilespmem:v2+s26+$0x0] =	vst.idx.add.f32.msk $0xffff, v5  }
0x3e9: {  	v5 =	vld [tilespmem:s16+$0x90]  }
0x3ea: {  	v2 =	vld [tilespmem:s31+$0xFFFFFFF0]  }
0x3eb: {  	[tilespmem:v3+s26+$0x0] =	vst.idx.add.f32.msk $0xffff, v8  }
0x3ec: {  	v3 =	vld [tilespmem:s0+$0x90]  }
0x3ed: {  	[tilespmem:v6+s26+$0x0] =	vst.idx.add.f32.msk $0xffff, v7  }
0x3ee: {  	[tilespmem:v4+s26+$0x0] =	vst.idx.add.f32.msk $0xffff, v9  }
0x3ef: {  	v4 =	vld [tilespmem:s16+$0xFFFFFF10]  }
0x3f0: {  	v6 =	vld [tilespmem:s16+$0xFFFFFF90]  }
0x3f1: {  	[tilespmem:v5+s26+$0x0] =	vst.idx.add.f32.msk $0xffff, v3  }
0x3f2: {  	v5 =	vld [tilespmem:s16+$0xA0]  }
0x3f3: {  	v7 =	vld [tilespmem:s16+$0x10]  }
0x3f4: {  	v8 =	vld [tilespmem:s0+$0xFFFFFF10]  }
0x3f5: {  	v9 =	vld [tilespmem:s0+$0xA0]  }
0x3f6: {  	v10 =	vld [tilespmem:s0+$0xFFFFFF90]  }
0x3f7: {  	v11 =	vld [tilespmem:s0+$0x10]  }
0x3f8: {  	v3 =	vld [tilespmem:s31+$0x70];
	s31 =	smov.u32 s16  }
0x3f9: {  	[tilespmem:v4+s26+$0x0] =	vst.idx.add.f32.msk $0xffff, v8  }
0x3fa: {  	[tilespmem:v5+s26+$0x0] =	vst.idx.add.f32.msk $0xffff, v9  }
0x3fb: {  	v4 =	vld [tilespmem:s16+$0xB0]  }
0x3fc: {  	[tilespmem:v6+s26+$0x0] =	vst.idx.add.f32.msk $0xffff, v10  }
0x3fd: {  	[tilespmem:v7+s26+$0x0] =	vst.idx.add.f32.msk $0xffff, v11  }
0x3fe: {  	v5 =	vld [tilespmem:s0+$0xB0]  }
0x3ff: {  	v6 =	vld [tilespmem:s16+$0xFFFFFF20]  }
0x400: {  	v7 =	vld [tilespmem:s16+$0xFFFFFFA0]  }
0x401: {  	v8 =	vld [tilespmem:s16+$0x20]  }
0x402: {  	v9 =	vld [tilespmem:s0+$0xFFFFFF20]  }
0x403: {  	[tilespmem:v4+s26+$0x0] =	vst.idx.add.f32.msk $0xffff, v5  }
0x404: {  	v4 =	vld [tilespmem:s16+$0xC0]  }
0x405: {  	v5 =	vld [tilespmem:s0+$0xFFFFFFA0]  }
0x406: {  	v10 =	vld [tilespmem:s0+$0x20]  }
0x407: {  	v11 =	vld [tilespmem:s0+$0xC0]  }
0x408: {  	[tilespmem:v6+s26+$0x0] =	vst.idx.add.f32.msk $0xffff, v9  }
0x409: {  	v6 =	vld [tilespmem:s16+$0xFFFFFF30]  }
0x40a: {  	[tilespmem:v7+s26+$0x0] =	vst.idx.add.f32.msk $0xffff, v5  }
0x40b: {  	[tilespmem:v8+s26+$0x0] =	vst.idx.add.f32.msk $0xffff, v10  }
0x40c: {  	[tilespmem:v4+s26+$0x0] =	vst.idx.add.f32.msk $0xffff, v11  }
0x40d: {  	v4 =	vld [tilespmem:s16+$0xD0]  }
0x40e: {  	v5 =	vld [tilespmem:s16+$0xFFFFFFB0]  }
0x40f: {  	v7 =	vld [tilespmem:s16+$0x30]  }
0x410: {  	v8 =	vld [tilespmem:s0+$0xD0]  }
0x411: {  	v9 =	vld [tilespmem:s0+$0xFFFFFF30]  }
0x412: {  	v10 =	vld [tilespmem:s0+$0xFFFFFFB0]  }
0x413: {  	v11 =	vld [tilespmem:s0+$0x30]  }
0x414: {  	v12 =	vld [tilespmem:s1+$0xFFFFFF70]  }
0x415: {  	[tilespmem:v4+s26+$0x0] =	vst.idx.add.f32.msk $0xffff, v8  }
0x416: {  	v4 =	vld [tilespmem:s16+$0xE0]  }
0x417: {  	[tilespmem:v6+s26+$0x0] =	vst.idx.add.f32.msk $0xffff, v9  }
0x418: {  	[tilespmem:v5+s26+$0x0] =	vst.idx.add.f32.msk $0xffff, v10  }
0x419: {  	v5 =	vld [tilespmem:s0+$0xE0]  }
0x41a: {  	[tilespmem:v7+s26+$0x0] =	vst.idx.add.f32.msk $0xffff, v11  }
0x41b: {  	v6 =	vld [tilespmem:s16+$0xFFFFFF40]  }
0x41c: {  	v7 =	vld [tilespmem:s16+$0xFFFFFFC0]  }
0x41d: {  	v8 =	vld [tilespmem:s16+$0x40]  }
0x41e: {  	[tilespmem:v4+s26+$0x0] =	vst.idx.add.f32.msk $0xffff, v5  }
0x41f: {  	v4 =	vld [tilespmem:s16+$0xF0]  }
0x420: {  	v5 =	vld [tilespmem:s0+$0xFFFFFF40]  }
0x421: {  	v9 =	vld [tilespmem:s0+$0xFFFFFFC0]  }
0x422: {  	v10 =	vld [tilespmem:s0+$0xF0]  }
0x423: {  	v11 =	vld [tilespmem:s0+$0x40]  }
0x424: {  	v13 =	vld [tilespmem:s1+$0xFFFFFFF0]  }
0x425: {  	[tilespmem:v6+s26+$0x0] =	vst.idx.add.f32.msk $0xffff, v5  }
0x426: {  	[tilespmem:v7+s26+$0x0] =	vst.idx.add.f32.msk $0xffff, v9  }
0x427: {  	[tilespmem:v4+s26+$0x0] =	vst.idx.add.f32.msk $0xffff, v10  }
0x428: {  	[tilespmem:v8+s26+$0x0] =	vst.idx.add.f32.msk $0xffff, v11  }
0x429: {  	v4 =	vld [tilespmem:s16+$0xFFFFFF50]  }
0x42a: {  	v5 =	vld [tilespmem:s16+$0xFFFFFFD0]  }
0x42b: {  	v6 =	vld [tilespmem:s16+$0x50]  }
0x42c: {  	v7 =	vld [tilespmem:s0+$0xFFFFFF50]  }
0x42d: {  	v8 =	vld [tilespmem:s0+$0xFFFFFFD0]  }
0x42e: {  	v9 =	vld [tilespmem:s0+$0x50]  }
0x42f: {  	v10 =	vld [tilespmem:s1+$0x70];
	s1 =	smov.u32 s0  }
0x430: {  	[tilespmem:v1+s26+$0x0] =	vst.idx.add.f32.msk $0xffff, v12  }
0x431: {  	[tilespmem:v4+s26+$0x0] =	vst.idx.add.f32.msk $0xffff, v7  }
0x432: {  	[tilespmem:v5+s26+$0x0] =	vst.idx.add.f32.msk $0xffff, v8  }
0x433: {  	[tilespmem:v6+s26+$0x0] =	vst.idx.add.f32.msk $0xffff, v9  }
0x434: {  	v1 =	vld [tilespmem:s16+$0xFFFFFF60]  }
0x435: {  	v4 =	vld [tilespmem:s16+$0xFFFFFFE0]  }
0x436: {  	v5 =	vld [tilespmem:s16+$0x60]  }
0x437: {  	v6 =	vld [tilespmem:s0+$0xFFFFFF60]  }
0x438: {  	v7 =	vld [tilespmem:s0+$0xFFFFFFE0]  }
0x439: {  	v8 =	vld [tilespmem:s0+$0x60]  }
0x43a: {  	[tilespmem:v2+s26+$0x0] =	vst.idx.add.f32.msk $0xffff, v13  }
.Ltmp7:
0x43b: {  	[tilespmem:v3+s26+$0x0] =	vst.idx.add.f32.msk $0xffff, v10;
	(pc) =	sbr.rel @p1 .LBB2_12-.Ltmp7, $4  }
0x43c: {  	[tilespmem:v1+s26+$0x0] =	vst.idx.add.f32.msk $0xffff, v6  }
0x43d: {  	[tilespmem:v4+s26+$0x0] =	vst.idx.add.f32.msk $0xffff, v7  }
0x43e: {  	[tilespmem:v5+s26+$0x0] =	vst.idx.add.f32.msk $0xffff, v8  }
0x43f: {  	s16 =	sadd.s32 $0x200, s16;
	v1 =	vld [tilespmem:s31+$0xFFFFFF70]  }
0x440: {  	_ = 	snop  }
0x441: {  	v2 =	vld [tilespmem:s31+$0xFFFFFFF0]  }
0x442: {  	v3 =	vld [tilespmem:s31+$0x70]  }
0x443: {  	v4 =	vld [tilespmem:s1+$0xFFFFFF70]  }
0x444: {  	v5 =	vld [tilespmem:s1+$0xFFFFFFF0]  }
0x445: {  	v6 =	vld [tilespmem:s1+$0x70];
	_ =	sdelay $0x2  }
0x446: {  	[tilespmem:v1+s26+$0x0] =	vst.idx.add.f32.msk $0xffff, v4  }
0x447: {  	[tilespmem:v2+s26+$0x0] =	vst.idx.add.f32.msk $0xffff, v5  }
0x448: {  	[tilespmem:v3+s26+$0x0] =	vst.idx.add.f32.msk $0xffff, v6  }
0x449: {  	_ =	swait.ge [sflag:s28], $0x6800  }
0x44a: {  	[sflag:s28] =	ssyncset.done $0x0  }
0x44b: {  	[sflag:s28] =	ssyncadd.s32 $0xFFFF9800  }
0x44c: {  	_ =	swait.ge [sflag:s28], $0x6800  }
0x44d: {  	[sflag:s28] =	ssyncset.done $0x0  }
0x44e: {  	s31 =	simm.s32 $0x0;
	[sflag:s28] =	ssyncadd.s32 $0xFFFF9800  }
0x44f: {  	v1 =	vld [tilespmem:s31+$0x6980]  }
0x450: {  	v2 =	vld [tilespmem:s31+$0x6800]  }
0x451: {  	v3 =	vld [tilespmem:s31+$0x6880]  }
0x452: {  	v4 =	vld [tilespmem:s31+$0x13980]  }
0x453: {  	v5 =	vld [tilespmem:s31+$0x6900]  }
0x454: {  	v54 =	vld [tilespmem:s31+$0x13800];
	_ =	sdelay $0x1  }
0x455: {  	v7 =	vld [tilespmem:s31+$0x13880]  }
0x456: {  	v8 =	vld [tilespmem:s31+$0x13900]  }
0x457: {  	[tilespmem:v1+s26+$0x0] =	vst.idx.add.f32.msk $0xffff, v4  }
0x458: {  	[tilespmem:v2+s26+$0x0] =	vst.idx.add.f32.msk $0xffff, v54  }
0x459: {  	v1 =	vld [tilespmem:s31+$0x6990]  }
0x45a: {  	[tilespmem:v3+s26+$0x0] =	vst.idx.add.f32.msk $0xffff, v7  }
0x45b: {  	[tilespmem:v5+s26+$0x0] =	vst.idx.add.f32.msk $0xffff, v8  }
0x45c: {  	v2 =	vld [tilespmem:s31+$0x13990]  }
0x45d: {  	v4 =	vld [tilespmem:s31+$0x6890]  }
0x45e: {  	v5 =	vld [tilespmem:s31+$0x6910]  }
0x45f: {  	v55 =	vld [tilespmem:s31+$0x13890]  }
0x460: {  	v8 =	vld [tilespmem:s31+$0x13910]  }
0x461: {  	[tilespmem:v1+s26+$0x0] =	vst.idx.add.f32.msk $0xffff, v2  }
0x462: {  	v1 =	vld [tilespmem:s31+$0x69A0]  }
0x463: {  	v3 =	vld [tilespmem:s31+$0x6810]  }
0x464: {  	v2 =	vld [tilespmem:s31+$0x13810]  }
0x465: {  	v56 =	vld [tilespmem:s31+$0x139A0]  }
0x466: {  	[tilespmem:v4+s26+$0x0] =	vst.idx.add.f32.msk $0xffff, v55  }
0x467: {  	[tilespmem:v5+s26+$0x0] =	vst.idx.add.f32.msk $0xffff, v8  }
0x468: {  	v4 =	vld [tilespmem:s31+$0x68A0]  }
0x469: {  	v58 =	vld [tilespmem:s31+$0x138A0]  }
0x46a: {  	[tilespmem:v1+s26+$0x0] =	vst.idx.add.f32.msk $0xffff, v56  }
0x46b: {  	v1 =	vld [tilespmem:s31+$0x69B0]  }
0x46c: {  	[tilespmem:v3+s26+$0x0] =	vst.idx.add.f32.msk $0xffff, v2  }
0x46d: {  	v2 =	vld [tilespmem:s31+$0x6820]  }
0x46e: {  	v3 =	vld [tilespmem:s31+$0x139B0]  }
0x46f: {  	v5 =	vld [tilespmem:s31+$0x6920]  }
0x470: {  	v57 =	vld [tilespmem:s31+$0x13820]  }
0x471: {  	[tilespmem:v4+s26+$0x0] =	vst.idx.add.f32.msk $0xffff, v58  }
0x472: {  	v7 =	vld [tilespmem:s31+$0x138B0]  }
0x473: {  	[tilespmem:v1+s26+$0x0] =	vst.idx.add.f32.msk $0xffff, v3  }
0x474: {  	v3 =	vld [tilespmem:s31+$0x13920]  }
0x475: {  	v1 =	vld [tilespmem:s31+$0x69C0]  }
0x476: {  	[tilespmem:v2+s26+$0x0] =	vst.idx.add.f32.msk $0xffff, v57  }
0x477: {  	v4 =	vld [tilespmem:s31+$0x6830]  }
0x478: {  	v2 =	vld [tilespmem:s31+$0x139C0]  }
0x479: {  	[tilespmem:v5+s26+$0x0] =	vst.idx.add.f32.msk $0xffff, v3  }
0x47a: {  	v3 =	vld [tilespmem:s31+$0x68B0]  }
0x47b: {  	v5 =	vld [tilespmem:s31+$0x13830]  }
0x47c: {  	v8 =	vld [tilespmem:s31+$0x13930]  }
0x47d: {  	[tilespmem:v1+s26+$0x0] =	vst.idx.add.f32.msk $0xffff, v2  }
0x47e: {  	v2 =	vld [tilespmem:s31+$0x6930]  }
0x47f: {  	v1 =	vld [tilespmem:s31+$0x69D0]  }
0x480: {  	v59 =	vld [tilespmem:s31+$0x139D0]  }
0x481: {  	[tilespmem:v4+s26+$0x0] =	vst.idx.add.f32.msk $0xffff, v5  }
0x482: {  	v60 =	vld [tilespmem:s31+$0x13840]  }
0x483: {  	[tilespmem:v3+s26+$0x0] =	vst.idx.add.f32.msk $0xffff, v7  }
0x484: {  	v3 =	vld [tilespmem:s31+$0x6840]  }
0x485: {  	v4 =	vld [tilespmem:s31+$0x68C0]  }
0x486: {  	[tilespmem:v2+s26+$0x0] =	vst.idx.add.f32.msk $0xffff, v8  }
0x487: {  	[tilespmem:v1+s26+$0x0] =	vst.idx.add.f32.msk $0xffff, v59  }
0x488: {  	v5 =	vld [tilespmem:s31+$0x6940]  }
0x489: {  	v1 =	vld [tilespmem:s31+$0x69E0]  }
0x48a: {  	v7 =	vld [tilespmem:s31+$0x138C0]  }
0x48b: {  	v8 =	vld [tilespmem:s31+$0x13940]  }
0x48c: {  	v2 =	vld [tilespmem:s31+$0x139E0];
	_ =	sdelay $0x1  }
0x48d: {  	[tilespmem:v3+s26+$0x0] =	vst.idx.add.f32.msk $0xffff, v60  }
0x48e: {  	[tilespmem:v4+s26+$0x0] =	vst.idx.add.f32.msk $0xffff, v7  }
0x48f: {  	[tilespmem:v5+s26+$0x0] =	vst.idx.add.f32.msk $0xffff, v8  }
0x490: {  	[tilespmem:v1+s26+$0x0] =	vst.idx.add.f32.msk $0xffff, v2  }
0x491: {  	v1 =	vld [tilespmem:s31+$0x6850]  }
0x492: {  	v2 =	vld [tilespmem:s31+$0x68D0]  }
0x493: {  	v3 =	vld [tilespmem:s31+$0x6950]  }
0x494: {  	v4 =	vld [tilespmem:s31+$0x13850]  }
0x495: {  	v5 =	vld [tilespmem:s31+$0x138D0]  }
0x496: {  	v61 =	vld [tilespmem:s31+$0x13950]  }
0x497: {  	v62 =	vld [tilespmem:s31+$0x69F0]  }
0x498: {  	v63 =	vld [tilespmem:s31+$0x139F0]  }
0x499: {  	[tilespmem:v1+s26+$0x0] =	vst.idx.add.f32.msk $0xffff, v4  }
0x49a: {  	[tilespmem:v2+s26+$0x0] =	vst.idx.add.f32.msk $0xffff, v5  }
0x49b: {  	[tilespmem:v3+s26+$0x0] =	vst.idx.add.f32.msk $0xffff, v61  }
0x49c: {  	v1 =	vld [tilespmem:s31+$0x6860]  }
0x49d: {  	v2 =	vld [tilespmem:s31+$0x68E0]  }
0x49e: {  	v3 =	vld [tilespmem:s31+$0x6960]  }
0x49f: {  	v4 =	vld [tilespmem:s31+$0x13860]  }
0x4a0: {  	v5 =	vld [tilespmem:s31+$0x138E0]  }
0x4a1: {  	v6 =	vld [tilespmem:s31+$0x13960];
	_ =	sdelay $0x1  }
0x4a2: {  	[tilespmem:v62+s26+$0x0] =	vst.idx.add.f32.msk $0xffff, v63  }
0x4a3: {  	[tilespmem:v1+s26+$0x0] =	vst.idx.add.f32.msk $0xffff, v4  }
0x4a4: {  	[tilespmem:v2+s26+$0x0] =	vst.idx.add.f32.msk $0xffff, v5  }
0x4a5: {  	[tilespmem:v3+s26+$0x0] =	vst.idx.add.f32.msk $0xffff, v6  }
0x4a6: {  	v3 =	vld [tilespmem:s31+$0x6870]  }
0x4a7: {  	s0 =	simm.s32 $0x0;
	s1 =	simm.s32 $0x800;
	v1 =	vld [tilespmem:s31+$0x68F0]  }
.LBB2_14:
0x4a8: {  	s15 =	sshra.s32 s1, $0x2;
	s0 =	sadd.s32 $0x4, s0;
	v2 =	vld [tilespmem:s31+$0x6970]  }
0x4a9: {  	v4 =	vld [tilespmem:s15+$0x6980];
	p1 =	slt.u32 s0, $0xCC  }
0x4aa: {  	v5 =	vld [tilespmem:s15+$0x6800]  }
0x4ab: {  	v6 =	vld [tilespmem:s15+$0x6880]  }
0x4ac: {  	v7 =	vld [tilespmem:s15+$0x13980]  }
0x4ad: {  	v8 =	vld [tilespmem:s15+$0x6900]  }
0x4ae: {  	v9 =	vld [tilespmem:s15+$0x13800]  }
0x4af: {  	v10 =	vld [tilespmem:s15+$0x13880]  }
0x4b0: {  	v11 =	vld [tilespmem:s15+$0x13900]  }
0x4b1: {  	[tilespmem:v4+s26+$0x0] =	vst.idx.add.f32.msk $0xffff, v7  }
0x4b2: {  	v4 =	vld [tilespmem:s15+$0x6990]  }
0x4b3: {  	[tilespmem:v5+s26+$0x0] =	vst.idx.add.f32.msk $0xffff, v9  }
0x4b4: {  	[tilespmem:v6+s26+$0x0] =	vst.idx.add.f32.msk $0xffff, v10  }
0x4b5: {  	v5 =	vld [tilespmem:s15+$0x13990]  }
0x4b6: {  	[tilespmem:v8+s26+$0x0] =	vst.idx.add.f32.msk $0xffff, v11  }
0x4b7: {  	v6 =	vld [tilespmem:s15+$0x6810]  }
0x4b8: {  	v7 =	vld [tilespmem:s15+$0x6890]  }
0x4b9: {  	v8 =	vld [tilespmem:s15+$0x6910]  }
0x4ba: {  	[tilespmem:v4+s26+$0x0] =	vst.idx.add.f32.msk $0xffff, v5  }
0x4bb: {  	v4 =	vld [tilespmem:s15+$0x69A0]  }
0x4bc: {  	v5 =	vld [tilespmem:s15+$0x13810]  }
0x4bd: {  	v9 =	vld [tilespmem:s15+$0x13890]  }
0x4be: {  	v10 =	vld [tilespmem:s15+$0x139A0]  }
0x4bf: {  	v11 =	vld [tilespmem:s15+$0x13910]  }
0x4c0: {  	v12 =	vld [tilespmem:s31+$0x13870]  }
0x4c1: {  	[tilespmem:v6+s26+$0x0] =	vst.idx.add.f32.msk $0xffff, v5  }
0x4c2: {  	[tilespmem:v7+s26+$0x0] =	vst.idx.add.f32.msk $0xffff, v9  }
0x4c3: {  	[tilespmem:v4+s26+$0x0] =	vst.idx.add.f32.msk $0xffff, v10  }
0x4c4: {  	v4 =	vld [tilespmem:s15+$0x69B0]  }
0x4c5: {  	[tilespmem:v8+s26+$0x0] =	vst.idx.add.f32.msk $0xffff, v11  }
0x4c6: {  	v5 =	vld [tilespmem:s15+$0x6820]  }
0x4c7: {  	v6 =	vld [tilespmem:s15+$0x139B0]  }
0x4c8: {  	v7 =	vld [tilespmem:s15+$0x68A0]  }
0x4c9: {  	v8 =	vld [tilespmem:s15+$0x6920]  }
0x4ca: {  	v9 =	vld [tilespmem:s15+$0x13820]  }
0x4cb: {  	v10 =	vld [tilespmem:s15+$0x138A0]  }
0x4cc: {  	[tilespmem:v4+s26+$0x0] =	vst.idx.add.f32.msk $0xffff, v6  }
0x4cd: {  	v4 =	vld [tilespmem:s15+$0x69C0]  }
0x4ce: {  	v6 =	vld [tilespmem:s15+$0x13920]  }
0x4cf: {  	[tilespmem:v5+s26+$0x0] =	vst.idx.add.f32.msk $0xffff, v9  }
0x4d0: {  	v5 =	vld [tilespmem:s15+$0x139C0]  }
0x4d1: {  	[tilespmem:v7+s26+$0x0] =	vst.idx.add.f32.msk $0xffff, v10  }
0x4d2: {  	v7 =	vld [tilespmem:s15+$0x6830]  }
0x4d3: {  	[tilespmem:v8+s26+$0x0] =	vst.idx.add.f32.msk $0xffff, v6  }
0x4d4: {  	v6 =	vld [tilespmem:s15+$0x68B0]  }
0x4d5: {  	[tilespmem:v4+s26+$0x0] =	vst.idx.add.f32.msk $0xffff, v5  }
0x4d6: {  	v4 =	vld [tilespmem:s15+$0x69D0]  }
0x4d7: {  	v5 =	vld [tilespmem:s15+$0x6930]  }
0x4d8: {  	v8 =	vld [tilespmem:s15+$0x13830]  }
0x4d9: {  	v9 =	vld [tilespmem:s15+$0x139D0]  }
0x4da: {  	v10 =	vld [tilespmem:s15+$0x138B0]  }
0x4db: {  	v11 =	vld [tilespmem:s15+$0x13930]  }
0x4dc: {  	v13 =	vld [tilespmem:s31+$0x138F0]  }
0x4dd: {  	[tilespmem:v7+s26+$0x0] =	vst.idx.add.f32.msk $0xffff, v8  }
0x4de: {  	[tilespmem:v4+s26+$0x0] =	vst.idx.add.f32.msk $0xffff, v9  }
0x4df: {  	v4 =	vld [tilespmem:s15+$0x69E0]  }
0x4e0: {  	[tilespmem:v6+s26+$0x0] =	vst.idx.add.f32.msk $0xffff, v10  }
0x4e1: {  	[tilespmem:v5+s26+$0x0] =	vst.idx.add.f32.msk $0xffff, v11  }
0x4e2: {  	v5 =	vld [tilespmem:s15+$0x139E0]  }
0x4e3: {  	v6 =	vld [tilespmem:s15+$0x6840]  }
0x4e4: {  	v7 =	vld [tilespmem:s15+$0x68C0]  }
0x4e5: {  	v8 =	vld [tilespmem:s15+$0x6940]  }
0x4e6: {  	v9 =	vld [tilespmem:s15+$0x13840]  }
0x4e7: {  	[tilespmem:v4+s26+$0x0] =	vst.idx.add.f32.msk $0xffff, v5  }
0x4e8: {  	v4 =	vld [tilespmem:s15+$0x69F0]  }
0x4e9: {  	v5 =	vld [tilespmem:s15+$0x138C0]  }
0x4ea: {  	v10 =	vld [tilespmem:s15+$0x13940]  }
0x4eb: {  	v11 =	vld [tilespmem:s15+$0x139F0]  }
0x4ec: {  	[tilespmem:v6+s26+$0x0] =	vst.idx.add.f32.msk $0xffff, v9  }
0x4ed: {  	v6 =	vld [tilespmem:s15+$0x6850]  }
0x4ee: {  	[tilespmem:v7+s26+$0x0] =	vst.idx.add.f32.msk $0xffff, v5  }
0x4ef: {  	[tilespmem:v8+s26+$0x0] =	vst.idx.add.f32.msk $0xffff, v10  }
0x4f0: {  	[tilespmem:v4+s26+$0x0] =	vst.idx.add.f32.msk $0xffff, v11  }
0x4f1: {  	v4 =	vld [tilespmem:s15+$0x68D0]  }
0x4f2: {  	v5 =	vld [tilespmem:s15+$0x6950]  }
0x4f3: {  	v7 =	vld [tilespmem:s15+$0x13850]  }
0x4f4: {  	v8 =	vld [tilespmem:s15+$0x138D0]  }
0x4f5: {  	v9 =	vld [tilespmem:s15+$0x13950]  }
0x4f6: {  	v10 =	vld [tilespmem:s31+$0x13970];
	s31 =	smov.u32 s15  }
0x4f7: {  	[tilespmem:v3+s26+$0x0] =	vst.idx.add.f32.msk $0xffff, v12  }
0x4f8: {  	[tilespmem:v6+s26+$0x0] =	vst.idx.add.f32.msk $0xffff, v7  }
0x4f9: {  	[tilespmem:v4+s26+$0x0] =	vst.idx.add.f32.msk $0xffff, v8  }
0x4fa: {  	[tilespmem:v5+s26+$0x0] =	vst.idx.add.f32.msk $0xffff, v9  }
0x4fb: {  	v3 =	vld [tilespmem:s31+$0x6860]  }
0x4fc: {  	v4 =	vld [tilespmem:s31+$0x68E0]  }
0x4fd: {  	v5 =	vld [tilespmem:s31+$0x6960]  }
0x4fe: {  	v6 =	vld [tilespmem:s31+$0x13860]  }
0x4ff: {  	v7 =	vld [tilespmem:s31+$0x138E0]  }
0x500: {  	v8 =	vld [tilespmem:s31+$0x13960]  }
0x501: {  	[tilespmem:v1+s26+$0x0] =	vst.idx.add.f32.msk $0xffff, v13  }
0x502: {  	[tilespmem:v2+s26+$0x0] =	vst.idx.add.f32.msk $0xffff, v10  }
.Ltmp8:
0x503: {  	[tilespmem:v3+s26+$0x0] =	vst.idx.add.f32.msk $0xffff, v6;
	(pc) =	sbr.rel @p1 .LBB2_14-.Ltmp8, $4  }
0x504: {  	[tilespmem:v4+s26+$0x0] =	vst.idx.add.f32.msk $0xffff, v7  }
0x505: {  	[tilespmem:v5+s26+$0x0] =	vst.idx.add.f32.msk $0xffff, v8  }
0x506: {  	v3 =	vld [tilespmem:s31+$0x6870]  }
0x507: {  	s1 =	sadd.s32 $0x800, s1;
	v1 =	vld [tilespmem:s31+$0x68F0]  }
0x508: {  	_ = 	snop  }
0x509: {  	v2 =	vld [tilespmem:s31+$0x6970]  }
0x50a: {  	v4 =	vld [tilespmem:s31+$0x13870]  }
0x50b: {  	v5 =	vld [tilespmem:s31+$0x138F0]  }
0x50c: {  	v6 =	vld [tilespmem:s31+$0x13970]  }
.Ltmp9:
0x50d: {  	_ = 	snop;
	(pc) =	sbr.rel @p0 .LBB2_19-.Ltmp9, $4  }
0x50e: {  	_ = 	snop  }
0x50f: {  	[tilespmem:v3+s26+$0x0] =	vst.idx.add.f32.msk $0xffff, v4  }
0x510: {  	[tilespmem:v1+s26+$0x0] =	vst.idx.add.f32.msk $0xffff, v5  }
0x511: {  	[tilespmem:v2+s26+$0x0] =	vst.idx.add.f32.msk $0xffff, v6  }
0x512: {  	s0 =	simm.s32 $0x0;
	s1 =	rddreg [dreg:$0x4]  }
0x513: {  	[tilespmem:s0], [sflag:$0x1] =	stream.strided.gather [hbm4b:s1+s19], $0x200, s20, s19, $0x38;
	[tilespmem:$0x1C800] =	vst v63  }
0x514: {  	s31 =	rddreg [dreg:$0x5]  }
0x515: {  	[tilespmem:s22], [sflag:$0x1] =	stream.strided.gather [hbm4b:s31+s19], $0x200, s21, s19, $0x38;
	[tilespmem:$0x1C800] =	vst v63  }
0x516: {  	_ =	swait.ge [sflag:s25], $0x200  }
0x517: {  	[sflag:s25] =	ssyncset.done $0x0  }
0x518: {  	[sflag:s25] =	ssyncadd.s32 $0xFFFFFE00  }
0x519: {  	_ =	swait.ge [sflag:s25], $0x200  }
0x51a: {  	[sflag:s25] =	ssyncset.done $0x0  }
0x51b: {  	s0 =	simm.s32 $0x0;
	[sflag:s25] =	ssyncadd.s32 $0xFFFFFE00  }
0x51c: {  	v1 =	vld [tilespmem:s0+$0x0];
	_ =	sdelay $0x2  }
0x51d: {  	v2 =	vld [tilespmem:s0+$0xD000];
	_ =	sdelay $0x4  }
0x51e: {  	[tilespmem:v1+s26+$0x0] =	vst.idx.add.f32.msk $0xffff, v2  }
0x51f: {  	v1 =	vld [tilespmem:s0+$0x10];
	_ =	sdelay $0x2  }
0x520: {  	v2 =	vld [tilespmem:s0+$0xD010];
	_ =	sdelay $0x4  }
0x521: {  	[tilespmem:v1+s26+$0x0] =	vst.idx.add.f32.msk $0xffff, v2  }
0x522: {  	v1 =	vld [tilespmem:s0+$0x20];
	_ =	sdelay $0x2  }
0x523: {  	v2 =	vld [tilespmem:s0+$0xD020];
	_ =	sdelay $0x2  }
0x524: {  	s1 =	simm.s32 $0x80  }
0x525: {  	v3 =	vld [tilespmem:s1+$0x0]  }
0x526: {  	[tilespmem:v1+s26+$0x0] =	vst.idx.add.f32.msk $0xffff, v2  }
0x527: {  	v1 =	vld [tilespmem:s0+$0x30]  }
0x528: {  	v4 =	vld [tilespmem:s1+$0xD000];
	_ =	sdelay $0x1  }
0x529: {  	v2 =	vld [tilespmem:s0+$0xD030];
	_ =	sdelay $0x2  }
0x52a: {  	[tilespmem:v3+s26+$0x0] =	vst.idx.add.f32.msk $0xffff, v4  }
0x52b: {  	v3 =	vld [tilespmem:s1+$0x10]  }
0x52c: {  	[tilespmem:v1+s26+$0x0] =	vst.idx.add.f32.msk $0xffff, v2  }
0x52d: {  	v1 =	vld [tilespmem:s0+$0x40]  }
0x52e: {  	v4 =	vld [tilespmem:s1+$0xD010];
	_ =	sdelay $0x1  }
0x52f: {  	v5 =	vld [tilespmem:s0+$0xD040];
	_ =	sdelay $0x2  }
0x530: {  	[tilespmem:v3+s26+$0x0] =	vst.idx.add.f32.msk $0xffff, v4  }
0x531: {  	v2 =	vld [tilespmem:s1+$0x20]  }
0x532: {  	[tilespmem:v1+s26+$0x0] =	vst.idx.add.f32.msk $0xffff, v5  }
0x533: {  	v1 =	vld [tilespmem:s0+$0x50]  }
0x534: {  	s15 =	simm.s32 $0x400;
	v3 =	vld [tilespmem:s1+$0xD020]  }
.LBB2_17:
0x535: {  	s16 =	sshra.s32 s15, $0x2;
	p1 =	sne.s32 s15, $0x600;
	s15 =	sadd.s32 $0x200, s15;
	v4 =	vld [tilespmem:s0+$0xD050]  }
0x536: {  	_ = 	snop  }
0x537: {  	v5 =	vld [tilespmem:s16+$0x0]  }
0x538: {  	v6 =	vld [tilespmem:s16+$0xD000]  }
0x539: {  	[tilespmem:v2+s26+$0x0] =	vst.idx.add.f32.msk $0xffff, v3  }
0x53a: {  	v2 =	vld [tilespmem:s1+$0x30]  }
0x53b: {  	[tilespmem:v1+s26+$0x0] =	vst.idx.add.f32.msk $0xffff, v4  }
0x53c: {  	v1 =	vld [tilespmem:s0+$0x60]  }
0x53d: {  	v3 =	vld [tilespmem:s1+$0xD030]  }
0x53e: {  	v4 =	vld [tilespmem:s0+$0xD060]  }
0x53f: {  	[tilespmem:v5+s26+$0x0] =	vst.idx.add.f32.msk $0xffff, v6  }
0x540: {  	v5 =	vld [tilespmem:s16+$0x10]  }
0x541: {  	v6 =	vld [tilespmem:s16+$0xD010]  }
0x542: {  	[tilespmem:v2+s26+$0x0] =	vst.idx.add.f32.msk $0xffff, v3  }
0x543: {  	v7 =	vld [tilespmem:s1+$0x40]  }
0x544: {  	[tilespmem:v1+s26+$0x0] =	vst.idx.add.f32.msk $0xffff, v4  }
0x545: {  	v4 =	vld [tilespmem:s0+$0x70]  }
0x546: {  	v1 =	vld [tilespmem:s1+$0xD040]  }
0x547: {  	v8 =	vld [tilespmem:s0+$0xD070];
	s0 =	smov.u32 s1;
	s1 =	smov.u32 s16  }
0x548: {  	[tilespmem:v5+s26+$0x0] =	vst.idx.add.f32.msk $0xffff, v6  }
.Ltmp10:
0x549: {  	v2 =	vld [tilespmem:s1+$0x20];
	(pc) =	sbr.rel @p1 .LBB2_17-.Ltmp10, $4  }
0x54a: {  	v3 =	vld [tilespmem:s1+$0xD020]  }
0x54b: {  	[tilespmem:v7+s26+$0x0] =	vst.idx.add.f32.msk $0xffff, v1  }
0x54c: {  	v1 =	vld [tilespmem:s0+$0x50]  }
0x54d: {  	[tilespmem:v4+s26+$0x0] =	vst.idx.add.f32.msk $0xffff, v8  }
.Ltmp11:
0x54e: {  	_ = 	snop;
	(pc) =	sbr.rel .LBB2_18-.Ltmp11, $1  }
0x54f: {  	_ =	sdelay $0x3  }
.LBB2_20:
0x550: {  	_ =	sfence.sel $0x180000  }
0x551: {  	[bflag:$0x0] =	sbarrier.arrive $0xFFFF  }
0x552: {  	_ =	strace $0x90000047  }
0x553: {  	s0 =	stileid.u32;
	[bflag:$0x2] =	sbarrier.arrive $0xFFFF  }
0x554: {  	p0 =	sne.s32 s0, $0x0;
	s0 =	rddreg [dreg:$0x3]  }
0x555: {  	s0 =	sadd.s32 @!p0 $0x100000, s0  }
0x556: {  	[sflag:s0] =	ssyncadd.tile.s32 @!p0 $0x1;
	_ =	shalt  }
.Lfunc_end2:
_tile_overlayer_lowered:
.L_overlay_start_2:
0x557: {  	(tag) =	ssettag $0x2  }
0x558: {  	s0 =	rddreg [dreg:$0x0];
	s2 =	stileid.u32  }
0x559: {  	s1 =	rddreg [dreg:$0x1];
	p0 =	sne.s32 s2, $0x0  }
0x55a: {  	s3 =	rddreg [dreg:$0x2];
	[bflag:$0x3] =	sbarrier.arrive $0xFFFF;
	s2 =	simm.s32 @!p0 $0x1C03  }
0x55b: {  	[timem:s3], [sflag:s2] =	dma.local @!p0 [hbm:s0], s1  }
0x55c: {  	s0 =	simm.s32 @!p0 $0x3  }
0x55d: {  	_ =	swait.ge @!p0 [sflag:s0], s1  }
0x55e: {  	s1 =	ssub.s32 @!p0 $0x0, s1;
	[sflag:s0] =	ssyncset.done @!p0 $0x0  }
0x55f: {  	[sflag:s0] =	ssyncadd.s32 @!p0 s1  }
0x560: {  	[bflag:$0x3] =	sbarrier.arrive $0xFFFF  }
0x561: {  	_ =	shalt  }

</sc_bundles>
